<compile_context>
chip_gen: v7x
topology: tpu7x:2x2x1
jax: 0.10.2.dev20260603
libtpu: 0.0.44.dev20260713+nightly
codegen_flags: <defaults>
</compile_context>

<pallas_src>
import functools
import jax
import jax.numpy as jnp
from jax import lax
from jax.experimental import pallas as pl
from jax.experimental.pallas import tpu as pltpu
from jax.experimental.pallas import tpu_sc as plsc

N = 10000
E = 320000
D = 64
NC = 2
NS = 16
NW = NC * NS
CH = 128
EROWS = E // CH
CHB = EROWS // NW
CHX = EROWS - CHB * NW
IDXR = CHB + 1
ACC_N = 10112
ROWS_PER_SUB = ACC_N // NS
DEG_W = 16
BLK = 2000
GRID = N // BLK

_mesh = plsc.VectorSubcoreMesh(core_axis_name="c", subcore_axis_name="s")



def _sc_deg_body(e_hbm, ones_hbm, zero_hbm, out_hbm, didx, ones_v, acc, sem):
    c = lax.axis_index("c")
    s = lax.axis_index("s")
    w = s * NC + c
    base = CHB * w + jnp.minimum(w, CHX)
    nch = CHB + (w < CHX).astype(jnp.int32)
    r0 = s * ROWS_PER_SUB
    pltpu.async_copy(zero_hbm.at[pl.ds(r0, ROWS_PER_SUB)],
                     acc.at[pl.ds(r0, ROWS_PER_SUB)], sem)
    pltpu.async_copy(e_hbm.at[1, pl.ds(base, CHB)], didx.at[pl.ds(0, CHB)],
                     sem)

    @pl.when(w < CHX)
    def _():
        pltpu.sync_copy(e_hbm.at[1, pl.ds(base + CHB, 1)],
                        didx.at[pl.ds(CHB, 1)])

    pltpu.async_copy(ones_hbm, ones_v, sem)
    pltpu.make_async_copy(zero_hbm.at[pl.ds(r0, ROWS_PER_SUB)],
                          acc.at[pl.ds(r0, ROWS_PER_SUB)], sem).wait()
    pltpu.make_async_copy(e_hbm.at[1, pl.ds(base, CHB)],
                          didx.at[pl.ds(0, CHB)], sem).wait()
    pltpu.make_async_copy(ones_hbm, ones_v, sem).wait()
    plsc.subcore_barrier()

    def body(j, carry):
        @pl.when(j >= 16)
        def _():
            pltpu.make_async_copy(ones_v, acc.at[didx.at[0]], sem).wait()

        pltpu.async_copy(ones_v, acc.at[didx.at[j]], sem, add=True)
        return carry

    lax.fori_loop(0, nch, body, 0)

    def drain(j, carry):
        pltpu.make_async_copy(ones_v, acc.at[didx.at[0]], sem).wait()
        return carry

    lax.fori_loop(0, 16, drain, 0)
    plsc.subcore_barrier()
    pltpu.sync_copy(acc.at[pl.ds(r0, ROWS_PER_SUB)],
                    out_hbm.at[c, pl.ds(r0, ROWS_PER_SUB)])


_sc_deg = pl.kernel(
    _sc_deg_body,
    out_type=jax.ShapeDtypeStruct((NC, ACC_N, DEG_W), jnp.float32),
    mesh=_mesh,
    compiler_params=pltpu.CompilerParams(use_tc_tiling_on_sc=False),
    scratch_types=[
        pltpu.VMEM((IDXR, CH), jnp.int32),
        pltpu.VMEM((CH, DEG_W), jnp.float32),
        pltpu.VMEM_SHARED((ACC_N, DEG_W), jnp.float32),
        pltpu.SemaphoreType.DMA,
    ],
)



NBUF = 3
LOOKAHEAD = 2


def _sc_conv_body(hs_hbm, e_hbm, zero_hbm, out_hbm,
                  sidx, didx, rows, hs_sp, acc, gsem, ssem):
    c = lax.axis_index("c")
    s = lax.axis_index("s")
    w = s * NC + c
    base = CHB * w + jnp.minimum(w, CHX)
    nch = CHB + (w < CHX).astype(jnp.int32)
    r0 = s * ROWS_PER_SUB
    pltpu.async_copy(zero_hbm.at[pl.ds(r0, ROWS_PER_SUB)],
                     acc.at[pl.ds(r0, ROWS_PER_SUB)], gsem.at[0])

    @pl.when(s < 10)
    def _():
        pltpu.async_copy(hs_hbm.at[pl.ds(s * 1000, 1000)],
                         hs_sp.at[pl.ds(s * 1000, 1000)], gsem.at[1])

    pltpu.async_copy(e_hbm.at[0, pl.ds(base, CHB)], sidx.at[pl.ds(0, CHB)],
                     ssem.at[0])
    pltpu.async_copy(e_hbm.at[1, pl.ds(base, CHB)], didx.at[pl.ds(0, CHB)],
                     ssem.at[1])

    @pl.when(w < CHX)
    def _():
        pltpu.sync_copy(e_hbm.at[0, pl.ds(base + CHB, 1)],
                        sidx.at[pl.ds(CHB, 1)])
        pltpu.sync_copy(e_hbm.at[1, pl.ds(base + CHB, 1)],
                        didx.at[pl.ds(CHB, 1)])

    pltpu.make_async_copy(zero_hbm.at[pl.ds(r0, ROWS_PER_SUB)],
                          acc.at[pl.ds(r0, ROWS_PER_SUB)], gsem.at[0]).wait()

    @pl.when(s < 10)
    def _():
        pltpu.make_async_copy(hs_hbm.at[pl.ds(s * 1000, 1000)],
                              hs_sp.at[pl.ds(s * 1000, 1000)],
                              gsem.at[1]).wait()

    pltpu.make_async_copy(e_hbm.at[0, pl.ds(base, CHB)],
                          sidx.at[pl.ds(0, CHB)], ssem.at[0]).wait()
    pltpu.make_async_copy(e_hbm.at[1, pl.ds(base, CHB)],
                          didx.at[pl.ds(0, CHB)], ssem.at[1]).wait()
    plsc.subcore_barrier()

    def body(j, carry):
        b = lax.rem(j, NBUF)

        @pl.when(jnp.logical_and(j >= NBUF, j < nch))
        def _():
            pltpu.make_async_copy(rows.at[b], acc.at[didx.at[j]],
                                  ssem.at[b]).wait()

        @pl.when(j < nch)
        def _():
            pltpu.async_copy(hs_sp.at[sidx.at[j]], rows.at[b], gsem.at[b])

        jk = j - LOOKAHEAD

        @pl.when(jk >= 0)
        def _():
            bk = lax.rem(jk, NBUF)
            pltpu.make_async_copy(hs_sp.at[sidx.at[jk]], rows.at[bk],
                                  gsem.at[bk]).wait()
            pltpu.async_copy(rows.at[bk], acc.at[didx.at[jk]], ssem.at[bk],
                             add=True)

        return carry

    lax.fori_loop(0, nch + LOOKAHEAD, body, 0)

    def drain(b, carry):
        pltpu.make_async_copy(rows.at[b], acc.at[didx.at[0]],
                              ssem.at[b]).wait()
        return carry

    lax.fori_loop(0, NBUF, drain, 0)
    plsc.subcore_barrier()
    pltpu.sync_copy(acc.at[pl.ds(r0, ROWS_PER_SUB)],
                    out_hbm.at[c, pl.ds(r0, ROWS_PER_SUB)])


_sc_conv = pl.kernel(
    _sc_conv_body,
    out_type=jax.ShapeDtypeStruct((NC, ACC_N, D), jnp.float32),
    mesh=_mesh,
    compiler_params=pltpu.CompilerParams(use_tc_tiling_on_sc=False),
    scratch_types=[
        pltpu.VMEM((IDXR, CH), jnp.int32),
        pltpu.VMEM((IDXR, CH), jnp.int32),
        pltpu.VMEM((NBUF, CH, D), jnp.float32),
        pltpu.VMEM_SHARED((N, D), jnp.float32),
        pltpu.VMEM_SHARED((ACC_N, D), jnp.float32),
        pltpu.SemaphoreType.DMA((NBUF,)),
        pltpu.SemaphoreType.DMA((NBUF,)),
    ],
)



def _tc_a_body(x_ref, w0_ref, deg_ref, hs0_ref, dinv_ref):
    deg = deg_ref[0, :, 0:1] + deg_ref[1, :, 0:1] + 1.0
    dinv = lax.rsqrt(deg)
    h0 = jnp.dot(x_ref[...], w0_ref[...], preferred_element_type=jnp.float32)
    hs0_ref[...] = h0 * dinv
    dinv_ref[...] = dinv


def _tc_a(x, w0, degparts):
    return pl.pallas_call(
        _tc_a_body,
        grid=(GRID,),
        in_specs=[
            pl.BlockSpec((BLK, 128), lambda i: (i, 0)),
            pl.BlockSpec((128, D), lambda i: (0, 0)),
            pl.BlockSpec((NC, BLK, DEG_W), lambda i: (0, i, 0)),
        ],
        out_specs=[
            pl.BlockSpec((BLK, D), lambda i: (i, 0)),
            pl.BlockSpec((BLK, 1), lambda i: (i, 0)),
        ],
        out_shape=[
            jax.ShapeDtypeStruct((N, D), jnp.float32),
            jax.ShapeDtypeStruct((N, 1), jnp.float32),
        ],
    )(x, w0, degparts)


def _tc_b_body(acc_ref, hs_ref, dinv_ref, b_ref, mw0_ref, mb0_ref,
               mw1_ref, mb1_ref, wn_ref, hsn_ref, sum_ref):
    i = pl.program_id(0)
    dinv = dinv_ref[...]
    g = dinv * (acc_ref[0] + acc_ref[1] + hs_ref[...]) + b_ref[...]
    t = jnp.maximum(
        jnp.dot(g, mw0_ref[...], preferred_element_type=jnp.float32)
        + mb0_ref[...], 0.0)
    h = jnp.dot(t, mw1_ref[...], preferred_element_type=jnp.float32) + mb1_ref[...]
    hsn_ref[...] = jnp.dot(h, wn_ref[...], preferred_element_type=jnp.float32) * dinv

    @pl.when(i == 0)
    def _():
        sum_ref[...] = jnp.zeros_like(sum_ref)

    sum_ref[...] += jnp.sum(h, axis=0, keepdims=True)


def _tc_b(accparts, hs, dinv, b, mw0, mb0, mw1, mb1, wn):
    return pl.pallas_call(
        _tc_b_body,
        grid=(GRID,),
        in_specs=[
            pl.BlockSpec((NC, BLK, D), lambda i: (0, i, 0)),
            pl.BlockSpec((BLK, D), lambda i: (i, 0)),
            pl.BlockSpec((BLK, 1), lambda i: (i, 0)),
            pl.BlockSpec((1, D), lambda i: (0, 0)),
            pl.BlockSpec((D, 8), lambda i: (0, 0)),
            pl.BlockSpec((1, 8), lambda i: (0, 0)),
            pl.BlockSpec((8, D), lambda i: (0, 0)),
            pl.BlockSpec((1, D), lambda i: (0, 0)),
            pl.BlockSpec((D, D), lambda i: (0, 0)),
        ],
        out_specs=[
            pl.BlockSpec((BLK, D), lambda i: (i, 0)),
            pl.BlockSpec((1, D), lambda i: (0, 0)),
        ],
        out_shape=[
            jax.ShapeDtypeStruct((N, D), jnp.float32),
            jax.ShapeDtypeStruct((1, D), jnp.float32),
        ],
    )(accparts, hs, dinv, b, mw0, mb0, mw1, mb1, wn)


def _tc_c_body(acc_ref, hs_ref, dinv_ref, b_ref, mw0_ref, mb0_ref,
               mw1_ref, mb1_ref, s1_ref, w1t_ref, w2t_ref, bt_ref,
               out_ref, sum_ref):
    i = pl.program_id(0)
    dinv = dinv_ref[...]
    g = dinv * (acc_ref[0] + acc_ref[1] + hs_ref[...]) + b_ref[...]
    t = jnp.maximum(
        jnp.dot(g, mw0_ref[...], preferred_element_type=jnp.float32)
        + mb0_ref[...], 0.0)
    h = jnp.dot(t, mw1_ref[...], preferred_element_type=jnp.float32) + mb1_ref[...]

    @pl.when(i == 0)
    def _():
        sum_ref[...] = jnp.zeros_like(sum_ref)

    sum_ref[...] += jnp.sum(h, axis=0, keepdims=True)

    @pl.when(i == GRID - 1)
    def _():
        logits = (
            jnp.dot(s1_ref[...], w1t_ref[...], preferred_element_type=jnp.float32)
            + jnp.dot(sum_ref[...], w2t_ref[...], preferred_element_type=jnp.float32)
            + bt_ref[...])
        out_ref[...] = jax.nn.sigmoid(logits)


def _tc_c(accparts, hs, dinv, b, mw0, mb0, mw1, mb1, s1, w1t, w2t, bt):
    return pl.pallas_call(
        _tc_c_body,
        grid=(GRID,),
        in_specs=[
            pl.BlockSpec((NC, BLK, D), lambda i: (0, i, 0)),
            pl.BlockSpec((BLK, D), lambda i: (i, 0)),
            pl.BlockSpec((BLK, 1), lambda i: (i, 0)),
            pl.BlockSpec((1, D), lambda i: (0, 0)),
            pl.BlockSpec((D, 8), lambda i: (0, 0)),
            pl.BlockSpec((1, 8), lambda i: (0, 0)),
            pl.BlockSpec((8, D), lambda i: (0, 0)),
            pl.BlockSpec((1, D), lambda i: (0, 0)),
            pl.BlockSpec((1, D), lambda i: (0, 0)),
            pl.BlockSpec((D, 2), lambda i: (0, 0)),
            pl.BlockSpec((D, 2), lambda i: (0, 0)),
            pl.BlockSpec((1, 2), lambda i: (0, 0)),
        ],
        out_specs=[
            pl.BlockSpec((1, 2), lambda i: (0, 0)),
            pl.BlockSpec((1, D), lambda i: (0, 0)),
        ],
        out_shape=[
            jax.ShapeDtypeStruct((1, 2), jnp.float32),
            jax.ShapeDtypeStruct((1, D), jnp.float32),
        ],
    )(accparts, hs, dinv, b, mw0, mb0, mw1, mb1, s1, w1t, w2t, bt)



def kernel(x, edge_index, gcn0_W, gcn0_b, gcn1_W, gcn1_b,
           mlp0_W0, mlp0_b0, mlp0_W1, mlp0_b1,
           mlp1_W0, mlp1_b0, mlp1_W1, mlp1_b1,
           tcl_f0, tcl_f1, tcl_f2, tcl_b, pi_hidden,
           attend_W, attend_b, out_W, out_b):
    f32 = jnp.float32
    e3 = edge_index.reshape(2, EROWS, CH)

    ones_deg = jnp.ones((CH, DEG_W), f32)
    zero_deg = jnp.zeros((ACC_N, DEG_W), f32)
    zero_acc = jnp.zeros((ACC_N, D), f32)

    wA = attend_W[:8, 0]
    wB = attend_W[8:, 0]
    g0v = tcl_f0.T @ wA
    Cmat = (jnp.einsum('d,dyz->yz', wA, tcl_b)
            + jnp.einsum('f,fyz->yz', wB, pi_hidden) + attend_b[0])
    Cvec = Cmat.T.reshape(1, 64)
    Kmat = jnp.einsum('yb,zc->bczy', tcl_f1, tcl_f2).reshape(64, 64)
    Wtail = Kmat @ out_W
    bt = Cvec @ out_W + out_b[None, :]
    w1t = (g0v[0] / N) * Wtail
    w2t = (g0v[1] / N) * Wtail

    degparts = _sc_deg(e3, ones_deg, zero_deg)
    hs0, dinv = _tc_a(x, gcn0_W, degparts)
    acc0 = _sc_conv(hs0, e3, zero_acc)
    hs1, s1 = _tc_b(acc0, hs0, dinv, gcn0_b[None, :],
                    mlp0_W0, mlp0_b0[None, :], mlp0_W1, mlp0_b1[None, :],
                    gcn1_W)
    acc1 = _sc_conv(hs1, e3, zero_acc)
    out, _ = _tc_c(acc1, hs1, dinv, gcn1_b[None, :],
                   mlp1_W0, mlp1_b0[None, :], mlp1_W1, mlp1_b1[None, :],
                   s1, w1t, w2t, bt)
    return out

# --- scband reference (transcript-rebuilt; emitter-appended) ---
"""Pipeline reference for scband-ten-gcn-25692494365283 (READ-ONLY COPY).

The authoritative reference and input builder live on the scoring server;
editing this copy changes nothing except your own understanding.
"""

import jax, jax.numpy as jnp
import numpy as np

N_NODES = 10000
N_EDGES = 320000
IN_DIM = 128
HD = 8          # hidden_dim
HD2 = HD * HD   # hidden_dim ** 2 = 64
OUT_DIM = 2
NUM_GCN = 2     # num_layers - 1
MLP_HID = HD


def _gcn_conv(x, src, dst, W, b, n):
    # GCNConv: add self-loops, symmetric deg^-1/2 normalization, scatter-add aggregation
    h = x @ W
    loop = jnp.arange(n, dtype=src.dtype)
    s = jnp.concatenate([src, loop])
    d = jnp.concatenate([dst, loop])
    deg = jnp.zeros((n,), x.dtype).at[d].add(1.0)
    dinv = jax.lax.rsqrt(jnp.maximum(deg, 1.0))
    msg = h[s] * (dinv[s] * dinv[d])[:, None]
    out = jax.ops.segment_sum(msg, d, num_segments=n)
    return out + b


def setup_inputs(seed: int = 0) -> dict:
    key = jax.random.key(seed)
    ks = [jax.random.fold_in(key, i) for i in range(32)]

    def p(k, shape, scale=0.1):
        return jax.random.normal(k, shape, dtype=jnp.float32) * scale

    inp = {}
    inp['x'] = jax.random.normal(ks[0], (N_NODES, IN_DIM), dtype=jnp.float32)
    inp['edge_index'] = jax.random.randint(ks[1], (2, N_EDGES), 0, N_NODES, dtype=jnp.int32)
    # GCN layer weights
    inp['gcn0_W'] = p(ks[2], (IN_DIM, HD2))
    inp['gcn0_b'] = p(ks[3], (HD2,))
    inp['gcn1_W'] = p(ks[4], (HD2, HD2))
    inp['gcn1_b'] = p(ks[5], (HD2,))
    # per-layer MLPs (num_mlp_layers=2: HD2 -> HD -> HD2)
    inp['mlp0_W0'] = p(ks[6], (HD2, MLP_HID))
    inp['mlp0_b0'] = p(ks[7], (MLP_HID,))
    inp['mlp0_W1'] = p(ks[8], (MLP_HID, HD2))
    inp['mlp0_b1'] = p(ks[9], (HD2,))
    inp['mlp1_W0'] = p(ks[10], (HD2, MLP_HID))
    inp['mlp1_b0'] = p(ks[11], (MLP_HID,))
    inp['mlp1_W1'] = p(ks[12], (MLP_HID, HD2))
    inp['mlp1_b1'] = p(ks[13], (HD2,))
    # TCL factor matrices: (L-1, HD, HD) -> (HD, HD, HD)
    inp['tcl_f0'] = p(ks[14], (HD, NUM_GCN))
    inp['tcl_f1'] = p(ks[15], (HD, HD))
    inp['tcl_f2'] = p(ks[16], (HD, HD))
    inp['tcl_b'] = p(ks[17], (HD, HD, HD))
    # PI-branch hidden tensor (stands in for CNN(persistence images) -> PI_tensor_layer output)
    inp['pi_hidden'] = p(ks[18], (HD, HD, HD))
    # attention + output head
    inp['attend_W'] = p(ks[19], (2 * HD, 1))
    inp['attend_b'] = p(ks[20], (1,))
    inp['out_W'] = p(ks[21], (HD2, OUT_DIM))
    inp['out_b'] = p(ks[22], (OUT_DIM,))
    return inp


def reference(x, edge_index, gcn0_W, gcn0_b, gcn1_W, gcn1_b,
              mlp0_W0, mlp0_b0, mlp0_W1, mlp0_b1,
              mlp1_W0, mlp1_b0, mlp1_W1, mlp1_b1,
              tcl_f0, tcl_f1, tcl_f2, tcl_b, pi_hidden,
              attend_W, attend_b, out_W, out_b):
    n = x.shape[0]
    src, dst = edge_index[0], edge_index[1]
    # GCN layer 0 + MLP 0
    h = _gcn_conv(x, src, dst, gcn0_W, gcn0_b, n)
    h = jax.nn.relu(h @ mlp0_W0 + mlp0_b0) @ mlp0_W1 + mlp0_b1
    h1 = h
    # GCN layer 1 + MLP 1
    h = _gcn_conv(h, src, dst, gcn1_W, gcn1_b, n)
    h = jax.nn.relu(h @ mlp1_W0 + mlp1_b0) @ mlp1_W1 + mlp1_b1
    h2 = h
    # hidden_rep: [N, L-1, HD, HD]
    hidden = jnp.stack([h1, h2], axis=1)
    node_t = hidden.reshape(n, NUM_GCN, HD, HD)
    # TCL: mode-wise contractions (L-1,HD,HD) -> (HD,HD,HD) per node
    tcl = jnp.einsum('nabc,da,eb,fc->ndef', node_t, tcl_f0, tcl_f1, tcl_f2) + tcl_b
    graph_t = jnp.mean(tcl, axis=0)                      # [HD,HD,HD]
    cat = jnp.concatenate([graph_t, pi_hidden], axis=0)  # [2*HD,HD,HD]
    bt = cat[None]                                       # [1,2*HD,HD,HD]
    bt = jnp.transpose(bt, (0, 3, 2, 1))                 # [1,HD,HD,2*HD]
    attn = (bt @ attend_W + attend_b)[..., 0]            # [1,HD,HD]
    flat = attn.reshape(-1, HD2)                         # [1,HD2]
    out = jax.nn.sigmoid(flat @ out_W + out_b)           # [1,OUT_DIM]
    return out

if __name__ == "__main__":
    import jax
    _d = setup_inputs()
    print(jax.jit(kernel)(*tuple(_d.values())))

</pallas_src>

<mosaic_0001>
#map = affine_map<(d0, d1) -> (0, 0, 0)>
#map1 = affine_map<(d0, d1) -> (0, 0)>
module attributes {stable_mosaic.version = 14 : i64} {
  func.func @_sc_deg_body(%arg0: i32, %arg1: i32, %arg2: memref<2x2500x128xi32, #tpu.memory_space<hbm>>, %arg3: memref<128x16xf32, #tpu.memory_space<hbm>>, %arg4: memref<10112x16xf32, #tpu.memory_space<hbm>>, %arg5: memref<2x10112x16xf32, #tpu.memory_space<hbm>>, %arg6: memref<79x128xi32, #tpu.memory_space<vmem>>, %arg7: memref<128x16xf32, #tpu.memory_space<vmem>>, %arg8: memref<10112x16xf32, #tpu.memory_space<vmem_shared>>, %arg9: memref<!tpu.dma_semaphore, #tpu.memory_space<semaphore_mem>>) attributes {dimension_semantics = [#tpu.dimension_semantics<core_parallel>, #tpu.dimension_semantics<subcore_parallel>], iteration_bounds = array<i64: 2, 16>, scalar_prefetch = 0 : i64, scratch_operands = 4 : i64, tpu.core_type = #tpu.core_type<sc_vector_subcore>, window_params = [{transform_indices = #map}, {transform_indices = #map1}, {transform_indices = #map1}, {transform_indices = #map}]} {
    %mul3A = arith.constant 2 : i32
    %mul3A_0 = arith.muli %arg1, %mul3A : i32
    %add3A = arith.addi %mul3A_0, %arg0 : i32
    %mul3A_1 = arith.constant 78 : i32
    %mul3A_2 = arith.muli %mul3A_1, %add3A : i32
    %min3A = arith.constant 4 : i32
    %min3A_3 = arith.minsi %add3A, %min3A : i32
    %add3A_4 = arith.addi %mul3A_2, %min3A_3 : i32
    %lt3A = arith.constant 4 : i32
    %lt3A_5 = arith.cmpi slt, %add3A, %lt3A : i32
    %convert_element_type3A = arith.extui %lt3A_5 : i1 to i32
    %add3A_6 = arith.constant 78 : i32
    %add3A_7 = arith.addi %add3A_6, %convert_element_type3A : i32
    %mul3A_8 = arith.constant 632 : i32
    %mul3A_9 = arith.muli %arg1, %mul3A_8 : i32
    %dma_start3A = arith.constant 0 : i32
    %dma_start3A_10 = tpu.memref_slice %arg8[%mul3A_9, %dma_start3A] : memref<10112x16xf32, #tpu.memory_space<vmem_shared>> -> memref<632x16xf32, #tpu.memory_space<vmem_shared>>
    %dma_start3A_11 = arith.constant 0 : i32
    %dma_start3A_12 = tpu.memref_slice %arg4[%mul3A_9, %dma_start3A_11] : memref<10112x16xf32, #tpu.memory_space<hbm>> -> memref<632x16xf32, #tpu.memory_space<hbm>>
    tpu.enqueue_dma source(%dma_start3A_12 : memref<632x16xf32, #tpu.memory_space<hbm>>) target(%dma_start3A_10 : memref<632x16xf32, #tpu.memory_space<vmem_shared>>) target_semaphore(%arg9 : memref<!tpu.dma_semaphore, #tpu.memory_space<semaphore_mem>>)
    %dma_start3A_13 = arith.constant 1 : i32
    %dma_start3A_14 = arith.constant 0 : i32
    %dma_start3A_15 = arith.constant 0 : i32
    %dma_start3A_16 = tpu.memref_slice %arg6[%dma_start3A_14, %dma_start3A_15] : memref<79x128xi32, #tpu.memory_space<vmem>> -> memref<78x128xi32, #tpu.memory_space<vmem>>
    %dma_start3A_17 = arith.constant 0 : i32
    %dma_start3A_18 = tpu.memref_slice %arg2[%dma_start3A_13, %add3A_4, %dma_start3A_17] : memref<2x2500x128xi32, #tpu.memory_space<hbm>> -> memref<1x78x128xi32, #tpu.memory_space<hbm>>
    %dma_start3A_19 = tpu.memref_squeeze %dma_start3A_18 : memref<1x78x128xi32, #tpu.memory_space<hbm>> -> memref<78x128xi32, #tpu.memory_space<hbm>>
    %dma_start3A_20 = arith.constant 0 : i32
    %dma_start3A_21 = arith.constant 0 : i32
    %dma_start3A_22 = tpu.memref_slice %arg6[%dma_start3A_20, %dma_start3A_21] : memref<79x128xi32, #tpu.memory_space<vmem>> -> memref<78x128xi32, #tpu.memory_space<vmem>>
    %dma_start3A_23 = arith.constant 0 : i32
    %dma_start3A_24 = tpu.memref_slice %arg2[%dma_start3A_13, %add3A_4, %dma_start3A_23] : memref<2x2500x128xi32, #tpu.memory_space<hbm>> -> memref<1x78x128xi32, #tpu.memory_space<hbm>>
    %dma_start3A_25 = tpu.memref_squeeze %dma_start3A_24 : memref<1x78x128xi32, #tpu.memory_space<hbm>> -> memref<78x128xi32, #tpu.memory_space<hbm>>
    tpu.enqueue_dma source(%dma_start3A_25 : memref<78x128xi32, #tpu.memory_space<hbm>>) target(%dma_start3A_22 : memref<78x128xi32, #tpu.memory_space<vmem>>) target_semaphore(%arg9 : memref<!tpu.dma_semaphore, #tpu.memory_space<semaphore_mem>>)
    %lt3A_26 = arith.constant 4 : i32
    %lt3A_27 = arith.cmpi slt, %add3A, %lt3A_26 : i32
    %convert_element_type3A_28 = arith.extui %lt3A_27 : i1 to i32
    %cond3A = arith.constant 0 : i32
    %cond3A_29 = arith.cmpi ne, %convert_element_type3A_28, %cond3A : i32
    scf.if %cond3A_29 {
      %add3A_61 = arith.constant 78 : i32
      %add3A_62 = arith.addi %add3A_4, %add3A_61 : i32
      %run_scoped3A = arith.constant 1 : i32
      "tpu.region"() ({
        %run_scoped3A_63 = tpu.sem_alloc : memref<!tpu.dma_semaphore, #tpu.memory_space<semaphore_mem>>
        %dma_start3A_64 = arith.constant 78 : i32
        %dma_start3A_65 = arith.constant 0 : i32
        %dma_start3A_66 = tpu.memref_slice %arg6[%dma_start3A_64, %dma_start3A_65] : memref<79x128xi32, #tpu.memory_space<vmem>> -> memref<1x128xi32, #tpu.memory_space<vmem>>
        %dma_start3A_67 = arith.constant 0 : i32
        %dma_start3A_68 = tpu.memref_slice %arg2[%run_scoped3A, %add3A_62, %dma_start3A_67] : memref<2x2500x128xi32, #tpu.memory_space<hbm>> -> memref<1x1x128xi32, #tpu.memory_space<hbm>>
        %dma_start3A_69 = tpu.memref_squeeze %dma_start3A_68 : memref<1x1x128xi32, #tpu.memory_space<hbm>> -> memref<1x128xi32, #tpu.memory_space<hbm>>
        %dma_start3A_70 = arith.constant 78 : i32
        %dma_start3A_71 = arith.constant 0 : i32
        %dma_start3A_72 = tpu.memref_slice %arg6[%dma_start3A_70, %dma_start3A_71] : memref<79x128xi32, #tpu.memory_space<vmem>> -> memref<1x128xi32, #tpu.memory_space<vmem>>
        %dma_start3A_73 = arith.constant 0 : i32
        %dma_start3A_74 = tpu.memref_slice %arg2[%run_scoped3A, %add3A_62, %dma_start3A_73] : memref<2x2500x128xi32, #tpu.memory_space<hbm>> -> memref<1x1x128xi32, #tpu.memory_space<hbm>>
        %dma_start3A_75 = tpu.memref_squeeze %dma_start3A_74 : memref<1x1x128xi32, #tpu.memory_space<hbm>> -> memref<1x128xi32, #tpu.memory_space<hbm>>
        tpu.enqueue_dma source(%dma_start3A_75 : memref<1x128xi32, #tpu.memory_space<hbm>>) target(%dma_start3A_72 : memref<1x128xi32, #tpu.memory_space<vmem>>) target_semaphore(%run_scoped3A_63 : memref<!tpu.dma_semaphore, #tpu.memory_space<semaphore_mem>>)
        %dma_wait3A_76 = arith.constant 78 : i32
        %dma_wait3A_77 = arith.constant 0 : i32
        %dma_wait3A_78 = tpu.memref_slice %arg6[%dma_wait3A_76, %dma_wait3A_77] : memref<79x128xi32, #tpu.memory_space<vmem>> -> memref<1x128xi32, #tpu.memory_space<vmem>>
        %dma_wait3A_79 = arith.constant 0 : i32
        %dma_wait3A_80 = tpu.memref_slice %arg2[%run_scoped3A, %add3A_62, %dma_wait3A_79] : memref<2x2500x128xi32, #tpu.memory_space<hbm>> -> memref<1x1x128xi32, #tpu.memory_space<hbm>>
        %dma_wait3A_81 = tpu.memref_squeeze %dma_wait3A_80 : memref<1x1x128xi32, #tpu.memory_space<hbm>> -> memref<1x128xi32, #tpu.memory_space<hbm>>
        %dma_wait3A_82 = arith.constant 78 : i32
        %dma_wait3A_83 = arith.constant 0 : i32
        %dma_wait3A_84 = tpu.memref_slice %arg6[%dma_wait3A_82, %dma_wait3A_83] : memref<79x128xi32, #tpu.memory_space<vmem>> -> memref<1x128xi32, #tpu.memory_space<vmem>>
        %dma_wait3A_85 = arith.constant 0 : i32
        %dma_wait3A_86 = tpu.memref_slice %arg2[%run_scoped3A, %add3A_62, %dma_wait3A_85] : memref<2x2500x128xi32, #tpu.memory_space<hbm>> -> memref<1x1x128xi32, #tpu.memory_space<hbm>>
        %dma_wait3A_87 = tpu.memref_squeeze %dma_wait3A_86 : memref<1x1x128xi32, #tpu.memory_space<hbm>> -> memref<1x128xi32, #tpu.memory_space<hbm>>
        tpu.wait_dma2 semaphore(%run_scoped3A_63 : memref<!tpu.dma_semaphore, #tpu.memory_space<semaphore_mem>>) src(%dma_wait3A_87 : memref<1x128xi32, #tpu.memory_space<hbm>>) dst(%dma_wait3A_84 : memref<1x128xi32, #tpu.memory_space<vmem>>)
        tpu.yield
      }) : () -> ()
    } else {
    }
    tpu.enqueue_dma source(%arg3 : memref<128x16xf32, #tpu.memory_space<hbm>>) target(%arg7 : memref<128x16xf32, #tpu.memory_space<vmem>>) target_semaphore(%arg9 : memref<!tpu.dma_semaphore, #tpu.memory_space<semaphore_mem>>)
    %dma_wait3A = arith.constant 0 : i32
    %dma_wait3A_30 = tpu.memref_slice %arg8[%mul3A_9, %dma_wait3A] : memref<10112x16xf32, #tpu.memory_space<vmem_shared>> -> memref<632x16xf32, #tpu.memory_space<vmem_shared>>
    %dma_wait3A_31 = arith.constant 0 : i32
    %dma_wait3A_32 = tpu.memref_slice %arg4[%mul3A_9, %dma_wait3A_31] : memref<10112x16xf32, #tpu.memory_space<hbm>> -> memref<632x16xf32, #tpu.memory_space<hbm>>
    tpu.wait_dma2 semaphore(%arg9 : memref<!tpu.dma_semaphore, #tpu.memory_space<semaphore_mem>>) src(%dma_wait3A_32 : memref<632x16xf32, #tpu.memory_space<hbm>>) dst(%dma_wait3A_30 : memref<632x16xf32, #tpu.memory_space<vmem_shared>>)
    %dma_wait3A_33 = arith.constant 1 : i32
    %dma_wait3A_34 = arith.constant 0 : i32
    %dma_wait3A_35 = arith.constant 0 : i32
    %dma_wait3A_36 = tpu.memref_slice %arg6[%dma_wait3A_34, %dma_wait3A_35] : memref<79x128xi32, #tpu.memory_space<vmem>> -> memref<78x128xi32, #tpu.memory_space<vmem>>
    %dma_wait3A_37 = arith.constant 0 : i32
    %dma_wait3A_38 = tpu.memref_slice %arg2[%dma_wait3A_33, %add3A_4, %dma_wait3A_37] : memref<2x2500x128xi32, #tpu.memory_space<hbm>> -> memref<1x78x128xi32, #tpu.memory_space<hbm>>
    %dma_wait3A_39 = tpu.memref_squeeze %dma_wait3A_38 : memref<1x78x128xi32, #tpu.memory_space<hbm>> -> memref<78x128xi32, #tpu.memory_space<hbm>>
    %dma_wait3A_40 = arith.constant 0 : i32
    %dma_wait3A_41 = arith.constant 0 : i32
    %dma_wait3A_42 = tpu.memref_slice %arg6[%dma_wait3A_40, %dma_wait3A_41] : memref<79x128xi32, #tpu.memory_space<vmem>> -> memref<78x128xi32, #tpu.memory_space<vmem>>
    %dma_wait3A_43 = arith.constant 0 : i32
    %dma_wait3A_44 = tpu.memref_slice %arg2[%dma_wait3A_33, %add3A_4, %dma_wait3A_43] : memref<2x2500x128xi32, #tpu.memory_space<hbm>> -> memref<1x78x128xi32, #tpu.memory_space<hbm>>
    %dma_wait3A_45 = tpu.memref_squeeze %dma_wait3A_44 : memref<1x78x128xi32, #tpu.memory_space<hbm>> -> memref<78x128xi32, #tpu.memory_space<hbm>>
    tpu.wait_dma2 semaphore(%arg9 : memref<!tpu.dma_semaphore, #tpu.memory_space<semaphore_mem>>) src(%dma_wait3A_45 : memref<78x128xi32, #tpu.memory_space<hbm>>) dst(%dma_wait3A_42 : memref<78x128xi32, #tpu.memory_space<vmem>>)
    tpu.wait_dma2 semaphore(%arg9 : memref<!tpu.dma_semaphore, #tpu.memory_space<semaphore_mem>>) src(%arg3 : memref<128x16xf32, #tpu.memory_space<hbm>>) dst(%arg7 : memref<128x16xf32, #tpu.memory_space<vmem>>)
    %barrier3A = arith.constant 0 : index
    tpu.barrier barrier_id(%barrier3A)
    %while3A = arith.constant 0 : i32
    %while3A_46 = arith.constant 0 : i32
    %while3A_47 = arith.subi %add3A_7, %while3A_46 : i32
    %while3A_48 = arith.addi %while3A_46, %while3A_47 : i32
    %while3A_49 = arith.constant 1 : i32
    %while3A_50 = arith.divsi %while3A_47, %while3A_49 : i32
    %while3A_51 = arith.muli %while3A_50, %while3A_49 : i32
    %while3A_52 = arith.addi %while3A_46, %while3A_51 : i32
    %while3A_53 = arith.constant 1 : i32
    scf.for %while3A_61 = %while3A_46 to %while3A_52 step %while3A_53  : i32 {
      %ge3A = arith.constant 16 : i32
      %ge3A_62 = arith.cmpi sge, %while3A_61, %ge3A : i32
      %convert_element_type3A_63 = arith.extui %ge3A_62 : i1 to i32
      %cond3A_64 = arith.constant 0 : i32
      %cond3A_65 = arith.cmpi ne, %convert_element_type3A_63, %cond3A_64 : i32
      scf.if %cond3A_65 {
        %dma_wait3A_72 = arith.constant 0 : i32
        %dma_wait3A_73 = arith.constant 0 : i32
        %dma_wait3A_74 = tpu.memref_slice %arg6[%dma_wait3A_72, %dma_wait3A_73] : memref<79x128xi32, #tpu.memory_space<vmem>> -> memref<1x128xi32, #tpu.memory_space<vmem>>
        %dma_wait3A_75 = tpu.memref_squeeze %dma_wait3A_74 : memref<1x128xi32, #tpu.memory_space<vmem>> -> memref<128xi32, #tpu.memory_space<vmem>>
        %dma_wait3A_76 = arith.constant 0 : i32
        %dma_wait3A_77 = arith.constant 0 : i32
        %dma_wait3A_78 = tpu.memref_slice %arg8[%dma_wait3A_76, %dma_wait3A_77] : memref<10112x16xf32, #tpu.memory_space<vmem_shared>> -> memref<10112x16xf32, #tpu.memory_space<vmem_shared>>
        tpu.wait_indirect_dma semaphore(%arg9 : memref<!tpu.dma_semaphore, #tpu.memory_space<semaphore_mem>>) src(%arg7 : memref<128x16xf32, #tpu.memory_space<vmem>>) dst(%dma_wait3A_78 : memref<10112x16xf32, #tpu.memory_space<vmem_shared>>)
      } else {
      }
      %dma_start3A_66 = arith.constant 0 : i32
      %dma_start3A_67 = tpu.memref_slice %arg6[%while3A_61, %dma_start3A_66] : memref<79x128xi32, #tpu.memory_space<vmem>> -> memref<1x128xi32, #tpu.memory_space<vmem>>
      %dma_start3A_68 = tpu.memref_squeeze %dma_start3A_67 : memref<1x128xi32, #tpu.memory_space<vmem>> -> memref<128xi32, #tpu.memory_space<vmem>>
      %dma_start3A_69 = arith.constant 0 : i32
      %dma_start3A_70 = arith.constant 0 : i32
      %dma_start3A_71 = tpu.memref_slice %arg8[%dma_start3A_69, %dma_start3A_70] : memref<10112x16xf32, #tpu.memory_space<vmem_shared>> -> memref<10112x16xf32, #tpu.memory_space<vmem_shared>>
      tpu.enqueue_indirect_dma source(%arg7 : memref<128x16xf32, #tpu.memory_space<vmem>>) target(%dma_start3A_71 : memref<10112x16xf32, #tpu.memory_space<vmem_shared>>) offsets(%dma_start3A_68 : memref<128xi32, #tpu.memory_space<vmem>>) semaphore(%arg9 : memref<!tpu.dma_semaphore, #tpu.memory_space<semaphore_mem>>) {add = true}
    }
    %while3A_54 = arith.constant 1 : i32
    scf.for %while3A_61 = %while3A_52 to %while3A_48 step %while3A_54  : i32 {
      %ge3A = arith.constant 16 : i32
      %ge3A_62 = arith.cmpi sge, %while3A_61, %ge3A : i32
      %convert_element_type3A_63 = arith.extui %ge3A_62 : i1 to i32
      %cond3A_64 = arith.constant 0 : i32
      %cond3A_65 = arith.cmpi ne, %convert_element_type3A_63, %cond3A_64 : i32
      scf.if %cond3A_65 {
        %dma_wait3A_72 = arith.constant 0 : i32
        %dma_wait3A_73 = arith.constant 0 : i32
        %dma_wait3A_74 = tpu.memref_slice %arg6[%dma_wait3A_72, %dma_wait3A_73] : memref<79x128xi32, #tpu.memory_space<vmem>> -> memref<1x128xi32, #tpu.memory_space<vmem>>
        %dma_wait3A_75 = tpu.memref_squeeze %dma_wait3A_74 : memref<1x128xi32, #tpu.memory_space<vmem>> -> memref<128xi32, #tpu.memory_space<vmem>>
        %dma_wait3A_76 = arith.constant 0 : i32
        %dma_wait3A_77 = arith.constant 0 : i32
        %dma_wait3A_78 = tpu.memref_slice %arg8[%dma_wait3A_76, %dma_wait3A_77] : memref<10112x16xf32, #tpu.memory_space<vmem_shared>> -> memref<10112x16xf32, #tpu.memory_space<vmem_shared>>
        tpu.wait_indirect_dma semaphore(%arg9 : memref<!tpu.dma_semaphore, #tpu.memory_space<semaphore_mem>>) src(%arg7 : memref<128x16xf32, #tpu.memory_space<vmem>>) dst(%dma_wait3A_78 : memref<10112x16xf32, #tpu.memory_space<vmem_shared>>)
      } else {
      }
      %dma_start3A_66 = arith.constant 0 : i32
      %dma_start3A_67 = tpu.memref_slice %arg6[%while3A_61, %dma_start3A_66] : memref<79x128xi32, #tpu.memory_space<vmem>> -> memref<1x128xi32, #tpu.memory_space<vmem>>
      %dma_start3A_68 = tpu.memref_squeeze %dma_start3A_67 : memref<1x128xi32, #tpu.memory_space<vmem>> -> memref<128xi32, #tpu.memory_space<vmem>>
      %dma_start3A_69 = arith.constant 0 : i32
      %dma_start3A_70 = arith.constant 0 : i32
      %dma_start3A_71 = tpu.memref_slice %arg8[%dma_start3A_69, %dma_start3A_70] : memref<10112x16xf32, #tpu.memory_space<vmem_shared>> -> memref<10112x16xf32, #tpu.memory_space<vmem_shared>>
      tpu.enqueue_indirect_dma source(%arg7 : memref<128x16xf32, #tpu.memory_space<vmem>>) target(%dma_start3A_71 : memref<10112x16xf32, #tpu.memory_space<vmem_shared>>) offsets(%dma_start3A_68 : memref<128xi32, #tpu.memory_space<vmem>>) semaphore(%arg9 : memref<!tpu.dma_semaphore, #tpu.memory_space<semaphore_mem>>) {add = true}
    }
    %scan3A = arith.constant 0 : i32
    %scan3A_55 = arith.constant 0 : i32
    %scan3A_56 = arith.constant 16 : i32
    %scan3A_57 = arith.addi %scan3A_55, %scan3A_56 : i32
    %scan3A_58 = arith.constant 1 : i32
    scf.for %scan3A_61 = %scan3A_55 to %scan3A_57 step %scan3A_58  : i32 {
      %dma_wait3A_62 = arith.constant 0 : i32
      %dma_wait3A_63 = arith.constant 0 : i32
      %dma_wait3A_64 = tpu.memref_slice %arg6[%dma_wait3A_62, %dma_wait3A_63] : memref<79x128xi32, #tpu.memory_space<vmem>> -> memref<1x128xi32, #tpu.memory_space<vmem>>
      %dma_wait3A_65 = tpu.memref_squeeze %dma_wait3A_64 : memref<1x128xi32, #tpu.memory_space<vmem>> -> memref<128xi32, #tpu.memory_space<vmem>>
      %dma_wait3A_66 = arith.constant 0 : i32
      %dma_wait3A_67 = arith.constant 0 : i32
      %dma_wait3A_68 = tpu.memref_slice %arg8[%dma_wait3A_66, %dma_wait3A_67] : memref<10112x16xf32, #tpu.memory_space<vmem_shared>> -> memref<10112x16xf32, #tpu.memory_space<vmem_shared>>
      tpu.wait_indirect_dma semaphore(%arg9 : memref<!tpu.dma_semaphore, #tpu.memory_space<semaphore_mem>>) src(%arg7 : memref<128x16xf32, #tpu.memory_space<vmem>>) dst(%dma_wait3A_68 : memref<10112x16xf32, #tpu.memory_space<vmem_shared>>)
    }
    %scan3A_59 = arith.constant 16 : i32
    %barrier3A_60 = arith.constant 0 : index
    tpu.barrier barrier_id(%barrier3A_60)
    "tpu.region"() ({
      %run_scoped3A = tpu.sem_alloc : memref<!tpu.dma_semaphore, #tpu.memory_space<semaphore_mem>>
      %dma_start3A_61 = arith.constant 0 : i32
      %dma_start3A_62 = tpu.memref_slice %arg5[%arg0, %mul3A_9, %dma_start3A_61] : memref<2x10112x16xf32, #tpu.memory_space<hbm>> -> memref<1x632x16xf32, #tpu.memory_space<hbm>>
      %dma_start3A_63 = tpu.memref_squeeze %dma_start3A_62 : memref<1x632x16xf32, #tpu.memory_space<hbm>> -> memref<632x16xf32, #tpu.memory_space<hbm>>
      %dma_start3A_64 = arith.constant 0 : i32
      %dma_start3A_65 = tpu.memref_slice %arg8[%mul3A_9, %dma_start3A_64] : memref<10112x16xf32, #tpu.memory_space<vmem_shared>> -> memref<632x16xf32, #tpu.memory_space<vmem_shared>>
      tpu.enqueue_dma source(%dma_start3A_65 : memref<632x16xf32, #tpu.memory_space<vmem_shared>>) target(%dma_start3A_63 : memref<632x16xf32, #tpu.memory_space<hbm>>) target_semaphore(%run_scoped3A : memref<!tpu.dma_semaphore, #tpu.memory_space<semaphore_mem>>)
      %dma_wait3A_66 = arith.constant 0 : i32
      %dma_wait3A_67 = tpu.memref_slice %arg5[%arg0, %mul3A_9, %dma_wait3A_66] : memref<2x10112x16xf32, #tpu.memory_space<hbm>> -> memref<1x632x16xf32, #tpu.memory_space<hbm>>
      %dma_wait3A_68 = tpu.memref_squeeze %dma_wait3A_67 : memref<1x632x16xf32, #tpu.memory_space<hbm>> -> memref<632x16xf32, #tpu.memory_space<hbm>>
      %dma_wait3A_69 = arith.constant 0 : i32
      %dma_wait3A_70 = tpu.memref_slice %arg8[%mul3A_9, %dma_wait3A_69] : memref<10112x16xf32, #tpu.memory_space<vmem_shared>> -> memref<632x16xf32, #tpu.memory_space<vmem_shared>>
      tpu.wait_dma2 semaphore(%run_scoped3A : memref<!tpu.dma_semaphore, #tpu.memory_space<semaphore_mem>>) src(%dma_wait3A_70 : memref<632x16xf32, #tpu.memory_space<vmem_shared>>) dst(%dma_wait3A_68 : memref<632x16xf32, #tpu.memory_space<hbm>>)
      tpu.yield
    }) : () -> ()
    return
  }
}

#map = affine_map<(d0, d1) -> (0, 0)>
#map1 = affine_map<(d0, d1) -> (0, 0, 0)>
module attributes {stable_mosaic.version = 14 : i64} {
  func.func @_sc_conv_body(%arg0: i32, %arg1: i32, %arg2: memref<10000x64xf32, #tpu.memory_space<hbm>>, %arg3: memref<2x2500x128xi32, #tpu.memory_space<hbm>>, %arg4: memref<10112x64xf32, #tpu.memory_space<hbm>>, %arg5: memref<2x10112x64xf32, #tpu.memory_space<hbm>>, %arg6: memref<79x128xi32, #tpu.memory_space<vmem>>, %arg7: memref<79x128xi32, #tpu.memory_space<vmem>>, %arg8: memref<3x128x64xf32, #tpu.memory_space<vmem>>, %arg9: memref<10000x64xf32, #tpu.memory_space<vmem_shared>>, %arg10: memref<10112x64xf32, #tpu.memory_space<vmem_shared>>, %arg11: memref<3x!tpu.dma_semaphore, #tpu.memory_space<semaphore_mem>>, %arg12: memref<3x!tpu.dma_semaphore, #tpu.memory_space<semaphore_mem>>) attributes {dimension_semantics = [#tpu.dimension_semantics<core_parallel>, #tpu.dimension_semantics<subcore_parallel>], iteration_bounds = array<i64: 2, 16>, scalar_prefetch = 0 : i64, scratch_operands = 7 : i64, tpu.core_type = #tpu.core_type<sc_vector_subcore>, window_params = [{transform_indices = #map}, {transform_indices = #map1}, {transform_indices = #map}, {transform_indices = #map1}]} {
    %mul3A = arith.constant 2 : i32
    %mul3A_0 = arith.muli %arg1, %mul3A : i32
    %add3A = arith.addi %mul3A_0, %arg0 : i32
    %mul3A_1 = arith.constant 78 : i32
    %mul3A_2 = arith.muli %mul3A_1, %add3A : i32
    %min3A = arith.constant 4 : i32
    %min3A_3 = arith.minsi %add3A, %min3A : i32
    %add3A_4 = arith.addi %mul3A_2, %min3A_3 : i32
    %lt3A = arith.constant 4 : i32
    %lt3A_5 = arith.cmpi slt, %add3A, %lt3A : i32
    %convert_element_type3A = arith.extui %lt3A_5 : i1 to i32
    %add3A_6 = arith.constant 78 : i32
    %add3A_7 = arith.addi %add3A_6, %convert_element_type3A : i32
    %mul3A_8 = arith.constant 632 : i32
    %mul3A_9 = arith.muli %arg1, %mul3A_8 : i32
    %dma_start3A = arith.constant 0 : i32
    %dma_start3A_10 = tpu.memref_slice %arg11[%dma_start3A] : memref<3x!tpu.dma_semaphore, #tpu.memory_space<semaphore_mem>> -> memref<1x!tpu.dma_semaphore, #tpu.memory_space<semaphore_mem>>
    %dma_start3A_11 = tpu.memref_squeeze %dma_start3A_10 : memref<1x!tpu.dma_semaphore, #tpu.memory_space<semaphore_mem>> -> memref<!tpu.dma_semaphore, #tpu.memory_space<semaphore_mem>>
    %dma_start3A_12 = arith.constant 0 : i32
    %dma_start3A_13 = tpu.memref_slice %arg10[%mul3A_9, %dma_start3A_12] : memref<10112x64xf32, #tpu.memory_space<vmem_shared>> -> memref<632x64xf32, #tpu.memory_space<vmem_shared>>
    %dma_start3A_14 = arith.constant 0 : i32
    %dma_start3A_15 = tpu.memref_slice %arg4[%mul3A_9, %dma_start3A_14] : memref<10112x64xf32, #tpu.memory_space<hbm>> -> memref<632x64xf32, #tpu.memory_space<hbm>>
    tpu.enqueue_dma source(%dma_start3A_15 : memref<632x64xf32, #tpu.memory_space<hbm>>) target(%dma_start3A_13 : memref<632x64xf32, #tpu.memory_space<vmem_shared>>) target_semaphore(%dma_start3A_11 : memref<!tpu.dma_semaphore, #tpu.memory_space<semaphore_mem>>)
    %lt3A_16 = arith.constant 10 : i32
    %lt3A_17 = arith.cmpi slt, %arg1, %lt3A_16 : i32
    %convert_element_type3A_18 = arith.extui %lt3A_17 : i1 to i32
    %cond3A = arith.constant 0 : i32
    %cond3A_19 = arith.cmpi ne, %convert_element_type3A_18, %cond3A : i32
    scf.if %cond3A_19 {
      %mul3A_117 = arith.constant 1000 : i32
      %mul3A_118 = arith.muli %arg1, %mul3A_117 : i32
      %mul3A_119 = arith.constant 1000 : i32
      %mul3A_120 = arith.muli %arg1, %mul3A_119 : i32
      %dma_start3A_121 = arith.constant 1 : i32
      %dma_start3A_122 = tpu.memref_slice %arg11[%dma_start3A_121] : memref<3x!tpu.dma_semaphore, #tpu.memory_space<semaphore_mem>> -> memref<1x!tpu.dma_semaphore, #tpu.memory_space<semaphore_mem>>
      %dma_start3A_123 = tpu.memref_squeeze %dma_start3A_122 : memref<1x!tpu.dma_semaphore, #tpu.memory_space<semaphore_mem>> -> memref<!tpu.dma_semaphore, #tpu.memory_space<semaphore_mem>>
      %dma_start3A_124 = arith.constant 0 : i32
      %dma_start3A_125 = tpu.memref_slice %arg9[%mul3A_120, %dma_start3A_124] : memref<10000x64xf32, #tpu.memory_space<vmem_shared>> -> memref<1000x64xf32, #tpu.memory_space<vmem_shared>>
      %dma_start3A_126 = arith.constant 0 : i32
      %dma_start3A_127 = tpu.memref_slice %arg2[%mul3A_118, %dma_start3A_126] : memref<10000x64xf32, #tpu.memory_space<hbm>> -> memref<1000x64xf32, #tpu.memory_space<hbm>>
      tpu.enqueue_dma source(%dma_start3A_127 : memref<1000x64xf32, #tpu.memory_space<hbm>>) target(%dma_start3A_125 : memref<1000x64xf32, #tpu.memory_space<vmem_shared>>) target_semaphore(%dma_start3A_123 : memref<!tpu.dma_semaphore, #tpu.memory_space<semaphore_mem>>)
    } else {
    }
    %dma_start3A_20 = arith.constant 0 : i32
    %dma_start3A_21 = arith.constant 0 : i32
    %dma_start3A_22 = arith.constant 0 : i32
    %dma_start3A_23 = arith.constant 0 : i32
    %dma_start3A_24 = tpu.memref_slice %arg6[%dma_start3A_22, %dma_start3A_23] : memref<79x128xi32, #tpu.memory_space<vmem>> -> memref<78x128xi32, #tpu.memory_space<vmem>>
    %dma_start3A_25 = arith.constant 0 : i32
    %dma_start3A_26 = tpu.memref_slice %arg3[%dma_start3A_20, %add3A_4, %dma_start3A_25] : memref<2x2500x128xi32, #tpu.memory_space<hbm>> -> memref<1x78x128xi32, #tpu.memory_space<hbm>>
    %dma_start3A_27 = tpu.memref_squeeze %dma_start3A_26 : memref<1x78x128xi32, #tpu.memory_space<hbm>> -> memref<78x128xi32, #tpu.memory_space<hbm>>
    %dma_start3A_28 = tpu.memref_slice %arg12[%dma_start3A_21] : memref<3x!tpu.dma_semaphore, #tpu.memory_space<semaphore_mem>> -> memref<1x!tpu.dma_semaphore, #tpu.memory_space<semaphore_mem>>
    %dma_start3A_29 = tpu.memref_squeeze %dma_start3A_28 : memref<1x!tpu.dma_semaphore, #tpu.memory_space<semaphore_mem>> -> memref<!tpu.dma_semaphore, #tpu.memory_space<semaphore_mem>>
    %dma_start3A_30 = arith.constant 0 : i32
    %dma_start3A_31 = arith.constant 0 : i32
    %dma_start3A_32 = tpu.memref_slice %arg6[%dma_start3A_30, %dma_start3A_31] : memref<79x128xi32, #tpu.memory_space<vmem>> -> memref<78x128xi32, #tpu.memory_space<vmem>>
    %dma_start3A_33 = arith.constant 0 : i32
    %dma_start3A_34 = tpu.memref_slice %arg3[%dma_start3A_20, %add3A_4, %dma_start3A_33] : memref<2x2500x128xi32, #tpu.memory_space<hbm>> -> memref<1x78x128xi32, #tpu.memory_space<hbm>>
    %dma_start3A_35 = tpu.memref_squeeze %dma_start3A_34 : memref<1x78x128xi32, #tpu.memory_space<hbm>> -> memref<78x128xi32, #tpu.memory_space<hbm>>
    tpu.enqueue_dma source(%dma_start3A_35 : memref<78x128xi32, #tpu.memory_space<hbm>>) target(%dma_start3A_32 : memref<78x128xi32, #tpu.memory_space<vmem>>) target_semaphore(%dma_start3A_29 : memref<!tpu.dma_semaphore, #tpu.memory_space<semaphore_mem>>)
    %dma_start3A_36 = arith.constant 1 : i32
    %dma_start3A_37 = arith.constant 1 : i32
    %dma_start3A_38 = arith.constant 0 : i32
    %dma_start3A_39 = arith.constant 0 : i32
    %dma_start3A_40 = tpu.memref_slice %arg7[%dma_start3A_38, %dma_start3A_39] : memref<79x128xi32, #tpu.memory_space<vmem>> -> memref<78x128xi32, #tpu.memory_space<vmem>>
    %dma_start3A_41 = arith.constant 0 : i32
    %dma_start3A_42 = tpu.memref_slice %arg3[%dma_start3A_36, %add3A_4, %dma_start3A_41] : memref<2x2500x128xi32, #tpu.memory_space<hbm>> -> memref<1x78x128xi32, #tpu.memory_space<hbm>>
    %dma_start3A_43 = tpu.memref_squeeze %dma_start3A_42 : memref<1x78x128xi32, #tpu.memory_space<hbm>> -> memref<78x128xi32, #tpu.memory_space<hbm>>
    %dma_start3A_44 = tpu.memref_slice %arg12[%dma_start3A_37] : memref<3x!tpu.dma_semaphore, #tpu.memory_space<semaphore_mem>> -> memref<1x!tpu.dma_semaphore, #tpu.memory_space<semaphore_mem>>
    %dma_start3A_45 = tpu.memref_squeeze %dma_start3A_44 : memref<1x!tpu.dma_semaphore, #tpu.memory_space<semaphore_mem>> -> memref<!tpu.dma_semaphore, #tpu.memory_space<semaphore_mem>>
    %dma_start3A_46 = arith.constant 0 : i32
    %dma_start3A_47 = arith.constant 0 : i32
    %dma_start3A_48 = tpu.memref_slice %arg7[%dma_start3A_46, %dma_start3A_47] : memref<79x128xi32, #tpu.memory_space<vmem>> -> memref<78x128xi32, #tpu.memory_space<vmem>>
    %dma_start3A_49 = arith.constant 0 : i32
    %dma_start3A_50 = tpu.memref_slice %arg3[%dma_start3A_36, %add3A_4, %dma_start3A_49] : memref<2x2500x128xi32, #tpu.memory_space<hbm>> -> memref<1x78x128xi32, #tpu.memory_space<hbm>>
    %dma_start3A_51 = tpu.memref_squeeze %dma_start3A_50 : memref<1x78x128xi32, #tpu.memory_space<hbm>> -> memref<78x128xi32, #tpu.memory_space<hbm>>
    tpu.enqueue_dma source(%dma_start3A_51 : memref<78x128xi32, #tpu.memory_space<hbm>>) target(%dma_start3A_48 : memref<78x128xi32, #tpu.memory_space<vmem>>) target_semaphore(%dma_start3A_45 : memref<!tpu.dma_semaphore, #tpu.memory_space<semaphore_mem>>)
    %lt3A_52 = arith.constant 4 : i32
    %lt3A_53 = arith.cmpi slt, %add3A, %lt3A_52 : i32
    %convert_element_type3A_54 = arith.extui %lt3A_53 : i1 to i32
    %cond3A_55 = arith.constant 0 : i32
    %cond3A_56 = arith.cmpi ne, %convert_element_type3A_54, %cond3A_55 : i32
    scf.if %cond3A_56 {
      %add3A_117 = arith.constant 78 : i32
      %add3A_118 = arith.addi %add3A_4, %add3A_117 : i32
      %run_scoped3A = arith.constant 0 : i32
      "tpu.region"() ({
        %run_scoped3A_122 = tpu.sem_alloc : memref<!tpu.dma_semaphore, #tpu.memory_space<semaphore_mem>>
        %dma_start3A_123 = arith.constant 78 : i32
        %dma_start3A_124 = arith.constant 0 : i32
        %dma_start3A_125 = tpu.memref_slice %arg6[%dma_start3A_123, %dma_start3A_124] : memref<79x128xi32, #tpu.memory_space<vmem>> -> memref<1x128xi32, #tpu.memory_space<vmem>>
        %dma_start3A_126 = arith.constant 0 : i32
        %dma_start3A_127 = tpu.memref_slice %arg3[%run_scoped3A, %add3A_118, %dma_start3A_126] : memref<2x2500x128xi32, #tpu.memory_space<hbm>> -> memref<1x1x128xi32, #tpu.memory_space<hbm>>
        %dma_start3A_128 = tpu.memref_squeeze %dma_start3A_127 : memref<1x1x128xi32, #tpu.memory_space<hbm>> -> memref<1x128xi32, #tpu.memory_space<hbm>>
        %dma_start3A_129 = arith.constant 78 : i32
        %dma_start3A_130 = arith.constant 0 : i32
        %dma_start3A_131 = tpu.memref_slice %arg6[%dma_start3A_129, %dma_start3A_130] : memref<79x128xi32, #tpu.memory_space<vmem>> -> memref<1x128xi32, #tpu.memory_space<vmem>>
        %dma_start3A_132 = arith.constant 0 : i32
        %dma_start3A_133 = tpu.memref_slice %arg3[%run_scoped3A, %add3A_118, %dma_start3A_132] : memref<2x2500x128xi32, #tpu.memory_space<hbm>> -> memref<1x1x128xi32, #tpu.memory_space<hbm>>
        %dma_start3A_134 = tpu.memref_squeeze %dma_start3A_133 : memref<1x1x128xi32, #tpu.memory_space<hbm>> -> memref<1x128xi32, #tpu.memory_space<hbm>>
        tpu.enqueue_dma source(%dma_start3A_134 : memref<1x128xi32, #tpu.memory_space<hbm>>) target(%dma_start3A_131 : memref<1x128xi32, #tpu.memory_space<vmem>>) target_semaphore(%run_scoped3A_122 : memref<!tpu.dma_semaphore, #tpu.memory_space<semaphore_mem>>)
        %dma_wait3A_135 = arith.constant 78 : i32
        %dma_wait3A_136 = arith.constant 0 : i32
        %dma_wait3A_137 = tpu.memref_slice %arg6[%dma_wait3A_135, %dma_wait3A_136] : memref<79x128xi32, #tpu.memory_space<vmem>> -> memref<1x128xi32, #tpu.memory_space<vmem>>
        %dma_wait3A_138 = arith.constant 0 : i32
        %dma_wait3A_139 = tpu.memref_slice %arg3[%run_scoped3A, %add3A_118, %dma_wait3A_138] : memref<2x2500x128xi32, #tpu.memory_space<hbm>> -> memref<1x1x128xi32, #tpu.memory_space<hbm>>
        %dma_wait3A_140 = tpu.memref_squeeze %dma_wait3A_139 : memref<1x1x128xi32, #tpu.memory_space<hbm>> -> memref<1x128xi32, #tpu.memory_space<hbm>>
        %dma_wait3A_141 = arith.constant 78 : i32
        %dma_wait3A_142 = arith.constant 0 : i32
        %dma_wait3A_143 = tpu.memref_slice %arg6[%dma_wait3A_141, %dma_wait3A_142] : memref<79x128xi32, #tpu.memory_space<vmem>> -> memref<1x128xi32, #tpu.memory_space<vmem>>
        %dma_wait3A_144 = arith.constant 0 : i32
        %dma_wait3A_145 = tpu.memref_slice %arg3[%run_scoped3A, %add3A_118, %dma_wait3A_144] : memref<2x2500x128xi32, #tpu.memory_space<hbm>> -> memref<1x1x128xi32, #tpu.memory_space<hbm>>
        %dma_wait3A_146 = tpu.memref_squeeze %dma_wait3A_145 : memref<1x1x128xi32, #tpu.memory_space<hbm>> -> memref<1x128xi32, #tpu.memory_space<hbm>>
        tpu.wait_dma2 semaphore(%run_scoped3A_122 : memref<!tpu.dma_semaphore, #tpu.memory_space<semaphore_mem>>) src(%dma_wait3A_146 : memref<1x128xi32, #tpu.memory_space<hbm>>) dst(%dma_wait3A_143 : memref<1x128xi32, #tpu.memory_space<vmem>>)
        tpu.yield
      }) : () -> ()
      %add3A_119 = arith.constant 78 : i32
      %add3A_120 = arith.addi %add3A_4, %add3A_119 : i32
      %run_scoped3A_121 = arith.constant 1 : i32
      "tpu.region"() ({
        %run_scoped3A_122 = tpu.sem_alloc : memref<!tpu.dma_semaphore, #tpu.memory_space<semaphore_mem>>
        %dma_start3A_123 = arith.constant 78 : i32
        %dma_start3A_124 = arith.constant 0 : i32
        %dma_start3A_125 = tpu.memref_slice %arg7[%dma_start3A_123, %dma_start3A_124] : memref<79x128xi32, #tpu.memory_space<vmem>> -> memref<1x128xi32, #tpu.memory_space<vmem>>
        %dma_start3A_126 = arith.constant 0 : i32
        %dma_start3A_127 = tpu.memref_slice %arg3[%run_scoped3A_121, %add3A_120, %dma_start3A_126] : memref<2x2500x128xi32, #tpu.memory_space<hbm>> -> memref<1x1x128xi32, #tpu.memory_space<hbm>>
        %dma_start3A_128 = tpu.memref_squeeze %dma_start3A_127 : memref<1x1x128xi32, #tpu.memory_space<hbm>> -> memref<1x128xi32, #tpu.memory_space<hbm>>
        %dma_start3A_129 = arith.constant 78 : i32
        %dma_start3A_130 = arith.constant 0 : i32
        %dma_start3A_131 = tpu.memref_slice %arg7[%dma_start3A_129, %dma_start3A_130] : memref<79x128xi32, #tpu.memory_space<vmem>> -> memref<1x128xi32, #tpu.memory_space<vmem>>
        %dma_start3A_132 = arith.constant 0 : i32
        %dma_start3A_133 = tpu.memref_slice %arg3[%run_scoped3A_121, %add3A_120, %dma_start3A_132] : memref<2x2500x128xi32, #tpu.memory_space<hbm>> -> memref<1x1x128xi32, #tpu.memory_space<hbm>>
        %dma_start3A_134 = tpu.memref_squeeze %dma_start3A_133 : memref<1x1x128xi32, #tpu.memory_space<hbm>> -> memref<1x128xi32, #tpu.memory_space<hbm>>
        tpu.enqueue_dma source(%dma_start3A_134 : memref<1x128xi32, #tpu.memory_space<hbm>>) target(%dma_start3A_131 : memref<1x128xi32, #tpu.memory_space<vmem>>) target_semaphore(%run_scoped3A_122 : memref<!tpu.dma_semaphore, #tpu.memory_space<semaphore_mem>>)
        %dma_wait3A_135 = arith.constant 78 : i32
        %dma_wait3A_136 = arith.constant 0 : i32
        %dma_wait3A_137 = tpu.memref_slice %arg7[%dma_wait3A_135, %dma_wait3A_136] : memref<79x128xi32, #tpu.memory_space<vmem>> -> memref<1x128xi32, #tpu.memory_space<vmem>>
        %dma_wait3A_138 = arith.constant 0 : i32
        %dma_wait3A_139 = tpu.memref_slice %arg3[%run_scoped3A_121, %add3A_120, %dma_wait3A_138] : memref<2x2500x128xi32, #tpu.memory_space<hbm>> -> memref<1x1x128xi32, #tpu.memory_space<hbm>>
        %dma_wait3A_140 = tpu.memref_squeeze %dma_wait3A_139 : memref<1x1x128xi32, #tpu.memory_space<hbm>> -> memref<1x128xi32, #tpu.memory_space<hbm>>
        %dma_wait3A_141 = arith.constant 78 : i32
        %dma_wait3A_142 = arith.constant 0 : i32
        %dma_wait3A_143 = tpu.memref_slice %arg7[%dma_wait3A_141, %dma_wait3A_142] : memref<79x128xi32, #tpu.memory_space<vmem>> -> memref<1x128xi32, #tpu.memory_space<vmem>>
        %dma_wait3A_144 = arith.constant 0 : i32
        %dma_wait3A_145 = tpu.memref_slice %arg3[%run_scoped3A_121, %add3A_120, %dma_wait3A_144] : memref<2x2500x128xi32, #tpu.memory_space<hbm>> -> memref<1x1x128xi32, #tpu.memory_space<hbm>>
        %dma_wait3A_146 = tpu.memref_squeeze %dma_wait3A_145 : memref<1x1x128xi32, #tpu.memory_space<hbm>> -> memref<1x128xi32, #tpu.memory_space<hbm>>
        tpu.wait_dma2 semaphore(%run_scoped3A_122 : memref<!tpu.dma_semaphore, #tpu.memory_space<semaphore_mem>>) src(%dma_wait3A_146 : memref<1x128xi32, #tpu.memory_space<hbm>>) dst(%dma_wait3A_143 : memref<1x128xi32, #tpu.memory_space<vmem>>)
        tpu.yield
      }) : () -> ()
    } else {
    }
    %dma_wait3A = arith.constant 0 : i32
    %dma_wait3A_57 = tpu.memref_slice %arg11[%dma_wait3A] : memref<3x!tpu.dma_semaphore, #tpu.memory_space<semaphore_mem>> -> memref<1x!tpu.dma_semaphore, #tpu.memory_space<semaphore_mem>>
    %dma_wait3A_58 = tpu.memref_squeeze %dma_wait3A_57 : memref<1x!tpu.dma_semaphore, #tpu.memory_space<semaphore_mem>> -> memref<!tpu.dma_semaphore, #tpu.memory_space<semaphore_mem>>
    %dma_wait3A_59 = arith.constant 0 : i32
    %dma_wait3A_60 = tpu.memref_slice %arg10[%mul3A_9, %dma_wait3A_59] : memref<10112x64xf32, #tpu.memory_space<vmem_shared>> -> memref<632x64xf32, #tpu.memory_space<vmem_shared>>
    %dma_wait3A_61 = arith.constant 0 : i32
    %dma_wait3A_62 = tpu.memref_slice %arg4[%mul3A_9, %dma_wait3A_61] : memref<10112x64xf32, #tpu.memory_space<hbm>> -> memref<632x64xf32, #tpu.memory_space<hbm>>
    tpu.wait_dma2 semaphore(%dma_wait3A_58 : memref<!tpu.dma_semaphore, #tpu.memory_space<semaphore_mem>>) src(%dma_wait3A_62 : memref<632x64xf32, #tpu.memory_space<hbm>>) dst(%dma_wait3A_60 : memref<632x64xf32, #tpu.memory_space<vmem_shared>>)
    %lt3A_63 = arith.constant 10 : i32
    %lt3A_64 = arith.cmpi slt, %arg1, %lt3A_63 : i32
    %convert_element_type3A_65 = arith.extui %lt3A_64 : i1 to i32
    %cond3A_66 = arith.constant 0 : i32
    %cond3A_67 = arith.cmpi ne, %convert_element_type3A_65, %cond3A_66 : i32
    scf.if %cond3A_67 {
      %mul3A_117 = arith.constant 1000 : i32
      %mul3A_118 = arith.muli %arg1, %mul3A_117 : i32
      %mul3A_119 = arith.constant 1000 : i32
      %mul3A_120 = arith.muli %arg1, %mul3A_119 : i32
      %dma_wait3A_121 = arith.constant 1 : i32
      %dma_wait3A_122 = tpu.memref_slice %arg11[%dma_wait3A_121] : memref<3x!tpu.dma_semaphore, #tpu.memory_space<semaphore_mem>> -> memref<1x!tpu.dma_semaphore, #tpu.memory_space<semaphore_mem>>
      %dma_wait3A_123 = tpu.memref_squeeze %dma_wait3A_122 : memref<1x!tpu.dma_semaphore, #tpu.memory_space<semaphore_mem>> -> memref<!tpu.dma_semaphore, #tpu.memory_space<semaphore_mem>>
      %dma_wait3A_124 = arith.constant 0 : i32
      %dma_wait3A_125 = tpu.memref_slice %arg9[%mul3A_120, %dma_wait3A_124] : memref<10000x64xf32, #tpu.memory_space<vmem_shared>> -> memref<1000x64xf32, #tpu.memory_space<vmem_shared>>
      %dma_wait3A_126 = arith.constant 0 : i32
      %dma_wait3A_127 = tpu.memref_slice %arg2[%mul3A_118, %dma_wait3A_126] : memref<10000x64xf32, #tpu.memory_space<hbm>> -> memref<1000x64xf32, #tpu.memory_space<hbm>>
      tpu.wait_dma2 semaphore(%dma_wait3A_123 : memref<!tpu.dma_semaphore, #tpu.memory_space<semaphore_mem>>) src(%dma_wait3A_127 : memref<1000x64xf32, #tpu.memory_space<hbm>>) dst(%dma_wait3A_125 : memref<1000x64xf32, #tpu.memory_space<vmem_shared>>)
    } else {
    }
    %dma_wait3A_68 = arith.constant 0 : i32
    %dma_wait3A_69 = arith.constant 0 : i32
    %dma_wait3A_70 = arith.constant 0 : i32
    %dma_wait3A_71 = arith.constant 0 : i32
    %dma_wait3A_72 = tpu.memref_slice %arg6[%dma_wait3A_70, %dma_wait3A_71] : memref<79x128xi32, #tpu.memory_space<vmem>> -> memref<78x128xi32, #tpu.memory_space<vmem>>
    %dma_wait3A_73 = arith.constant 0 : i32
    %dma_wait3A_74 = tpu.memref_slice %arg3[%dma_wait3A_68, %add3A_4, %dma_wait3A_73] : memref<2x2500x128xi32, #tpu.memory_space<hbm>> -> memref<1x78x128xi32, #tpu.memory_space<hbm>>
    %dma_wait3A_75 = tpu.memref_squeeze %dma_wait3A_74 : memref<1x78x128xi32, #tpu.memory_space<hbm>> -> memref<78x128xi32, #tpu.memory_space<hbm>>
    %dma_wait3A_76 = tpu.memref_slice %arg12[%dma_wait3A_69] : memref<3x!tpu.dma_semaphore, #tpu.memory_space<semaphore_mem>> -> memref<1x!tpu.dma_semaphore, #tpu.memory_space<semaphore_mem>>
    %dma_wait3A_77 = tpu.memref_squeeze %dma_wait3A_76 : memref<1x!tpu.dma_semaphore, #tpu.memory_space<semaphore_mem>> -> memref<!tpu.dma_semaphore, #tpu.memory_space<semaphore_mem>>
    %dma_wait3A_78 = arith.constant 0 : i32
    %dma_wait3A_79 = arith.constant 0 : i32
    %dma_wait3A_80 = tpu.memref_slice %arg6[%dma_wait3A_78, %dma_wait3A_79] : memref<79x128xi32, #tpu.memory_space<vmem>> -> memref<78x128xi32, #tpu.memory_space<vmem>>
    %dma_wait3A_81 = arith.constant 0 : i32
    %dma_wait3A_82 = tpu.memref_slice %arg3[%dma_wait3A_68, %add3A_4, %dma_wait3A_81] : memref<2x2500x128xi32, #tpu.memory_space<hbm>> -> memref<1x78x128xi32, #tpu.memory_space<hbm>>
    %dma_wait3A_83 = tpu.memref_squeeze %dma_wait3A_82 : memref<1x78x128xi32, #tpu.memory_space<hbm>> -> memref<78x128xi32, #tpu.memory_space<hbm>>
    tpu.wait_dma2 semaphore(%dma_wait3A_77 : memref<!tpu.dma_semaphore, #tpu.memory_space<semaphore_mem>>) src(%dma_wait3A_83 : memref<78x128xi32, #tpu.memory_space<hbm>>) dst(%dma_wait3A_80 : memref<78x128xi32, #tpu.memory_space<vmem>>)
    %dma_wait3A_84 = arith.constant 1 : i32
    %dma_wait3A_85 = arith.constant 1 : i32
    %dma_wait3A_86 = arith.constant 0 : i32
    %dma_wait3A_87 = arith.constant 0 : i32
    %dma_wait3A_88 = tpu.memref_slice %arg7[%dma_wait3A_86, %dma_wait3A_87] : memref<79x128xi32, #tpu.memory_space<vmem>> -> memref<78x128xi32, #tpu.memory_space<vmem>>
    %dma_wait3A_89 = arith.constant 0 : i32
    %dma_wait3A_90 = tpu.memref_slice %arg3[%dma_wait3A_84, %add3A_4, %dma_wait3A_89] : memref<2x2500x128xi32, #tpu.memory_space<hbm>> -> memref<1x78x128xi32, #tpu.memory_space<hbm>>
    %dma_wait3A_91 = tpu.memref_squeeze %dma_wait3A_90 : memref<1x78x128xi32, #tpu.memory_space<hbm>> -> memref<78x128xi32, #tpu.memory_space<hbm>>
    %dma_wait3A_92 = tpu.memref_slice %arg12[%dma_wait3A_85] : memref<3x!tpu.dma_semaphore, #tpu.memory_space<semaphore_mem>> -> memref<1x!tpu.dma_semaphore, #tpu.memory_space<semaphore_mem>>
    %dma_wait3A_93 = tpu.memref_squeeze %dma_wait3A_92 : memref<1x!tpu.dma_semaphore, #tpu.memory_space<semaphore_mem>> -> memref<!tpu.dma_semaphore, #tpu.memory_space<semaphore_mem>>
    %dma_wait3A_94 = arith.constant 0 : i32
    %dma_wait3A_95 = arith.constant 0 : i32
    %dma_wait3A_96 = tpu.memref_slice %arg7[%dma_wait3A_94, %dma_wait3A_95] : memref<79x128xi32, #tpu.memory_space<vmem>> -> memref<78x128xi32, #tpu.memory_space<vmem>>
    %dma_wait3A_97 = arith.constant 0 : i32
    %dma_wait3A_98 = tpu.memref_slice %arg3[%dma_wait3A_84, %add3A_4, %dma_wait3A_97] : memref<2x2500x128xi32, #tpu.memory_space<hbm>> -> memref<1x78x128xi32, #tpu.memory_space<hbm>>
    %dma_wait3A_99 = tpu.memref_squeeze %dma_wait3A_98 : memref<1x78x128xi32, #tpu.memory_space<hbm>> -> memref<78x128xi32, #tpu.memory_space<hbm>>
    tpu.wait_dma2 semaphore(%dma_wait3A_93 : memref<!tpu.dma_semaphore, #tpu.memory_space<semaphore_mem>>) src(%dma_wait3A_99 : memref<78x128xi32, #tpu.memory_space<hbm>>) dst(%dma_wait3A_96 : memref<78x128xi32, #tpu.memory_space<vmem>>)
    %barrier3A = arith.constant 0 : index
    tpu.barrier barrier_id(%barrier3A)
    %add3A_100 = arith.constant 2 : i32
    %add3A_101 = arith.addi %add3A_7, %add3A_100 : i32
    %while3A = arith.constant 0 : i32
    %while3A_102 = arith.constant 0 : i32
    %while3A_103 = arith.subi %add3A_101, %while3A_102 : i32
    %while3A_104 = arith.addi %while3A_102, %while3A_103 : i32
    %while3A_105 = arith.constant 1 : i32
    %while3A_106 = arith.divsi %while3A_103, %while3A_105 : i32
    %while3A_107 = arith.muli %while3A_106, %while3A_105 : i32
    %while3A_108 = arith.addi %while3A_102, %while3A_107 : i32
    %while3A_109 = arith.constant 1 : i32
    scf.for %while3A_117 = %while3A_102 to %while3A_108 step %while3A_109  : i32 {
      %rem3A = arith.constant 3 : i32
      %rem3A_118 = arith.remsi %while3A_117, %rem3A : i32
      %ge3A = arith.constant 3 : i32
      %ge3A_119 = arith.cmpi sge, %while3A_117, %ge3A : i32
      %lt3A_120 = arith.cmpi slt, %while3A_117, %add3A_7 : i32
      %and3A = arith.andi %ge3A_119, %lt3A_120 : i1
      %convert_element_type3A_121 = arith.extui %and3A : i1 to i32
      %cond3A_122 = arith.constant 0 : i32
      %cond3A_123 = arith.cmpi ne, %convert_element_type3A_121, %cond3A_122 : i32
      scf.if %cond3A_123 {
        %dma_wait3A_134 = arith.constant 0 : i32
        %dma_wait3A_135 = arith.constant 0 : i32
        %dma_wait3A_136 = tpu.memref_slice %arg8[%rem3A_118, %dma_wait3A_134, %dma_wait3A_135] : memref<3x128x64xf32, #tpu.memory_space<vmem>> -> memref<1x128x64xf32, #tpu.memory_space<vmem>>
        %dma_wait3A_137 = tpu.memref_squeeze %dma_wait3A_136 : memref<1x128x64xf32, #tpu.memory_space<vmem>> -> memref<128x64xf32, #tpu.memory_space<vmem>>
        %dma_wait3A_138 = arith.constant 0 : i32
        %dma_wait3A_139 = tpu.memref_slice %arg7[%while3A_117, %dma_wait3A_138] : memref<79x128xi32, #tpu.memory_space<vmem>> -> memref<1x128xi32, #tpu.memory_space<vmem>>
        %dma_wait3A_140 = tpu.memref_squeeze %dma_wait3A_139 : memref<1x128xi32, #tpu.memory_space<vmem>> -> memref<128xi32, #tpu.memory_space<vmem>>
        %dma_wait3A_141 = arith.constant 0 : i32
        %dma_wait3A_142 = arith.constant 0 : i32
        %dma_wait3A_143 = tpu.memref_slice %arg10[%dma_wait3A_141, %dma_wait3A_142] : memref<10112x64xf32, #tpu.memory_space<vmem_shared>> -> memref<10112x64xf32, #tpu.memory_space<vmem_shared>>
        %dma_wait3A_144 = tpu.memref_slice %arg12[%rem3A_118] : memref<3x!tpu.dma_semaphore, #tpu.memory_space<semaphore_mem>> -> memref<1x!tpu.dma_semaphore, #tpu.memory_space<semaphore_mem>>
        %dma_wait3A_145 = tpu.memref_squeeze %dma_wait3A_144 : memref<1x!tpu.dma_semaphore, #tpu.memory_space<semaphore_mem>> -> memref<!tpu.dma_semaphore, #tpu.memory_space<semaphore_mem>>
        tpu.wait_indirect_dma semaphore(%dma_wait3A_145 : memref<!tpu.dma_semaphore, #tpu.memory_space<semaphore_mem>>) src(%dma_wait3A_137 : memref<128x64xf32, #tpu.memory_space<vmem>>) dst(%dma_wait3A_143 : memref<10112x64xf32, #tpu.memory_space<vmem_shared>>)
      } else {
      }
      %lt3A_124 = arith.cmpi slt, %while3A_117, %add3A_7 : i32
      %convert_element_type3A_125 = arith.extui %lt3A_124 : i1 to i32
      %cond3A_126 = arith.constant 0 : i32
      %cond3A_127 = arith.cmpi ne, %convert_element_type3A_125, %cond3A_126 : i32
      scf.if %cond3A_127 {
        %dma_start3A_134 = arith.constant 0 : i32
        %dma_start3A_135 = arith.constant 0 : i32
        %dma_start3A_136 = tpu.memref_slice %arg8[%rem3A_118, %dma_start3A_134, %dma_start3A_135] : memref<3x128x64xf32, #tpu.memory_space<vmem>> -> memref<1x128x64xf32, #tpu.memory_space<vmem>>
        %dma_start3A_137 = tpu.memref_squeeze %dma_start3A_136 : memref<1x128x64xf32, #tpu.memory_space<vmem>> -> memref<128x64xf32, #tpu.memory_space<vmem>>
        %dma_start3A_138 = arith.constant 0 : i32
        %dma_start3A_139 = tpu.memref_slice %arg6[%while3A_117, %dma_start3A_138] : memref<79x128xi32, #tpu.memory_space<vmem>> -> memref<1x128xi32, #tpu.memory_space<vmem>>
        %dma_start3A_140 = tpu.memref_squeeze %dma_start3A_139 : memref<1x128xi32, #tpu.memory_space<vmem>> -> memref<128xi32, #tpu.memory_space<vmem>>
        %dma_start3A_141 = arith.constant 0 : i32
        %dma_start3A_142 = arith.constant 0 : i32
        %dma_start3A_143 = tpu.memref_slice %arg9[%dma_start3A_141, %dma_start3A_142] : memref<10000x64xf32, #tpu.memory_space<vmem_shared>> -> memref<10000x64xf32, #tpu.memory_space<vmem_shared>>
        %dma_start3A_144 = tpu.memref_slice %arg11[%rem3A_118] : memref<3x!tpu.dma_semaphore, #tpu.memory_space<semaphore_mem>> -> memref<1x!tpu.dma_semaphore, #tpu.memory_space<semaphore_mem>>
        %dma_start3A_145 = tpu.memref_squeeze %dma_start3A_144 : memref<1x!tpu.dma_semaphore, #tpu.memory_space<semaphore_mem>> -> memref<!tpu.dma_semaphore, #tpu.memory_space<semaphore_mem>>
        tpu.enqueue_indirect_dma source(%dma_start3A_143 : memref<10000x64xf32, #tpu.memory_space<vmem_shared>>) target(%dma_start3A_137 : memref<128x64xf32, #tpu.memory_space<vmem>>) offsets(%dma_start3A_140 : memref<128xi32, #tpu.memory_space<vmem>>) semaphore(%dma_start3A_145 : memref<!tpu.dma_semaphore, #tpu.memory_space<semaphore_mem>>)
      } else {
      }
      %sub3A = arith.constant 2 : i32
      %sub3A_128 = arith.subi %while3A_117, %sub3A : i32
      %ge3A_129 = arith.constant 0 : i32
      %ge3A_130 = arith.cmpi sge, %sub3A_128, %ge3A_129 : i32
      %convert_element_type3A_131 = arith.extui %ge3A_130 : i1 to i32
      %cond3A_132 = arith.constant 0 : i32
      %cond3A_133 = arith.cmpi ne, %convert_element_type3A_131, %cond3A_132 : i32
      scf.if %cond3A_133 {
        %rem3A_134 = arith.constant 3 : i32
        %rem3A_135 = arith.remsi %sub3A_128, %rem3A_134 : i32
        %dma_wait3A_136 = arith.constant 0 : i32
        %dma_wait3A_137 = arith.constant 0 : i32
        %dma_wait3A_138 = tpu.memref_slice %arg8[%rem3A_135, %dma_wait3A_136, %dma_wait3A_137] : memref<3x128x64xf32, #tpu.memory_space<vmem>> -> memref<1x128x64xf32, #tpu.memory_space<vmem>>
        %dma_wait3A_139 = tpu.memref_squeeze %dma_wait3A_138 : memref<1x128x64xf32, #tpu.memory_space<vmem>> -> memref<128x64xf32, #tpu.memory_space<vmem>>
        %dma_wait3A_140 = arith.constant 0 : i32
        %dma_wait3A_141 = tpu.memref_slice %arg6[%sub3A_128, %dma_wait3A_140] : memref<79x128xi32, #tpu.memory_space<vmem>> -> memref<1x128xi32, #tpu.memory_space<vmem>>
        %dma_wait3A_142 = tpu.memref_squeeze %dma_wait3A_141 : memref<1x128xi32, #tpu.memory_space<vmem>> -> memref<128xi32, #tpu.memory_space<vmem>>
        %dma_wait3A_143 = arith.constant 0 : i32
        %dma_wait3A_144 = arith.constant 0 : i32
        %dma_wait3A_145 = tpu.memref_slice %arg9[%dma_wait3A_143, %dma_wait3A_144] : memref<10000x64xf32, #tpu.memory_space<vmem_shared>> -> memref<10000x64xf32, #tpu.memory_space<vmem_shared>>
        %dma_wait3A_146 = tpu.memref_slice %arg11[%rem3A_135] : memref<3x!tpu.dma_semaphore, #tpu.memory_space<semaphore_mem>> -> memref<1x!tpu.dma_semaphore, #tpu.memory_space<semaphore_mem>>
        %dma_wait3A_147 = tpu.memref_squeeze %dma_wait3A_146 : memref<1x!tpu.dma_semaphore, #tpu.memory_space<semaphore_mem>> -> memref<!tpu.dma_semaphore, #tpu.memory_space<semaphore_mem>>
        tpu.wait_indirect_dma semaphore(%dma_wait3A_147 : memref<!tpu.dma_semaphore, #tpu.memory_space<semaphore_mem>>) src(%dma_wait3A_145 : memref<10000x64xf32, #tpu.memory_space<vmem_shared>>) dst(%dma_wait3A_139 : memref<128x64xf32, #tpu.memory_space<vmem>>)
        %dma_start3A_148 = arith.constant 0 : i32
        %dma_start3A_149 = arith.constant 0 : i32
        %dma_start3A_150 = tpu.memref_slice %arg8[%rem3A_135, %dma_start3A_148, %dma_start3A_149] : memref<3x128x64xf32, #tpu.memory_space<vmem>> -> memref<1x128x64xf32, #tpu.memory_space<vmem>>
        %dma_start3A_151 = tpu.memref_squeeze %dma_start3A_150 : memref<1x128x64xf32, #tpu.memory_space<vmem>> -> memref<128x64xf32, #tpu.memory_space<vmem>>
        %dma_start3A_152 = arith.constant 0 : i32
        %dma_start3A_153 = tpu.memref_slice %arg7[%sub3A_128, %dma_start3A_152] : memref<79x128xi32, #tpu.memory_space<vmem>> -> memref<1x128xi32, #tpu.memory_space<vmem>>
        %dma_start3A_154 = tpu.memref_squeeze %dma_start3A_153 : memref<1x128xi32, #tpu.memory_space<vmem>> -> memref<128xi32, #tpu.memory_space<vmem>>
        %dma_start3A_155 = arith.constant 0 : i32
        %dma_start3A_156 = arith.constant 0 : i32
        %dma_start3A_157 = tpu.memref_slice %arg10[%dma_start3A_155, %dma_start3A_156] : memref<10112x64xf32, #tpu.memory_space<vmem_shared>> -> memref<10112x64xf32, #tpu.memory_space<vmem_shared>>
        %dma_start3A_158 = tpu.memref_slice %arg12[%rem3A_135] : memref<3x!tpu.dma_semaphore, #tpu.memory_space<semaphore_mem>> -> memref<1x!tpu.dma_semaphore, #tpu.memory_space<semaphore_mem>>
        %dma_start3A_159 = tpu.memref_squeeze %dma_start3A_158 : memref<1x!tpu.dma_semaphore, #tpu.memory_space<semaphore_mem>> -> memref<!tpu.dma_semaphore, #tpu.memory_space<semaphore_mem>>
        tpu.enqueue_indirect_dma source(%dma_start3A_151 : memref<128x64xf32, #tpu.memory_space<vmem>>) target(%dma_start3A_157 : memref<10112x64xf32, #tpu.memory_space<vmem_shared>>) offsets(%dma_start3A_154 : memref<128xi32, #tpu.memory_space<vmem>>) semaphore(%dma_start3A_159 : memref<!tpu.dma_semaphore, #tpu.memory_space<semaphore_mem>>) {add = true}
      } else {
      }
    }
    %while3A_110 = arith.constant 1 : i32
    scf.for %while3A_117 = %while3A_108 to %while3A_104 step %while3A_110  : i32 {
      %rem3A = arith.constant 3 : i32
      %rem3A_118 = arith.remsi %while3A_117, %rem3A : i32
      %ge3A = arith.constant 3 : i32
      %ge3A_119 = arith.cmpi sge, %while3A_117, %ge3A : i32
      %lt3A_120 = arith.cmpi slt, %while3A_117, %add3A_7 : i32
      %and3A = arith.andi %ge3A_119, %lt3A_120 : i1
      %convert_element_type3A_121 = arith.extui %and3A : i1 to i32
      %cond3A_122 = arith.constant 0 : i32
      %cond3A_123 = arith.cmpi ne, %convert_element_type3A_121, %cond3A_122 : i32
      scf.if %cond3A_123 {
        %dma_wait3A_134 = arith.constant 0 : i32
        %dma_wait3A_135 = arith.constant 0 : i32
        %dma_wait3A_136 = tpu.memref_slice %arg8[%rem3A_118, %dma_wait3A_134, %dma_wait3A_135] : memref<3x128x64xf32, #tpu.memory_space<vmem>> -> memref<1x128x64xf32, #tpu.memory_space<vmem>>
        %dma_wait3A_137 = tpu.memref_squeeze %dma_wait3A_136 : memref<1x128x64xf32, #tpu.memory_space<vmem>> -> memref<128x64xf32, #tpu.memory_space<vmem>>
        %dma_wait3A_138 = arith.constant 0 : i32
        %dma_wait3A_139 = tpu.memref_slice %arg7[%while3A_117, %dma_wait3A_138] : memref<79x128xi32, #tpu.memory_space<vmem>> -> memref<1x128xi32, #tpu.memory_space<vmem>>
        %dma_wait3A_140 = tpu.memref_squeeze %dma_wait3A_139 : memref<1x128xi32, #tpu.memory_space<vmem>> -> memref<128xi32, #tpu.memory_space<vmem>>
        %dma_wait3A_141 = arith.constant 0 : i32
        %dma_wait3A_142 = arith.constant 0 : i32
        %dma_wait3A_143 = tpu.memref_slice %arg10[%dma_wait3A_141, %dma_wait3A_142] : memref<10112x64xf32, #tpu.memory_space<vmem_shared>> -> memref<10112x64xf32, #tpu.memory_space<vmem_shared>>
        %dma_wait3A_144 = tpu.memref_slice %arg12[%rem3A_118] : memref<3x!tpu.dma_semaphore, #tpu.memory_space<semaphore_mem>> -> memref<1x!tpu.dma_semaphore, #tpu.memory_space<semaphore_mem>>
        %dma_wait3A_145 = tpu.memref_squeeze %dma_wait3A_144 : memref<1x!tpu.dma_semaphore, #tpu.memory_space<semaphore_mem>> -> memref<!tpu.dma_semaphore, #tpu.memory_space<semaphore_mem>>
        tpu.wait_indirect_dma semaphore(%dma_wait3A_145 : memref<!tpu.dma_semaphore, #tpu.memory_space<semaphore_mem>>) src(%dma_wait3A_137 : memref<128x64xf32, #tpu.memory_space<vmem>>) dst(%dma_wait3A_143 : memref<10112x64xf32, #tpu.memory_space<vmem_shared>>)
      } else {
      }
      %lt3A_124 = arith.cmpi slt, %while3A_117, %add3A_7 : i32
      %convert_element_type3A_125 = arith.extui %lt3A_124 : i1 to i32
      %cond3A_126 = arith.constant 0 : i32
      %cond3A_127 = arith.cmpi ne, %convert_element_type3A_125, %cond3A_126 : i32
      scf.if %cond3A_127 {
        %dma_start3A_134 = arith.constant 0 : i32
        %dma_start3A_135 = arith.constant 0 : i32
        %dma_start3A_136 = tpu.memref_slice %arg8[%rem3A_118, %dma_start3A_134, %dma_start3A_135] : memref<3x128x64xf32, #tpu.memory_space<vmem>> -> memref<1x128x64xf32, #tpu.memory_space<vmem>>
        %dma_start3A_137 = tpu.memref_squeeze %dma_start3A_136 : memref<1x128x64xf32, #tpu.memory_space<vmem>> -> memref<128x64xf32, #tpu.memory_space<vmem>>
        %dma_start3A_138 = arith.constant 0 : i32
        %dma_start3A_139 = tpu.memref_slice %arg6[%while3A_117, %dma_start3A_138] : memref<79x128xi32, #tpu.memory_space<vmem>> -> memref<1x128xi32, #tpu.memory_space<vmem>>
        %dma_start3A_140 = tpu.memref_squeeze %dma_start3A_139 : memref<1x128xi32, #tpu.memory_space<vmem>> -> memref<128xi32, #tpu.memory_space<vmem>>
        %dma_start3A_141 = arith.constant 0 : i32
        %dma_start3A_142 = arith.constant 0 : i32
        %dma_start3A_143 = tpu.memref_slice %arg9[%dma_start3A_141, %dma_start3A_142] : memref<10000x64xf32, #tpu.memory_space<vmem_shared>> -> memref<10000x64xf32, #tpu.memory_space<vmem_shared>>
        %dma_start3A_144 = tpu.memref_slice %arg11[%rem3A_118] : memref<3x!tpu.dma_semaphore, #tpu.memory_space<semaphore_mem>> -> memref<1x!tpu.dma_semaphore, #tpu.memory_space<semaphore_mem>>
        %dma_start3A_145 = tpu.memref_squeeze %dma_start3A_144 : memref<1x!tpu.dma_semaphore, #tpu.memory_space<semaphore_mem>> -> memref<!tpu.dma_semaphore, #tpu.memory_space<semaphore_mem>>
        tpu.enqueue_indirect_dma source(%dma_start3A_143 : memref<10000x64xf32, #tpu.memory_space<vmem_shared>>) target(%dma_start3A_137 : memref<128x64xf32, #tpu.memory_space<vmem>>) offsets(%dma_start3A_140 : memref<128xi32, #tpu.memory_space<vmem>>) semaphore(%dma_start3A_145 : memref<!tpu.dma_semaphore, #tpu.memory_space<semaphore_mem>>)
      } else {
      }
      %sub3A = arith.constant 2 : i32
      %sub3A_128 = arith.subi %while3A_117, %sub3A : i32
      %ge3A_129 = arith.constant 0 : i32
      %ge3A_130 = arith.cmpi sge, %sub3A_128, %ge3A_129 : i32
      %convert_element_type3A_131 = arith.extui %ge3A_130 : i1 to i32
      %cond3A_132 = arith.constant 0 : i32
      %cond3A_133 = arith.cmpi ne, %convert_element_type3A_131, %cond3A_132 : i32
      scf.if %cond3A_133 {
        %rem3A_134 = arith.constant 3 : i32
        %rem3A_135 = arith.remsi %sub3A_128, %rem3A_134 : i32
        %dma_wait3A_136 = arith.constant 0 : i32
        %dma_wait3A_137 = arith.constant 0 : i32
        %dma_wait3A_138 = tpu.memref_slice %arg8[%rem3A_135, %dma_wait3A_136, %dma_wait3A_137] : memref<3x128x64xf32, #tpu.memory_space<vmem>> -> memref<1x128x64xf32, #tpu.memory_space<vmem>>
        %dma_wait3A_139 = tpu.memref_squeeze %dma_wait3A_138 : memref<1x128x64xf32, #tpu.memory_space<vmem>> -> memref<128x64xf32, #tpu.memory_space<vmem>>
        %dma_wait3A_140 = arith.constant 0 : i32
        %dma_wait3A_141 = tpu.memref_slice %arg6[%sub3A_128, %dma_wait3A_140] : memref<79x128xi32, #tpu.memory_space<vmem>> -> memref<1x128xi32, #tpu.memory_space<vmem>>
        %dma_wait3A_142 = tpu.memref_squeeze %dma_wait3A_141 : memref<1x128xi32, #tpu.memory_space<vmem>> -> memref<128xi32, #tpu.memory_space<vmem>>
        %dma_wait3A_143 = arith.constant 0 : i32
        %dma_wait3A_144 = arith.constant 0 : i32
        %dma_wait3A_145 = tpu.memref_slice %arg9[%dma_wait3A_143, %dma_wait3A_144] : memref<10000x64xf32, #tpu.memory_space<vmem_shared>> -> memref<10000x64xf32, #tpu.memory_space<vmem_shared>>
        %dma_wait3A_146 = tpu.memref_slice %arg11[%rem3A_135] : memref<3x!tpu.dma_semaphore, #tpu.memory_space<semaphore_mem>> -> memref<1x!tpu.dma_semaphore, #tpu.memory_space<semaphore_mem>>
        %dma_wait3A_147 = tpu.memref_squeeze %dma_wait3A_146 : memref<1x!tpu.dma_semaphore, #tpu.memory_space<semaphore_mem>> -> memref<!tpu.dma_semaphore, #tpu.memory_space<semaphore_mem>>
        tpu.wait_indirect_dma semaphore(%dma_wait3A_147 : memref<!tpu.dma_semaphore, #tpu.memory_space<semaphore_mem>>) src(%dma_wait3A_145 : memref<10000x64xf32, #tpu.memory_space<vmem_shared>>) dst(%dma_wait3A_139 : memref<128x64xf32, #tpu.memory_space<vmem>>)
        %dma_start3A_148 = arith.constant 0 : i32
        %dma_start3A_149 = arith.constant 0 : i32
        %dma_start3A_150 = tpu.memref_slice %arg8[%rem3A_135, %dma_start3A_148, %dma_start3A_149] : memref<3x128x64xf32, #tpu.memory_space<vmem>> -> memref<1x128x64xf32, #tpu.memory_space<vmem>>
        %dma_start3A_151 = tpu.memref_squeeze %dma_start3A_150 : memref<1x128x64xf32, #tpu.memory_space<vmem>> -> memref<128x64xf32, #tpu.memory_space<vmem>>
        %dma_start3A_152 = arith.constant 0 : i32
        %dma_start3A_153 = tpu.memref_slice %arg7[%sub3A_128, %dma_start3A_152] : memref<79x128xi32, #tpu.memory_space<vmem>> -> memref<1x128xi32, #tpu.memory_space<vmem>>
        %dma_start3A_154 = tpu.memref_squeeze %dma_start3A_153 : memref<1x128xi32, #tpu.memory_space<vmem>> -> memref<128xi32, #tpu.memory_space<vmem>>
        %dma_start3A_155 = arith.constant 0 : i32
        %dma_start3A_156 = arith.constant 0 : i32
        %dma_start3A_157 = tpu.memref_slice %arg10[%dma_start3A_155, %dma_start3A_156] : memref<10112x64xf32, #tpu.memory_space<vmem_shared>> -> memref<10112x64xf32, #tpu.memory_space<vmem_shared>>
        %dma_start3A_158 = tpu.memref_slice %arg12[%rem3A_135] : memref<3x!tpu.dma_semaphore, #tpu.memory_space<semaphore_mem>> -> memref<1x!tpu.dma_semaphore, #tpu.memory_space<semaphore_mem>>
        %dma_start3A_159 = tpu.memref_squeeze %dma_start3A_158 : memref<1x!tpu.dma_semaphore, #tpu.memory_space<semaphore_mem>> -> memref<!tpu.dma_semaphore, #tpu.memory_space<semaphore_mem>>
        tpu.enqueue_indirect_dma source(%dma_start3A_151 : memref<128x64xf32, #tpu.memory_space<vmem>>) target(%dma_start3A_157 : memref<10112x64xf32, #tpu.memory_space<vmem_shared>>) offsets(%dma_start3A_154 : memref<128xi32, #tpu.memory_space<vmem>>) semaphore(%dma_start3A_159 : memref<!tpu.dma_semaphore, #tpu.memory_space<semaphore_mem>>) {add = true}
      } else {
      }
    }
    %scan3A = arith.constant 0 : i32
    %scan3A_111 = arith.constant 0 : i32
    %scan3A_112 = arith.constant 3 : i32
    %scan3A_113 = arith.addi %scan3A_111, %scan3A_112 : i32
    %scan3A_114 = arith.constant 1 : i32
    scf.for %scan3A_117 = %scan3A_111 to %scan3A_113 step %scan3A_114  : i32 {
      %dma_wait3A_118 = arith.constant 0 : i32
      %dma_wait3A_119 = arith.constant 0 : i32
      %dma_wait3A_120 = arith.constant 0 : i32
      %dma_wait3A_121 = tpu.memref_slice %arg8[%scan3A_117, %dma_wait3A_119, %dma_wait3A_120] : memref<3x128x64xf32, #tpu.memory_space<vmem>> -> memref<1x128x64xf32, #tpu.memory_space<vmem>>
      %dma_wait3A_122 = tpu.memref_squeeze %dma_wait3A_121 : memref<1x128x64xf32, #tpu.memory_space<vmem>> -> memref<128x64xf32, #tpu.memory_space<vmem>>
      %dma_wait3A_123 = arith.constant 0 : i32
      %dma_wait3A_124 = tpu.memref_slice %arg7[%dma_wait3A_118, %dma_wait3A_123] : memref<79x128xi32, #tpu.memory_space<vmem>> -> memref<1x128xi32, #tpu.memory_space<vmem>>
      %dma_wait3A_125 = tpu.memref_squeeze %dma_wait3A_124 : memref<1x128xi32, #tpu.memory_space<vmem>> -> memref<128xi32, #tpu.memory_space<vmem>>
      %dma_wait3A_126 = arith.constant 0 : i32
      %dma_wait3A_127 = arith.constant 0 : i32
      %dma_wait3A_128 = tpu.memref_slice %arg10[%dma_wait3A_126, %dma_wait3A_127] : memref<10112x64xf32, #tpu.memory_space<vmem_shared>> -> memref<10112x64xf32, #tpu.memory_space<vmem_shared>>
      %dma_wait3A_129 = tpu.memref_slice %arg12[%scan3A_117] : memref<3x!tpu.dma_semaphore, #tpu.memory_space<semaphore_mem>> -> memref<1x!tpu.dma_semaphore, #tpu.memory_space<semaphore_mem>>
      %dma_wait3A_130 = tpu.memref_squeeze %dma_wait3A_129 : memref<1x!tpu.dma_semaphore, #tpu.memory_space<semaphore_mem>> -> memref<!tpu.dma_semaphore, #tpu.memory_space<semaphore_mem>>
      tpu.wait_indirect_dma semaphore(%dma_wait3A_130 : memref<!tpu.dma_semaphore, #tpu.memory_space<semaphore_mem>>) src(%dma_wait3A_122 : memref<128x64xf32, #tpu.memory_space<vmem>>) dst(%dma_wait3A_128 : memref<10112x64xf32, #tpu.memory_space<vmem_shared>>)
    }
    %scan3A_115 = arith.constant 3 : i32
    %barrier3A_116 = arith.constant 0 : index
    tpu.barrier barrier_id(%barrier3A_116)
    "tpu.region"() ({
      %run_scoped3A = tpu.sem_alloc : memref<!tpu.dma_semaphore, #tpu.memory_space<semaphore_mem>>
      %dma_start3A_117 = arith.constant 0 : i32
      %dma_start3A_118 = tpu.memref_slice %arg5[%arg0, %mul3A_9, %dma_start3A_117] : memref<2x10112x64xf32, #tpu.memory_space<hbm>> -> memref<1x632x64xf32, #tpu.memory_space<hbm>>
      %dma_start3A_119 = tpu.memref_squeeze %dma_start3A_118 : memref<1x632x64xf32, #tpu.memory_space<hbm>> -> memref<632x64xf32, #tpu.memory_space<hbm>>
      %dma_start3A_120 = arith.constant 0 : i32
      %dma_start3A_121 = tpu.memref_slice %arg10[%mul3A_9, %dma_start3A_120] : memref<10112x64xf32, #tpu.memory_space<vmem_shared>> -> memref<632x64xf32, #tpu.memory_space<vmem_shared>>
      tpu.enqueue_dma source(%dma_start3A_121 : memref<632x64xf32, #tpu.memory_space<vmem_shared>>) target(%dma_start3A_119 : memref<632x64xf32, #tpu.memory_space<hbm>>) target_semaphore(%run_scoped3A : memref<!tpu.dma_semaphore, #tpu.memory_space<semaphore_mem>>)
      %dma_wait3A_122 = arith.constant 0 : i32
      %dma_wait3A_123 = tpu.memref_slice %arg5[%arg0, %mul3A_9, %dma_wait3A_122] : memref<2x10112x64xf32, #tpu.memory_space<hbm>> -> memref<1x632x64xf32, #tpu.memory_space<hbm>>
      %dma_wait3A_124 = tpu.memref_squeeze %dma_wait3A_123 : memref<1x632x64xf32, #tpu.memory_space<hbm>> -> memref<632x64xf32, #tpu.memory_space<hbm>>
      %dma_wait3A_125 = arith.constant 0 : i32
      %dma_wait3A_126 = tpu.memref_slice %arg10[%mul3A_9, %dma_wait3A_125] : memref<10112x64xf32, #tpu.memory_space<vmem_shared>> -> memref<632x64xf32, #tpu.memory_space<vmem_shared>>
      tpu.wait_dma2 semaphore(%run_scoped3A : memref<!tpu.dma_semaphore, #tpu.memory_space<semaphore_mem>>) src(%dma_wait3A_126 : memref<632x64xf32, #tpu.memory_space<vmem_shared>>) dst(%dma_wait3A_124 : memref<632x64xf32, #tpu.memory_space<hbm>>)
      tpu.yield
    }) : () -> ()
    return
  }
}

#map = affine_map<(d0, d1) -> (0, 0)>
#map1 = affine_map<(d0, d1) -> (0, 0, 0)>
module attributes {stable_mosaic.version = 14 : i64} {
  func.func @_sc_conv_body(%arg0: i32, %arg1: i32, %arg2: memref<10000x64xf32, #tpu.memory_space<hbm>>, %arg3: memref<2x2500x128xi32, #tpu.memory_space<hbm>>, %arg4: memref<10112x64xf32, #tpu.memory_space<hbm>>, %arg5: memref<2x10112x64xf32, #tpu.memory_space<hbm>>, %arg6: memref<79x128xi32, #tpu.memory_space<vmem>>, %arg7: memref<79x128xi32, #tpu.memory_space<vmem>>, %arg8: memref<3x128x64xf32, #tpu.memory_space<vmem>>, %arg9: memref<10000x64xf32, #tpu.memory_space<vmem_shared>>, %arg10: memref<10112x64xf32, #tpu.memory_space<vmem_shared>>, %arg11: memref<3x!tpu.dma_semaphore, #tpu.memory_space<semaphore_mem>>, %arg12: memref<3x!tpu.dma_semaphore, #tpu.memory_space<semaphore_mem>>) attributes {dimension_semantics = [#tpu.dimension_semantics<core_parallel>, #tpu.dimension_semantics<subcore_parallel>], iteration_bounds = array<i64: 2, 16>, scalar_prefetch = 0 : i64, scratch_operands = 7 : i64, tpu.core_type = #tpu.core_type<sc_vector_subcore>, window_params = [{transform_indices = #map}, {transform_indices = #map1}, {transform_indices = #map}, {transform_indices = #map1}]} {
    %mul3A = arith.constant 2 : i32
    %mul3A_0 = arith.muli %arg1, %mul3A : i32
    %add3A = arith.addi %mul3A_0, %arg0 : i32
    %mul3A_1 = arith.constant 78 : i32
    %mul3A_2 = arith.muli %mul3A_1, %add3A : i32
    %min3A = arith.constant 4 : i32
    %min3A_3 = arith.minsi %add3A, %min3A : i32
    %add3A_4 = arith.addi %mul3A_2, %min3A_3 : i32
    %lt3A = arith.constant 4 : i32
    %lt3A_5 = arith.cmpi slt, %add3A, %lt3A : i32
    %convert_element_type3A = arith.extui %lt3A_5 : i1 to i32
    %add3A_6 = arith.constant 78 : i32
    %add3A_7 = arith.addi %add3A_6, %convert_element_type3A : i32
    %mul3A_8 = arith.constant 632 : i32
    %mul3A_9 = arith.muli %arg1, %mul3A_8 : i32
    %dma_start3A = arith.constant 0 : i32
    %dma_start3A_10 = tpu.memref_slice %arg11[%dma_start3A] : memref<3x!tpu.dma_semaphore, #tpu.memory_space<semaphore_mem>> -> memref<1x!tpu.dma_semaphore, #tpu.memory_space<semaphore_mem>>
    %dma_start3A_11 = tpu.memref_squeeze %dma_start3A_10 : memref<1x!tpu.dma_semaphore, #tpu.memory_space<semaphore_mem>> -> memref<!tpu.dma_semaphore, #tpu.memory_space<semaphore_mem>>
    %dma_start3A_12 = arith.constant 0 : i32
    %dma_start3A_13 = tpu.memref_slice %arg10[%mul3A_9, %dma_start3A_12] : memref<10112x64xf32, #tpu.memory_space<vmem_shared>> -> memref<632x64xf32, #tpu.memory_space<vmem_shared>>
    %dma_start3A_14 = arith.constant 0 : i32
    %dma_start3A_15 = tpu.memref_slice %arg4[%mul3A_9, %dma_start3A_14] : memref<10112x64xf32, #tpu.memory_space<hbm>> -> memref<632x64xf32, #tpu.memory_space<hbm>>
    tpu.enqueue_dma source(%dma_start3A_15 : memref<632x64xf32, #tpu.memory_space<hbm>>) target(%dma_start3A_13 : memref<632x64xf32, #tpu.memory_space<vmem_shared>>) target_semaphore(%dma_start3A_11 : memref<!tpu.dma_semaphore, #tpu.memory_space<semaphore_mem>>)
    %lt3A_16 = arith.constant 10 : i32
    %lt3A_17 = arith.cmpi slt, %arg1, %lt3A_16 : i32
    %convert_element_type3A_18 = arith.extui %lt3A_17 : i1 to i32
    %cond3A = arith.constant 0 : i32
    %cond3A_19 = arith.cmpi ne, %convert_element_type3A_18, %cond3A : i32
    scf.if %cond3A_19 {
      %mul3A_117 = arith.constant 1000 : i32
      %mul3A_118 = arith.muli %arg1, %mul3A_117 : i32
      %mul3A_119 = arith.constant 1000 : i32
      %mul3A_120 = arith.muli %arg1, %mul3A_119 : i32
      %dma_start3A_121 = arith.constant 1 : i32
      %dma_start3A_122 = tpu.memref_slice %arg11[%dma_start3A_121] : memref<3x!tpu.dma_semaphore, #tpu.memory_space<semaphore_mem>> -> memref<1x!tpu.dma_semaphore, #tpu.memory_space<semaphore_mem>>
      %dma_start3A_123 = tpu.memref_squeeze %dma_start3A_122 : memref<1x!tpu.dma_semaphore, #tpu.memory_space<semaphore_mem>> -> memref<!tpu.dma_semaphore, #tpu.memory_space<semaphore_mem>>
      %dma_start3A_124 = arith.constant 0 : i32
      %dma_start3A_125 = tpu.memref_slice %arg9[%mul3A_120, %dma_start3A_124] : memref<10000x64xf32, #tpu.memory_space<vmem_shared>> -> memref<1000x64xf32, #tpu.memory_space<vmem_shared>>
      %dma_start3A_126 = arith.constant 0 : i32
      %dma_start3A_127 = tpu.memref_slice %arg2[%mul3A_118, %dma_start3A_126] : memref<10000x64xf32, #tpu.memory_space<hbm>> -> memref<1000x64xf32, #tpu.memory_space<hbm>>
      tpu.enqueue_dma source(%dma_start3A_127 : memref<1000x64xf32, #tpu.memory_space<hbm>>) target(%dma_start3A_125 : memref<1000x64xf32, #tpu.memory_space<vmem_shared>>) target_semaphore(%dma_start3A_123 : memref<!tpu.dma_semaphore, #tpu.memory_space<semaphore_mem>>)
    } else {
    }
    %dma_start3A_20 = arith.constant 0 : i32
    %dma_start3A_21 = arith.constant 0 : i32
    %dma_start3A_22 = arith.constant 0 : i32
    %dma_start3A_23 = arith.constant 0 : i32
    %dma_start3A_24 = tpu.memref_slice %arg6[%dma_start3A_22, %dma_start3A_23] : memref<79x128xi32, #tpu.memory_space<vmem>> -> memref<78x128xi32, #tpu.memory_space<vmem>>
    %dma_start3A_25 = arith.constant 0 : i32
    %dma_start3A_26 = tpu.memref_slice %arg3[%dma_start3A_20, %add3A_4, %dma_start3A_25] : memref<2x2500x128xi32, #tpu.memory_space<hbm>> -> memref<1x78x128xi32, #tpu.memory_space<hbm>>
    %dma_start3A_27 = tpu.memref_squeeze %dma_start3A_26 : memref<1x78x128xi32, #tpu.memory_space<hbm>> -> memref<78x128xi32, #tpu.memory_space<hbm>>
    %dma_start3A_28 = tpu.memref_slice %arg12[%dma_start3A_21] : memref<3x!tpu.dma_semaphore, #tpu.memory_space<semaphore_mem>> -> memref<1x!tpu.dma_semaphore, #tpu.memory_space<semaphore_mem>>
    %dma_start3A_29 = tpu.memref_squeeze %dma_start3A_28 : memref<1x!tpu.dma_semaphore, #tpu.memory_space<semaphore_mem>> -> memref<!tpu.dma_semaphore, #tpu.memory_space<semaphore_mem>>
    %dma_start3A_30 = arith.constant 0 : i32
    %dma_start3A_31 = arith.constant 0 : i32
    %dma_start3A_32 = tpu.memref_slice %arg6[%dma_start3A_30, %dma_start3A_31] : memref<79x128xi32, #tpu.memory_space<vmem>> -> memref<78x128xi32, #tpu.memory_space<vmem>>
    %dma_start3A_33 = arith.constant 0 : i32
    %dma_start3A_34 = tpu.memref_slice %arg3[%dma_start3A_20, %add3A_4, %dma_start3A_33] : memref<2x2500x128xi32, #tpu.memory_space<hbm>> -> memref<1x78x128xi32, #tpu.memory_space<hbm>>
    %dma_start3A_35 = tpu.memref_squeeze %dma_start3A_34 : memref<1x78x128xi32, #tpu.memory_space<hbm>> -> memref<78x128xi32, #tpu.memory_space<hbm>>
    tpu.enqueue_dma source(%dma_start3A_35 : memref<78x128xi32, #tpu.memory_space<hbm>>) target(%dma_start3A_32 : memref<78x128xi32, #tpu.memory_space<vmem>>) target_semaphore(%dma_start3A_29 : memref<!tpu.dma_semaphore, #tpu.memory_space<semaphore_mem>>)
    %dma_start3A_36 = arith.constant 1 : i32
    %dma_start3A_37 = arith.constant 1 : i32
    %dma_start3A_38 = arith.constant 0 : i32
    %dma_start3A_39 = arith.constant 0 : i32
    %dma_start3A_40 = tpu.memref_slice %arg7[%dma_start3A_38, %dma_start3A_39] : memref<79x128xi32, #tpu.memory_space<vmem>> -> memref<78x128xi32, #tpu.memory_space<vmem>>
    %dma_start3A_41 = arith.constant 0 : i32
    %dma_start3A_42 = tpu.memref_slice %arg3[%dma_start3A_36, %add3A_4, %dma_start3A_41] : memref<2x2500x128xi32, #tpu.memory_space<hbm>> -> memref<1x78x128xi32, #tpu.memory_space<hbm>>
    %dma_start3A_43 = tpu.memref_squeeze %dma_start3A_42 : memref<1x78x128xi32, #tpu.memory_space<hbm>> -> memref<78x128xi32, #tpu.memory_space<hbm>>
    %dma_start3A_44 = tpu.memref_slice %arg12[%dma_start3A_37] : memref<3x!tpu.dma_semaphore, #tpu.memory_space<semaphore_mem>> -> memref<1x!tpu.dma_semaphore, #tpu.memory_space<semaphore_mem>>
    %dma_start3A_45 = tpu.memref_squeeze %dma_start3A_44 : memref<1x!tpu.dma_semaphore, #tpu.memory_space<semaphore_mem>> -> memref<!tpu.dma_semaphore, #tpu.memory_space<semaphore_mem>>
    %dma_start3A_46 = arith.constant 0 : i32
    %dma_start3A_47 = arith.constant 0 : i32
    %dma_start3A_48 = tpu.memref_slice %arg7[%dma_start3A_46, %dma_start3A_47] : memref<79x128xi32, #tpu.memory_space<vmem>> -> memref<78x128xi32, #tpu.memory_space<vmem>>
    %dma_start3A_49 = arith.constant 0 : i32
    %dma_start3A_50 = tpu.memref_slice %arg3[%dma_start3A_36, %add3A_4, %dma_start3A_49] : memref<2x2500x128xi32, #tpu.memory_space<hbm>> -> memref<1x78x128xi32, #tpu.memory_space<hbm>>
    %dma_start3A_51 = tpu.memref_squeeze %dma_start3A_50 : memref<1x78x128xi32, #tpu.memory_space<hbm>> -> memref<78x128xi32, #tpu.memory_space<hbm>>
    tpu.enqueue_dma source(%dma_start3A_51 : memref<78x128xi32, #tpu.memory_space<hbm>>) target(%dma_start3A_48 : memref<78x128xi32, #tpu.memory_space<vmem>>) target_semaphore(%dma_start3A_45 : memref<!tpu.dma_semaphore, #tpu.memory_space<semaphore_mem>>)
    %lt3A_52 = arith.constant 4 : i32
    %lt3A_53 = arith.cmpi slt, %add3A, %lt3A_52 : i32
    %convert_element_type3A_54 = arith.extui %lt3A_53 : i1 to i32
    %cond3A_55 = arith.constant 0 : i32
    %cond3A_56 = arith.cmpi ne, %convert_element_type3A_54, %cond3A_55 : i32
    scf.if %cond3A_56 {
      %add3A_117 = arith.constant 78 : i32
      %add3A_118 = arith.addi %add3A_4, %add3A_117 : i32
      %run_scoped3A = arith.constant 0 : i32
      "tpu.region"() ({
        %run_scoped3A_122 = tpu.sem_alloc : memref<!tpu.dma_semaphore, #tpu.memory_space<semaphore_mem>>
        %dma_start3A_123 = arith.constant 78 : i32
        %dma_start3A_124 = arith.constant 0 : i32
        %dma_start3A_125 = tpu.memref_slice %arg6[%dma_start3A_123, %dma_start3A_124] : memref<79x128xi32, #tpu.memory_space<vmem>> -> memref<1x128xi32, #tpu.memory_space<vmem>>
        %dma_start3A_126 = arith.constant 0 : i32
        %dma_start3A_127 = tpu.memref_slice %arg3[%run_scoped3A, %add3A_118, %dma_start3A_126] : memref<2x2500x128xi32, #tpu.memory_space<hbm>> -> memref<1x1x128xi32, #tpu.memory_space<hbm>>
        %dma_start3A_128 = tpu.memref_squeeze %dma_start3A_127 : memref<1x1x128xi32, #tpu.memory_space<hbm>> -> memref<1x128xi32, #tpu.memory_space<hbm>>
        %dma_start3A_129 = arith.constant 78 : i32
        %dma_start3A_130 = arith.constant 0 : i32
        %dma_start3A_131 = tpu.memref_slice %arg6[%dma_start3A_129, %dma_start3A_130] : memref<79x128xi32, #tpu.memory_space<vmem>> -> memref<1x128xi32, #tpu.memory_space<vmem>>
        %dma_start3A_132 = arith.constant 0 : i32
        %dma_start3A_133 = tpu.memref_slice %arg3[%run_scoped3A, %add3A_118, %dma_start3A_132] : memref<2x2500x128xi32, #tpu.memory_space<hbm>> -> memref<1x1x128xi32, #tpu.memory_space<hbm>>
        %dma_start3A_134 = tpu.memref_squeeze %dma_start3A_133 : memref<1x1x128xi32, #tpu.memory_space<hbm>> -> memref<1x128xi32, #tpu.memory_space<hbm>>
        tpu.enqueue_dma source(%dma_start3A_134 : memref<1x128xi32, #tpu.memory_space<hbm>>) target(%dma_start3A_131 : memref<1x128xi32, #tpu.memory_space<vmem>>) target_semaphore(%run_scoped3A_122 : memref<!tpu.dma_semaphore, #tpu.memory_space<semaphore_mem>>)
        %dma_wait3A_135 = arith.constant 78 : i32
        %dma_wait3A_136 = arith.constant 0 : i32
        %dma_wait3A_137 = tpu.memref_slice %arg6[%dma_wait3A_135, %dma_wait3A_136] : memref<79x128xi32, #tpu.memory_space<vmem>> -> memref<1x128xi32, #tpu.memory_space<vmem>>
        %dma_wait3A_138 = arith.constant 0 : i32
        %dma_wait3A_139 = tpu.memref_slice %arg3[%run_scoped3A, %add3A_118, %dma_wait3A_138] : memref<2x2500x128xi32, #tpu.memory_space<hbm>> -> memref<1x1x128xi32, #tpu.memory_space<hbm>>
        %dma_wait3A_140 = tpu.memref_squeeze %dma_wait3A_139 : memref<1x1x128xi32, #tpu.memory_space<hbm>> -> memref<1x128xi32, #tpu.memory_space<hbm>>
        %dma_wait3A_141 = arith.constant 78 : i32
        %dma_wait3A_142 = arith.constant 0 : i32
        %dma_wait3A_143 = tpu.memref_slice %arg6[%dma_wait3A_141, %dma_wait3A_142] : memref<79x128xi32, #tpu.memory_space<vmem>> -> memref<1x128xi32, #tpu.memory_space<vmem>>
        %dma_wait3A_144 = arith.constant 0 : i32
        %dma_wait3A_145 = tpu.memref_slice %arg3[%run_scoped3A, %add3A_118, %dma_wait3A_144] : memref<2x2500x128xi32, #tpu.memory_space<hbm>> -> memref<1x1x128xi32, #tpu.memory_space<hbm>>
        %dma_wait3A_146 = tpu.memref_squeeze %dma_wait3A_145 : memref<1x1x128xi32, #tpu.memory_space<hbm>> -> memref<1x128xi32, #tpu.memory_space<hbm>>
        tpu.wait_dma2 semaphore(%run_scoped3A_122 : memref<!tpu.dma_semaphore, #tpu.memory_space<semaphore_mem>>) src(%dma_wait3A_146 : memref<1x128xi32, #tpu.memory_space<hbm>>) dst(%dma_wait3A_143 : memref<1x128xi32, #tpu.memory_space<vmem>>)
        tpu.yield
      }) : () -> ()
      %add3A_119 = arith.constant 78 : i32
      %add3A_120 = arith.addi %add3A_4, %add3A_119 : i32
      %run_scoped3A_121 = arith.constant 1 : i32
      "tpu.region"() ({
        %run_scoped3A_122 = tpu.sem_alloc : memref<!tpu.dma_semaphore, #tpu.memory_space<semaphore_mem>>
        %dma_start3A_123 = arith.constant 78 : i32
        %dma_start3A_124 = arith.constant 0 : i32
        %dma_start3A_125 = tpu.memref_slice %arg7[%dma_start3A_123, %dma_start3A_124] : memref<79x128xi32, #tpu.memory_space<vmem>> -> memref<1x128xi32, #tpu.memory_space<vmem>>
        %dma_start3A_126 = arith.constant 0 : i32
        %dma_start3A_127 = tpu.memref_slice %arg3[%run_scoped3A_121, %add3A_120, %dma_start3A_126] : memref<2x2500x128xi32, #tpu.memory_space<hbm>> -> memref<1x1x128xi32, #tpu.memory_space<hbm>>
        %dma_start3A_128 = tpu.memref_squeeze %dma_start3A_127 : memref<1x1x128xi32, #tpu.memory_space<hbm>> -> memref<1x128xi32, #tpu.memory_space<hbm>>
        %dma_start3A_129 = arith.constant 78 : i32
        %dma_start3A_130 = arith.constant 0 : i32
        %dma_start3A_131 = tpu.memref_slice %arg7[%dma_start3A_129, %dma_start3A_130] : memref<79x128xi32, #tpu.memory_space<vmem>> -> memref<1x128xi32, #tpu.memory_space<vmem>>
        %dma_start3A_132 = arith.constant 0 : i32
        %dma_start3A_133 = tpu.memref_slice %arg3[%run_scoped3A_121, %add3A_120, %dma_start3A_132] : memref<2x2500x128xi32, #tpu.memory_space<hbm>> -> memref<1x1x128xi32, #tpu.memory_space<hbm>>
        %dma_start3A_134 = tpu.memref_squeeze %dma_start3A_133 : memref<1x1x128xi32, #tpu.memory_space<hbm>> -> memref<1x128xi32, #tpu.memory_space<hbm>>
        tpu.enqueue_dma source(%dma_start3A_134 : memref<1x128xi32, #tpu.memory_space<hbm>>) target(%dma_start3A_131 : memref<1x128xi32, #tpu.memory_space<vmem>>) target_semaphore(%run_scoped3A_122 : memref<!tpu.dma_semaphore, #tpu.memory_space<semaphore_mem>>)
        %dma_wait3A_135 = arith.constant 78 : i32
        %dma_wait3A_136 = arith.constant 0 : i32
        %dma_wait3A_137 = tpu.memref_slice %arg7[%dma_wait3A_135, %dma_wait3A_136] : memref<79x128xi32, #tpu.memory_space<vmem>> -> memref<1x128xi32, #tpu.memory_space<vmem>>
        %dma_wait3A_138 = arith.constant 0 : i32
        %dma_wait3A_139 = tpu.memref_slice %arg3[%run_scoped3A_121, %add3A_120, %dma_wait3A_138] : memref<2x2500x128xi32, #tpu.memory_space<hbm>> -> memref<1x1x128xi32, #tpu.memory_space<hbm>>
        %dma_wait3A_140 = tpu.memref_squeeze %dma_wait3A_139 : memref<1x1x128xi32, #tpu.memory_space<hbm>> -> memref<1x128xi32, #tpu.memory_space<hbm>>
        %dma_wait3A_141 = arith.constant 78 : i32
        %dma_wait3A_142 = arith.constant 0 : i32
        %dma_wait3A_143 = tpu.memref_slice %arg7[%dma_wait3A_141, %dma_wait3A_142] : memref<79x128xi32, #tpu.memory_space<vmem>> -> memref<1x128xi32, #tpu.memory_space<vmem>>
        %dma_wait3A_144 = arith.constant 0 : i32
        %dma_wait3A_145 = tpu.memref_slice %arg3[%run_scoped3A_121, %add3A_120, %dma_wait3A_144] : memref<2x2500x128xi32, #tpu.memory_space<hbm>> -> memref<1x1x128xi32, #tpu.memory_space<hbm>>
        %dma_wait3A_146 = tpu.memref_squeeze %dma_wait3A_145 : memref<1x1x128xi32, #tpu.memory_space<hbm>> -> memref<1x128xi32, #tpu.memory_space<hbm>>
        tpu.wait_dma2 semaphore(%run_scoped3A_122 : memref<!tpu.dma_semaphore, #tpu.memory_space<semaphore_mem>>) src(%dma_wait3A_146 : memref<1x128xi32, #tpu.memory_space<hbm>>) dst(%dma_wait3A_143 : memref<1x128xi32, #tpu.memory_space<vmem>>)
        tpu.yield
      }) : () -> ()
    } else {
    }
    %dma_wait3A = arith.constant 0 : i32
    %dma_wait3A_57 = tpu.memref_slice %arg11[%dma_wait3A] : memref<3x!tpu.dma_semaphore, #tpu.memory_space<semaphore_mem>> -> memref<1x!tpu.dma_semaphore, #tpu.memory_space<semaphore_mem>>
    %dma_wait3A_58 = tpu.memref_squeeze %dma_wait3A_57 : memref<1x!tpu.dma_semaphore, #tpu.memory_space<semaphore_mem>> -> memref<!tpu.dma_semaphore, #tpu.memory_space<semaphore_mem>>
    %dma_wait3A_59 = arith.constant 0 : i32
    %dma_wait3A_60 = tpu.memref_slice %arg10[%mul3A_9, %dma_wait3A_59] : memref<10112x64xf32, #tpu.memory_space<vmem_shared>> -> memref<632x64xf32, #tpu.memory_space<vmem_shared>>
    %dma_wait3A_61 = arith.constant 0 : i32
    %dma_wait3A_62 = tpu.memref_slice %arg4[%mul3A_9, %dma_wait3A_61] : memref<10112x64xf32, #tpu.memory_space<hbm>> -> memref<632x64xf32, #tpu.memory_space<hbm>>
    tpu.wait_dma2 semaphore(%dma_wait3A_58 : memref<!tpu.dma_semaphore, #tpu.memory_space<semaphore_mem>>) src(%dma_wait3A_62 : memref<632x64xf32, #tpu.memory_space<hbm>>) dst(%dma_wait3A_60 : memref<632x64xf32, #tpu.memory_space<vmem_shared>>)
    %lt3A_63 = arith.constant 10 : i32
    %lt3A_64 = arith.cmpi slt, %arg1, %lt3A_63 : i32
    %convert_element_type3A_65 = arith.extui %lt3A_64 : i1 to i32
    %cond3A_66 = arith.constant 0 : i32
    %cond3A_67 = arith.cmpi ne, %convert_element_type3A_65, %cond3A_66 : i32
    scf.if %cond3A_67 {
      %mul3A_117 = arith.constant 1000 : i32
      %mul3A_118 = arith.muli %arg1, %mul3A_117 : i32
      %mul3A_119 = arith.constant 1000 : i32
      %mul3A_120 = arith.muli %arg1, %mul3A_119 : i32
      %dma_wait3A_121 = arith.constant 1 : i32
      %dma_wait3A_122 = tpu.memref_slice %arg11[%dma_wait3A_121] : memref<3x!tpu.dma_semaphore, #tpu.memory_space<semaphore_mem>> -> memref<1x!tpu.dma_semaphore, #tpu.memory_space<semaphore_mem>>
      %dma_wait3A_123 = tpu.memref_squeeze %dma_wait3A_122 : memref<1x!tpu.dma_semaphore, #tpu.memory_space<semaphore_mem>> -> memref<!tpu.dma_semaphore, #tpu.memory_space<semaphore_mem>>
      %dma_wait3A_124 = arith.constant 0 : i32
      %dma_wait3A_125 = tpu.memref_slice %arg9[%mul3A_120, %dma_wait3A_124] : memref<10000x64xf32, #tpu.memory_space<vmem_shared>> -> memref<1000x64xf32, #tpu.memory_space<vmem_shared>>
      %dma_wait3A_126 = arith.constant 0 : i32
      %dma_wait3A_127 = tpu.memref_slice %arg2[%mul3A_118, %dma_wait3A_126] : memref<10000x64xf32, #tpu.memory_space<hbm>> -> memref<1000x64xf32, #tpu.memory_space<hbm>>
      tpu.wait_dma2 semaphore(%dma_wait3A_123 : memref<!tpu.dma_semaphore, #tpu.memory_space<semaphore_mem>>) src(%dma_wait3A_127 : memref<1000x64xf32, #tpu.memory_space<hbm>>) dst(%dma_wait3A_125 : memref<1000x64xf32, #tpu.memory_space<vmem_shared>>)
    } else {
    }
    %dma_wait3A_68 = arith.constant 0 : i32
    %dma_wait3A_69 = arith.constant 0 : i32
    %dma_wait3A_70 = arith.constant 0 : i32
    %dma_wait3A_71 = arith.constant 0 : i32
    %dma_wait3A_72 = tpu.memref_slice %arg6[%dma_wait3A_70, %dma_wait3A_71] : memref<79x128xi32, #tpu.memory_space<vmem>> -> memref<78x128xi32, #tpu.memory_space<vmem>>
    %dma_wait3A_73 = arith.constant 0 : i32
    %dma_wait3A_74 = tpu.memref_slice %arg3[%dma_wait3A_68, %add3A_4, %dma_wait3A_73] : memref<2x2500x128xi32, #tpu.memory_space<hbm>> -> memref<1x78x128xi32, #tpu.memory_space<hbm>>
    %dma_wait3A_75 = tpu.memref_squeeze %dma_wait3A_74 : memref<1x78x128xi32, #tpu.memory_space<hbm>> -> memref<78x128xi32, #tpu.memory_space<hbm>>
    %dma_wait3A_76 = tpu.memref_slice %arg12[%dma_wait3A_69] : memref<3x!tpu.dma_semaphore, #tpu.memory_space<semaphore_mem>> -> memref<1x!tpu.dma_semaphore, #tpu.memory_space<semaphore_mem>>
    %dma_wait3A_77 = tpu.memref_squeeze %dma_wait3A_76 : memref<1x!tpu.dma_semaphore, #tpu.memory_space<semaphore_mem>> -> memref<!tpu.dma_semaphore, #tpu.memory_space<semaphore_mem>>
    %dma_wait3A_78 = arith.constant 0 : i32
    %dma_wait3A_79 = arith.constant 0 : i32
    %dma_wait3A_80 = tpu.memref_slice %arg6[%dma_wait3A_78, %dma_wait3A_79] : memref<79x128xi32, #tpu.memory_space<vmem>> -> memref<78x128xi32, #tpu.memory_space<vmem>>
    %dma_wait3A_81 = arith.constant 0 : i32
    %dma_wait3A_82 = tpu.memref_slice %arg3[%dma_wait3A_68, %add3A_4, %dma_wait3A_81] : memref<2x2500x128xi32, #tpu.memory_space<hbm>> -> memref<1x78x128xi32, #tpu.memory_space<hbm>>
    %dma_wait3A_83 = tpu.memref_squeeze %dma_wait3A_82 : memref<1x78x128xi32, #tpu.memory_space<hbm>> -> memref<78x128xi32, #tpu.memory_space<hbm>>
    tpu.wait_dma2 semaphore(%dma_wait3A_77 : memref<!tpu.dma_semaphore, #tpu.memory_space<semaphore_mem>>) src(%dma_wait3A_83 : memref<78x128xi32, #tpu.memory_space<hbm>>) dst(%dma_wait3A_80 : memref<78x128xi32, #tpu.memory_space<vmem>>)
    %dma_wait3A_84 = arith.constant 1 : i32
    %dma_wait3A_85 = arith.constant 1 : i32
    %dma_wait3A_86 = arith.constant 0 : i32
    %dma_wait3A_87 = arith.constant 0 : i32
    %dma_wait3A_88 = tpu.memref_slice %arg7[%dma_wait3A_86, %dma_wait3A_87] : memref<79x128xi32, #tpu.memory_space<vmem>> -> memref<78x128xi32, #tpu.memory_space<vmem>>
    %dma_wait3A_89 = arith.constant 0 : i32
    %dma_wait3A_90 = tpu.memref_slice %arg3[%dma_wait3A_84, %add3A_4, %dma_wait3A_89] : memref<2x2500x128xi32, #tpu.memory_space<hbm>> -> memref<1x78x128xi32, #tpu.memory_space<hbm>>
    %dma_wait3A_91 = tpu.memref_squeeze %dma_wait3A_90 : memref<1x78x128xi32, #tpu.memory_space<hbm>> -> memref<78x128xi32, #tpu.memory_space<hbm>>
    %dma_wait3A_92 = tpu.memref_slice %arg12[%dma_wait3A_85] : memref<3x!tpu.dma_semaphore, #tpu.memory_space<semaphore_mem>> -> memref<1x!tpu.dma_semaphore, #tpu.memory_space<semaphore_mem>>
    %dma_wait3A_93 = tpu.memref_squeeze %dma_wait3A_92 : memref<1x!tpu.dma_semaphore, #tpu.memory_space<semaphore_mem>> -> memref<!tpu.dma_semaphore, #tpu.memory_space<semaphore_mem>>
    %dma_wait3A_94 = arith.constant 0 : i32
    %dma_wait3A_95 = arith.constant 0 : i32
    %dma_wait3A_96 = tpu.memref_slice %arg7[%dma_wait3A_94, %dma_wait3A_95] : memref<79x128xi32, #tpu.memory_space<vmem>> -> memref<78x128xi32, #tpu.memory_space<vmem>>
    %dma_wait3A_97 = arith.constant 0 : i32
    %dma_wait3A_98 = tpu.memref_slice %arg3[%dma_wait3A_84, %add3A_4, %dma_wait3A_97] : memref<2x2500x128xi32, #tpu.memory_space<hbm>> -> memref<1x78x128xi32, #tpu.memory_space<hbm>>
    %dma_wait3A_99 = tpu.memref_squeeze %dma_wait3A_98 : memref<1x78x128xi32, #tpu.memory_space<hbm>> -> memref<78x128xi32, #tpu.memory_space<hbm>>
    tpu.wait_dma2 semaphore(%dma_wait3A_93 : memref<!tpu.dma_semaphore, #tpu.memory_space<semaphore_mem>>) src(%dma_wait3A_99 : memref<78x128xi32, #tpu.memory_space<hbm>>) dst(%dma_wait3A_96 : memref<78x128xi32, #tpu.memory_space<vmem>>)
    %barrier3A = arith.constant 0 : index
    tpu.barrier barrier_id(%barrier3A)
    %add3A_100 = arith.constant 2 : i32
    %add3A_101 = arith.addi %add3A_7, %add3A_100 : i32
    %while3A = arith.constant 0 : i32
    %while3A_102 = arith.constant 0 : i32
    %while3A_103 = arith.subi %add3A_101, %while3A_102 : i32
    %while3A_104 = arith.addi %while3A_102, %while3A_103 : i32
    %while3A_105 = arith.constant 1 : i32
    %while3A_106 = arith.divsi %while3A_103, %while3A_105 : i32
    %while3A_107 = arith.muli %while3A_106, %while3A_105 : i32
    %while3A_108 = arith.addi %while3A_102, %while3A_107 : i32
    %while3A_109 = arith.constant 1 : i32
    scf.for %while3A_117 = %while3A_102 to %while3A_108 step %while3A_109  : i32 {
      %rem3A = arith.constant 3 : i32
      %rem3A_118 = arith.remsi %while3A_117, %rem3A : i32
      %ge3A = arith.constant 3 : i32
      %ge3A_119 = arith.cmpi sge, %while3A_117, %ge3A : i32
      %lt3A_120 = arith.cmpi slt, %while3A_117, %add3A_7 : i32
      %and3A = arith.andi %ge3A_119, %lt3A_120 : i1
      %convert_element_type3A_121 = arith.extui %and3A : i1 to i32
      %cond3A_122 = arith.constant 0 : i32
      %cond3A_123 = arith.cmpi ne, %convert_element_type3A_121, %cond3A_122 : i32
      scf.if %cond3A_123 {
        %dma_wait3A_134 = arith.constant 0 : i32
        %dma_wait3A_135 = arith.constant 0 : i32
        %dma_wait3A_136 = tpu.memref_slice %arg8[%rem3A_118, %dma_wait3A_134, %dma_wait3A_135] : memref<3x128x64xf32, #tpu.memory_space<vmem>> -> memref<1x128x64xf32, #tpu.memory_space<vmem>>
        %dma_wait3A_137 = tpu.memref_squeeze %dma_wait3A_136 : memref<1x128x64xf32, #tpu.memory_space<vmem>> -> memref<128x64xf32, #tpu.memory_space<vmem>>
        %dma_wait3A_138 = arith.constant 0 : i32
        %dma_wait3A_139 = tpu.memref_slice %arg7[%while3A_117, %dma_wait3A_138] : memref<79x128xi32, #tpu.memory_space<vmem>> -> memref<1x128xi32, #tpu.memory_space<vmem>>
        %dma_wait3A_140 = tpu.memref_squeeze %dma_wait3A_139 : memref<1x128xi32, #tpu.memory_space<vmem>> -> memref<128xi32, #tpu.memory_space<vmem>>
        %dma_wait3A_141 = arith.constant 0 : i32
        %dma_wait3A_142 = arith.constant 0 : i32
        %dma_wait3A_143 = tpu.memref_slice %arg10[%dma_wait3A_141, %dma_wait3A_142] : memref<10112x64xf32, #tpu.memory_space<vmem_shared>> -> memref<10112x64xf32, #tpu.memory_space<vmem_shared>>
        %dma_wait3A_144 = tpu.memref_slice %arg12[%rem3A_118] : memref<3x!tpu.dma_semaphore, #tpu.memory_space<semaphore_mem>> -> memref<1x!tpu.dma_semaphore, #tpu.memory_space<semaphore_mem>>
        %dma_wait3A_145 = tpu.memref_squeeze %dma_wait3A_144 : memref<1x!tpu.dma_semaphore, #tpu.memory_space<semaphore_mem>> -> memref<!tpu.dma_semaphore, #tpu.memory_space<semaphore_mem>>
        tpu.wait_indirect_dma semaphore(%dma_wait3A_145 : memref<!tpu.dma_semaphore, #tpu.memory_space<semaphore_mem>>) src(%dma_wait3A_137 : memref<128x64xf32, #tpu.memory_space<vmem>>) dst(%dma_wait3A_143 : memref<10112x64xf32, #tpu.memory_space<vmem_shared>>)
      } else {
      }
      %lt3A_124 = arith.cmpi slt, %while3A_117, %add3A_7 : i32
      %convert_element_type3A_125 = arith.extui %lt3A_124 : i1 to i32
      %cond3A_126 = arith.constant 0 : i32
      %cond3A_127 = arith.cmpi ne, %convert_element_type3A_125, %cond3A_126 : i32
      scf.if %cond3A_127 {
        %dma_start3A_134 = arith.constant 0 : i32
        %dma_start3A_135 = arith.constant 0 : i32
        %dma_start3A_136 = tpu.memref_slice %arg8[%rem3A_118, %dma_start3A_134, %dma_start3A_135] : memref<3x128x64xf32, #tpu.memory_space<vmem>> -> memref<1x128x64xf32, #tpu.memory_space<vmem>>
        %dma_start3A_137 = tpu.memref_squeeze %dma_start3A_136 : memref<1x128x64xf32, #tpu.memory_space<vmem>> -> memref<128x64xf32, #tpu.memory_space<vmem>>
        %dma_start3A_138 = arith.constant 0 : i32
        %dma_start3A_139 = tpu.memref_slice %arg6[%while3A_117, %dma_start3A_138] : memref<79x128xi32, #tpu.memory_space<vmem>> -> memref<1x128xi32, #tpu.memory_space<vmem>>
        %dma_start3A_140 = tpu.memref_squeeze %dma_start3A_139 : memref<1x128xi32, #tpu.memory_space<vmem>> -> memref<128xi32, #tpu.memory_space<vmem>>
        %dma_start3A_141 = arith.constant 0 : i32
        %dma_start3A_142 = arith.constant 0 : i32
        %dma_start3A_143 = tpu.memref_slice %arg9[%dma_start3A_141, %dma_start3A_142] : memref<10000x64xf32, #tpu.memory_space<vmem_shared>> -> memref<10000x64xf32, #tpu.memory_space<vmem_shared>>
        %dma_start3A_144 = tpu.memref_slice %arg11[%rem3A_118] : memref<3x!tpu.dma_semaphore, #tpu.memory_space<semaphore_mem>> -> memref<1x!tpu.dma_semaphore, #tpu.memory_space<semaphore_mem>>
        %dma_start3A_145 = tpu.memref_squeeze %dma_start3A_144 : memref<1x!tpu.dma_semaphore, #tpu.memory_space<semaphore_mem>> -> memref<!tpu.dma_semaphore, #tpu.memory_space<semaphore_mem>>
        tpu.enqueue_indirect_dma source(%dma_start3A_143 : memref<10000x64xf32, #tpu.memory_space<vmem_shared>>) target(%dma_start3A_137 : memref<128x64xf32, #tpu.memory_space<vmem>>) offsets(%dma_start3A_140 : memref<128xi32, #tpu.memory_space<vmem>>) semaphore(%dma_start3A_145 : memref<!tpu.dma_semaphore, #tpu.memory_space<semaphore_mem>>)
      } else {
      }
      %sub3A = arith.constant 2 : i32
      %sub3A_128 = arith.subi %while3A_117, %sub3A : i32
      %ge3A_129 = arith.constant 0 : i32
      %ge3A_130 = arith.cmpi sge, %sub3A_128, %ge3A_129 : i32
      %convert_element_type3A_131 = arith.extui %ge3A_130 : i1 to i32
      %cond3A_132 = arith.constant 0 : i32
      %cond3A_133 = arith.cmpi ne, %convert_element_type3A_131, %cond3A_132 : i32
      scf.if %cond3A_133 {
        %rem3A_134 = arith.constant 3 : i32
        %rem3A_135 = arith.remsi %sub3A_128, %rem3A_134 : i32
        %dma_wait3A_136 = arith.constant 0 : i32
        %dma_wait3A_137 = arith.constant 0 : i32
        %dma_wait3A_138 = tpu.memref_slice %arg8[%rem3A_135, %dma_wait3A_136, %dma_wait3A_137] : memref<3x128x64xf32, #tpu.memory_space<vmem>> -> memref<1x128x64xf32, #tpu.memory_space<vmem>>
        %dma_wait3A_139 = tpu.memref_squeeze %dma_wait3A_138 : memref<1x128x64xf32, #tpu.memory_space<vmem>> -> memref<128x64xf32, #tpu.memory_space<vmem>>
        %dma_wait3A_140 = arith.constant 0 : i32
        %dma_wait3A_141 = tpu.memref_slice %arg6[%sub3A_128, %dma_wait3A_140] : memref<79x128xi32, #tpu.memory_space<vmem>> -> memref<1x128xi32, #tpu.memory_space<vmem>>
        %dma_wait3A_142 = tpu.memref_squeeze %dma_wait3A_141 : memref<1x128xi32, #tpu.memory_space<vmem>> -> memref<128xi32, #tpu.memory_space<vmem>>
        %dma_wait3A_143 = arith.constant 0 : i32
        %dma_wait3A_144 = arith.constant 0 : i32
        %dma_wait3A_145 = tpu.memref_slice %arg9[%dma_wait3A_143, %dma_wait3A_144] : memref<10000x64xf32, #tpu.memory_space<vmem_shared>> -> memref<10000x64xf32, #tpu.memory_space<vmem_shared>>
        %dma_wait3A_146 = tpu.memref_slice %arg11[%rem3A_135] : memref<3x!tpu.dma_semaphore, #tpu.memory_space<semaphore_mem>> -> memref<1x!tpu.dma_semaphore, #tpu.memory_space<semaphore_mem>>
        %dma_wait3A_147 = tpu.memref_squeeze %dma_wait3A_146 : memref<1x!tpu.dma_semaphore, #tpu.memory_space<semaphore_mem>> -> memref<!tpu.dma_semaphore, #tpu.memory_space<semaphore_mem>>
        tpu.wait_indirect_dma semaphore(%dma_wait3A_147 : memref<!tpu.dma_semaphore, #tpu.memory_space<semaphore_mem>>) src(%dma_wait3A_145 : memref<10000x64xf32, #tpu.memory_space<vmem_shared>>) dst(%dma_wait3A_139 : memref<128x64xf32, #tpu.memory_space<vmem>>)
        %dma_start3A_148 = arith.constant 0 : i32
        %dma_start3A_149 = arith.constant 0 : i32
        %dma_start3A_150 = tpu.memref_slice %arg8[%rem3A_135, %dma_start3A_148, %dma_start3A_149] : memref<3x128x64xf32, #tpu.memory_space<vmem>> -> memref<1x128x64xf32, #tpu.memory_space<vmem>>
        %dma_start3A_151 = tpu.memref_squeeze %dma_start3A_150 : memref<1x128x64xf32, #tpu.memory_space<vmem>> -> memref<128x64xf32, #tpu.memory_space<vmem>>
        %dma_start3A_152 = arith.constant 0 : i32
        %dma_start3A_153 = tpu.memref_slice %arg7[%sub3A_128, %dma_start3A_152] : memref<79x128xi32, #tpu.memory_space<vmem>> -> memref<1x128xi32, #tpu.memory_space<vmem>>
        %dma_start3A_154 = tpu.memref_squeeze %dma_start3A_153 : memref<1x128xi32, #tpu.memory_space<vmem>> -> memref<128xi32, #tpu.memory_space<vmem>>
        %dma_start3A_155 = arith.constant 0 : i32
        %dma_start3A_156 = arith.constant 0 : i32
        %dma_start3A_157 = tpu.memref_slice %arg10[%dma_start3A_155, %dma_start3A_156] : memref<10112x64xf32, #tpu.memory_space<vmem_shared>> -> memref<10112x64xf32, #tpu.memory_space<vmem_shared>>
        %dma_start3A_158 = tpu.memref_slice %arg12[%rem3A_135] : memref<3x!tpu.dma_semaphore, #tpu.memory_space<semaphore_mem>> -> memref<1x!tpu.dma_semaphore, #tpu.memory_space<semaphore_mem>>
        %dma_start3A_159 = tpu.memref_squeeze %dma_start3A_158 : memref<1x!tpu.dma_semaphore, #tpu.memory_space<semaphore_mem>> -> memref<!tpu.dma_semaphore, #tpu.memory_space<semaphore_mem>>
        tpu.enqueue_indirect_dma source(%dma_start3A_151 : memref<128x64xf32, #tpu.memory_space<vmem>>) target(%dma_start3A_157 : memref<10112x64xf32, #tpu.memory_space<vmem_shared>>) offsets(%dma_start3A_154 : memref<128xi32, #tpu.memory_space<vmem>>) semaphore(%dma_start3A_159 : memref<!tpu.dma_semaphore, #tpu.memory_space<semaphore_mem>>) {add = true}
      } else {
      }
    }
    %while3A_110 = arith.constant 1 : i32
    scf.for %while3A_117 = %while3A_108 to %while3A_104 step %while3A_110  : i32 {
      %rem3A = arith.constant 3 : i32
      %rem3A_118 = arith.remsi %while3A_117, %rem3A : i32
      %ge3A = arith.constant 3 : i32
      %ge3A_119 = arith.cmpi sge, %while3A_117, %ge3A : i32
      %lt3A_120 = arith.cmpi slt, %while3A_117, %add3A_7 : i32
      %and3A = arith.andi %ge3A_119, %lt3A_120 : i1
      %convert_element_type3A_121 = arith.extui %and3A : i1 to i32
      %cond3A_122 = arith.constant 0 : i32
      %cond3A_123 = arith.cmpi ne, %convert_element_type3A_121, %cond3A_122 : i32
      scf.if %cond3A_123 {
        %dma_wait3A_134 = arith.constant 0 : i32
        %dma_wait3A_135 = arith.constant 0 : i32
        %dma_wait3A_136 = tpu.memref_slice %arg8[%rem3A_118, %dma_wait3A_134, %dma_wait3A_135] : memref<3x128x64xf32, #tpu.memory_space<vmem>> -> memref<1x128x64xf32, #tpu.memory_space<vmem>>
        %dma_wait3A_137 = tpu.memref_squeeze %dma_wait3A_136 : memref<1x128x64xf32, #tpu.memory_space<vmem>> -> memref<128x64xf32, #tpu.memory_space<vmem>>
        %dma_wait3A_138 = arith.constant 0 : i32
        %dma_wait3A_139 = tpu.memref_slice %arg7[%while3A_117, %dma_wait3A_138] : memref<79x128xi32, #tpu.memory_space<vmem>> -> memref<1x128xi32, #tpu.memory_space<vmem>>
        %dma_wait3A_140 = tpu.memref_squeeze %dma_wait3A_139 : memref<1x128xi32, #tpu.memory_space<vmem>> -> memref<128xi32, #tpu.memory_space<vmem>>
        %dma_wait3A_141 = arith.constant 0 : i32
        %dma_wait3A_142 = arith.constant 0 : i32
        %dma_wait3A_143 = tpu.memref_slice %arg10[%dma_wait3A_141, %dma_wait3A_142] : memref<10112x64xf32, #tpu.memory_space<vmem_shared>> -> memref<10112x64xf32, #tpu.memory_space<vmem_shared>>
        %dma_wait3A_144 = tpu.memref_slice %arg12[%rem3A_118] : memref<3x!tpu.dma_semaphore, #tpu.memory_space<semaphore_mem>> -> memref<1x!tpu.dma_semaphore, #tpu.memory_space<semaphore_mem>>
        %dma_wait3A_145 = tpu.memref_squeeze %dma_wait3A_144 : memref<1x!tpu.dma_semaphore, #tpu.memory_space<semaphore_mem>> -> memref<!tpu.dma_semaphore, #tpu.memory_space<semaphore_mem>>
        tpu.wait_indirect_dma semaphore(%dma_wait3A_145 : memref<!tpu.dma_semaphore, #tpu.memory_space<semaphore_mem>>) src(%dma_wait3A_137 : memref<128x64xf32, #tpu.memory_space<vmem>>) dst(%dma_wait3A_143 : memref<10112x64xf32, #tpu.memory_space<vmem_shared>>)
      } else {
      }
      %lt3A_124 = arith.cmpi slt, %while3A_117, %add3A_7 : i32
      %convert_element_type3A_125 = arith.extui %lt3A_124 : i1 to i32
      %cond3A_126 = arith.constant 0 : i32
      %cond3A_127 = arith.cmpi ne, %convert_element_type3A_125, %cond3A_126 : i32
      scf.if %cond3A_127 {
        %dma_start3A_134 = arith.constant 0 : i32
        %dma_start3A_135 = arith.constant 0 : i32
        %dma_start3A_136 = tpu.memref_slice %arg8[%rem3A_118, %dma_start3A_134, %dma_start3A_135] : memref<3x128x64xf32, #tpu.memory_space<vmem>> -> memref<1x128x64xf32, #tpu.memory_space<vmem>>
        %dma_start3A_137 = tpu.memref_squeeze %dma_start3A_136 : memref<1x128x64xf32, #tpu.memory_space<vmem>> -> memref<128x64xf32, #tpu.memory_space<vmem>>
        %dma_start3A_138 = arith.constant 0 : i32
        %dma_start3A_139 = tpu.memref_slice %arg6[%while3A_117, %dma_start3A_138] : memref<79x128xi32, #tpu.memory_space<vmem>> -> memref<1x128xi32, #tpu.memory_space<vmem>>
        %dma_start3A_140 = tpu.memref_squeeze %dma_start3A_139 : memref<1x128xi32, #tpu.memory_space<vmem>> -> memref<128xi32, #tpu.memory_space<vmem>>
        %dma_start3A_141 = arith.constant 0 : i32
        %dma_start3A_142 = arith.constant 0 : i32
        %dma_start3A_143 = tpu.memref_slice %arg9[%dma_start3A_141, %dma_start3A_142] : memref<10000x64xf32, #tpu.memory_space<vmem_shared>> -> memref<10000x64xf32, #tpu.memory_space<vmem_shared>>
        %dma_start3A_144 = tpu.memref_slice %arg11[%rem3A_118] : memref<3x!tpu.dma_semaphore, #tpu.memory_space<semaphore_mem>> -> memref<1x!tpu.dma_semaphore, #tpu.memory_space<semaphore_mem>>
        %dma_start3A_145 = tpu.memref_squeeze %dma_start3A_144 : memref<1x!tpu.dma_semaphore, #tpu.memory_space<semaphore_mem>> -> memref<!tpu.dma_semaphore, #tpu.memory_space<semaphore_mem>>
        tpu.enqueue_indirect_dma source(%dma_start3A_143 : memref<10000x64xf32, #tpu.memory_space<vmem_shared>>) target(%dma_start3A_137 : memref<128x64xf32, #tpu.memory_space<vmem>>) offsets(%dma_start3A_140 : memref<128xi32, #tpu.memory_space<vmem>>) semaphore(%dma_start3A_145 : memref<!tpu.dma_semaphore, #tpu.memory_space<semaphore_mem>>)
      } else {
      }
      %sub3A = arith.constant 2 : i32
      %sub3A_128 = arith.subi %while3A_117, %sub3A : i32
      %ge3A_129 = arith.constant 0 : i32
      %ge3A_130 = arith.cmpi sge, %sub3A_128, %ge3A_129 : i32
      %convert_element_type3A_131 = arith.extui %ge3A_130 : i1 to i32
      %cond3A_132 = arith.constant 0 : i32
      %cond3A_133 = arith.cmpi ne, %convert_element_type3A_131, %cond3A_132 : i32
      scf.if %cond3A_133 {
        %rem3A_134 = arith.constant 3 : i32
        %rem3A_135 = arith.remsi %sub3A_128, %rem3A_134 : i32
        %dma_wait3A_136 = arith.constant 0 : i32
        %dma_wait3A_137 = arith.constant 0 : i32
        %dma_wait3A_138 = tpu.memref_slice %arg8[%rem3A_135, %dma_wait3A_136, %dma_wait3A_137] : memref<3x128x64xf32, #tpu.memory_space<vmem>> -> memref<1x128x64xf32, #tpu.memory_space<vmem>>
        %dma_wait3A_139 = tpu.memref_squeeze %dma_wait3A_138 : memref<1x128x64xf32, #tpu.memory_space<vmem>> -> memref<128x64xf32, #tpu.memory_space<vmem>>
        %dma_wait3A_140 = arith.constant 0 : i32
        %dma_wait3A_141 = tpu.memref_slice %arg6[%sub3A_128, %dma_wait3A_140] : memref<79x128xi32, #tpu.memory_space<vmem>> -> memref<1x128xi32, #tpu.memory_space<vmem>>
        %dma_wait3A_142 = tpu.memref_squeeze %dma_wait3A_141 : memref<1x128xi32, #tpu.memory_space<vmem>> -> memref<128xi32, #tpu.memory_space<vmem>>
        %dma_wait3A_143 = arith.constant 0 : i32
        %dma_wait3A_144 = arith.constant 0 : i32
        %dma_wait3A_145 = tpu.memref_slice %arg9[%dma_wait3A_143, %dma_wait3A_144] : memref<10000x64xf32, #tpu.memory_space<vmem_shared>> -> memref<10000x64xf32, #tpu.memory_space<vmem_shared>>
        %dma_wait3A_146 = tpu.memref_slice %arg11[%rem3A_135] : memref<3x!tpu.dma_semaphore, #tpu.memory_space<semaphore_mem>> -> memref<1x!tpu.dma_semaphore, #tpu.memory_space<semaphore_mem>>
        %dma_wait3A_147 = tpu.memref_squeeze %dma_wait3A_146 : memref<1x!tpu.dma_semaphore, #tpu.memory_space<semaphore_mem>> -> memref<!tpu.dma_semaphore, #tpu.memory_space<semaphore_mem>>
        tpu.wait_indirect_dma semaphore(%dma_wait3A_147 : memref<!tpu.dma_semaphore, #tpu.memory_space<semaphore_mem>>) src(%dma_wait3A_145 : memref<10000x64xf32, #tpu.memory_space<vmem_shared>>) dst(%dma_wait3A_139 : memref<128x64xf32, #tpu.memory_space<vmem>>)
        %dma_start3A_148 = arith.constant 0 : i32
        %dma_start3A_149 = arith.constant 0 : i32
        %dma_start3A_150 = tpu.memref_slice %arg8[%rem3A_135, %dma_start3A_148, %dma_start3A_149] : memref<3x128x64xf32, #tpu.memory_space<vmem>> -> memref<1x128x64xf32, #tpu.memory_space<vmem>>
        %dma_start3A_151 = tpu.memref_squeeze %dma_start3A_150 : memref<1x128x64xf32, #tpu.memory_space<vmem>> -> memref<128x64xf32, #tpu.memory_space<vmem>>
        %dma_start3A_152 = arith.constant 0 : i32
        %dma_start3A_153 = tpu.memref_slice %arg7[%sub3A_128, %dma_start3A_152] : memref<79x128xi32, #tpu.memory_space<vmem>> -> memref<1x128xi32, #tpu.memory_space<vmem>>
        %dma_start3A_154 = tpu.memref_squeeze %dma_start3A_153 : memref<1x128xi32, #tpu.memory_space<vmem>> -> memref<128xi32, #tpu.memory_space<vmem>>
        %dma_start3A_155 = arith.constant 0 : i32
        %dma_start3A_156 = arith.constant 0 : i32
        %dma_start3A_157 = tpu.memref_slice %arg10[%dma_start3A_155, %dma_start3A_156] : memref<10112x64xf32, #tpu.memory_space<vmem_shared>> -> memref<10112x64xf32, #tpu.memory_space<vmem_shared>>
        %dma_start3A_158 = tpu.memref_slice %arg12[%rem3A_135] : memref<3x!tpu.dma_semaphore, #tpu.memory_space<semaphore_mem>> -> memref<1x!tpu.dma_semaphore, #tpu.memory_space<semaphore_mem>>
        %dma_start3A_159 = tpu.memref_squeeze %dma_start3A_158 : memref<1x!tpu.dma_semaphore, #tpu.memory_space<semaphore_mem>> -> memref<!tpu.dma_semaphore, #tpu.memory_space<semaphore_mem>>
        tpu.enqueue_indirect_dma source(%dma_start3A_151 : memref<128x64xf32, #tpu.memory_space<vmem>>) target(%dma_start3A_157 : memref<10112x64xf32, #tpu.memory_space<vmem_shared>>) offsets(%dma_start3A_154 : memref<128xi32, #tpu.memory_space<vmem>>) semaphore(%dma_start3A_159 : memref<!tpu.dma_semaphore, #tpu.memory_space<semaphore_mem>>) {add = true}
      } else {
      }
    }
    %scan3A = arith.constant 0 : i32
    %scan3A_111 = arith.constant 0 : i32
    %scan3A_112 = arith.constant 3 : i32
    %scan3A_113 = arith.addi %scan3A_111, %scan3A_112 : i32
    %scan3A_114 = arith.constant 1 : i32
    scf.for %scan3A_117 = %scan3A_111 to %scan3A_113 step %scan3A_114  : i32 {
      %dma_wait3A_118 = arith.constant 0 : i32
      %dma_wait3A_119 = arith.constant 0 : i32
      %dma_wait3A_120 = arith.constant 0 : i32
      %dma_wait3A_121 = tpu.memref_slice %arg8[%scan3A_117, %dma_wait3A_119, %dma_wait3A_120] : memref<3x128x64xf32, #tpu.memory_space<vmem>> -> memref<1x128x64xf32, #tpu.memory_space<vmem>>
      %dma_wait3A_122 = tpu.memref_squeeze %dma_wait3A_121 : memref<1x128x64xf32, #tpu.memory_space<vmem>> -> memref<128x64xf32, #tpu.memory_space<vmem>>
      %dma_wait3A_123 = arith.constant 0 : i32
      %dma_wait3A_124 = tpu.memref_slice %arg7[%dma_wait3A_118, %dma_wait3A_123] : memref<79x128xi32, #tpu.memory_space<vmem>> -> memref<1x128xi32, #tpu.memory_space<vmem>>
      %dma_wait3A_125 = tpu.memref_squeeze %dma_wait3A_124 : memref<1x128xi32, #tpu.memory_space<vmem>> -> memref<128xi32, #tpu.memory_space<vmem>>
      %dma_wait3A_126 = arith.constant 0 : i32
      %dma_wait3A_127 = arith.constant 0 : i32
      %dma_wait3A_128 = tpu.memref_slice %arg10[%dma_wait3A_126, %dma_wait3A_127] : memref<10112x64xf32, #tpu.memory_space<vmem_shared>> -> memref<10112x64xf32, #tpu.memory_space<vmem_shared>>
      %dma_wait3A_129 = tpu.memref_slice %arg12[%scan3A_117] : memref<3x!tpu.dma_semaphore, #tpu.memory_space<semaphore_mem>> -> memref<1x!tpu.dma_semaphore, #tpu.memory_space<semaphore_mem>>
      %dma_wait3A_130 = tpu.memref_squeeze %dma_wait3A_129 : memref<1x!tpu.dma_semaphore, #tpu.memory_space<semaphore_mem>> -> memref<!tpu.dma_semaphore, #tpu.memory_space<semaphore_mem>>
      tpu.wait_indirect_dma semaphore(%dma_wait3A_130 : memref<!tpu.dma_semaphore, #tpu.memory_space<semaphore_mem>>) src(%dma_wait3A_122 : memref<128x64xf32, #tpu.memory_space<vmem>>) dst(%dma_wait3A_128 : memref<10112x64xf32, #tpu.memory_space<vmem_shared>>)
    }
    %scan3A_115 = arith.constant 3 : i32
    %barrier3A_116 = arith.constant 0 : index
    tpu.barrier barrier_id(%barrier3A_116)
    "tpu.region"() ({
      %run_scoped3A = tpu.sem_alloc : memref<!tpu.dma_semaphore, #tpu.memory_space<semaphore_mem>>
      %dma_start3A_117 = arith.constant 0 : i32
      %dma_start3A_118 = tpu.memref_slice %arg5[%arg0, %mul3A_9, %dma_start3A_117] : memref<2x10112x64xf32, #tpu.memory_space<hbm>> -> memref<1x632x64xf32, #tpu.memory_space<hbm>>
      %dma_start3A_119 = tpu.memref_squeeze %dma_start3A_118 : memref<1x632x64xf32, #tpu.memory_space<hbm>> -> memref<632x64xf32, #tpu.memory_space<hbm>>
      %dma_start3A_120 = arith.constant 0 : i32
      %dma_start3A_121 = tpu.memref_slice %arg10[%mul3A_9, %dma_start3A_120] : memref<10112x64xf32, #tpu.memory_space<vmem_shared>> -> memref<632x64xf32, #tpu.memory_space<vmem_shared>>
      tpu.enqueue_dma source(%dma_start3A_121 : memref<632x64xf32, #tpu.memory_space<vmem_shared>>) target(%dma_start3A_119 : memref<632x64xf32, #tpu.memory_space<hbm>>) target_semaphore(%run_scoped3A : memref<!tpu.dma_semaphore, #tpu.memory_space<semaphore_mem>>)
      %dma_wait3A_122 = arith.constant 0 : i32
      %dma_wait3A_123 = tpu.memref_slice %arg5[%arg0, %mul3A_9, %dma_wait3A_122] : memref<2x10112x64xf32, #tpu.memory_space<hbm>> -> memref<1x632x64xf32, #tpu.memory_space<hbm>>
      %dma_wait3A_124 = tpu.memref_squeeze %dma_wait3A_123 : memref<1x632x64xf32, #tpu.memory_space<hbm>> -> memref<632x64xf32, #tpu.memory_space<hbm>>
      %dma_wait3A_125 = arith.constant 0 : i32
      %dma_wait3A_126 = tpu.memref_slice %arg10[%mul3A_9, %dma_wait3A_125] : memref<10112x64xf32, #tpu.memory_space<vmem_shared>> -> memref<632x64xf32, #tpu.memory_space<vmem_shared>>
      tpu.wait_dma2 semaphore(%run_scoped3A : memref<!tpu.dma_semaphore, #tpu.memory_space<semaphore_mem>>) src(%dma_wait3A_126 : memref<632x64xf32, #tpu.memory_space<vmem_shared>>) dst(%dma_wait3A_124 : memref<632x64xf32, #tpu.memory_space<hbm>>)
      tpu.yield
    }) : () -> ()
    return
  }
}

module attributes {stable_mosaic.version = 14 : i64} {
  func.func @_tc_a_body(%arg0: i32, %arg1: memref<2000x128xf32, #tpu.memory_space<vmem>>, %arg2: memref<128x64xf32, #tpu.memory_space<vmem>>, %arg3: memref<2x2000x16xf32, #tpu.memory_space<vmem>>, %arg4: memref<2000x64xf32, #tpu.memory_space<vmem>>, %arg5: memref<2000x1xf32, #tpu.memory_space<vmem>>) attributes {dimension_semantics = [#tpu.dimension_semantics<arbitrary>], iteration_bounds = array<i64: 5>, scalar_prefetch = 0 : i64, scratch_operands = 0 : i64, tpu.core_type = #tpu.core_type<tc>, window_params = [{transform_indices = @transform_0, window_bounds = array<i64: 2000, 128>}, {pipeline_mode = #tpu.pipeline_mode<synchronous>, transform_indices = @transform_1, window_bounds = array<i64: 128, 64>}, {transform_indices = @transform_2, window_bounds = array<i64: 2, 2000, 16>}, {transform_indices = @transform_3, window_bounds = array<i64: 2000, 64>}, {transform_indices = @transform_4, window_bounds = array<i64: 2000, 1>}]} {
    %get3A = arith.constant 0 : index
    %get3A_0 = arith.constant 0 : index
    %get3A_1 = arith.constant 0 : index
    %get3A_2 = vector.load %arg3[%get3A, %get3A_0, %get3A_1] : memref<2x2000x16xf32, #tpu.memory_space<vmem>>, vector<1x2000x1xf32>
    %get3A_3 = vector.shape_cast %get3A_2 : vector<1x2000x1xf32> to vector<2000x1xf32>
    %get3A_4 = arith.constant 1 : index
    %get3A_5 = arith.constant 0 : index
    %get3A_6 = arith.constant 0 : index
    %get3A_7 = vector.load %arg3[%get3A_4, %get3A_5, %get3A_6] : memref<2x2000x16xf32, #tpu.memory_space<vmem>>, vector<1x2000x1xf32>
    %get3A_8 = vector.shape_cast %get3A_7 : vector<1x2000x1xf32> to vector<2000x1xf32>
    %add3A = arith.addf %get3A_3, %get3A_8 : vector<2000x1xf32>
    %add3A_9 = arith.constant 1.000000e+00 : f32
    %add3A_10 = vector.broadcast %add3A_9 : f32 to vector<2000x1xf32>
    %add3A_11 = arith.addf %add3A, %add3A_10 : vector<2000x1xf32>
    %rsqrt3A = math.rsqrt %add3A_11 : vector<2000x1xf32>
    %get3A_12 = arith.constant 0 : index
    %get3A_13 = arith.constant 0 : index
    %get3A_14 = vector.load %arg1[%get3A_12, %get3A_13] : memref<2000x128xf32, #tpu.memory_space<vmem>>, vector<2000x128xf32>
    %get3A_15 = arith.constant 0 : index
    %get3A_16 = arith.constant 0 : index
    %get3A_17 = vector.load %arg2[%get3A_15, %get3A_16] : memref<128x64xf32, #tpu.memory_space<vmem>>, vector<128x64xf32>
    %dot_general3A = arith.constant dense<0.000000e+00> : vector<2000x64xf32>
    %dot_general3A_18 = tpu.matmul %get3A_14, %get3A_17, %dot_general3A {dimension_numbers = #tpu.dot_dimension_numbers<[1], [0], [0], [1], [0, 0, 1, 1], [], []>, transpose_lhs_hint = false} : vector<2000x128xf32>, vector<128x64xf32>, vector<2000x64xf32> -> vector<2000x64xf32>
    %mul3A = vector.broadcast %rsqrt3A : vector<2000x1xf32> to vector<2000x64xf32>
    %mul3A_19 = arith.mulf %dot_general3A_18, %mul3A : vector<2000x64xf32>
    %swap3A = arith.constant 0 : index
    %swap3A_20 = arith.constant 0 : index
    %swap3A_21 = vector.load %arg4[%swap3A, %swap3A_20] : memref<2000x64xf32, #tpu.memory_space<vmem>>, vector<2000x64xf32>
    tpu.vector_store %arg4[%swap3A, %swap3A_20], %mul3A_19 {strides = array<i32>} : memref<2000x64xf32, #tpu.memory_space<vmem>>, vector<2000x64xf32>,
    %swap3A_22 = arith.constant 0 : index
    %swap3A_23 = arith.constant 0 : index
    %swap3A_24 = vector.load %arg5[%swap3A_22, %swap3A_23] : memref<2000x1xf32, #tpu.memory_space<vmem>>, vector<2000x1xf32>
    tpu.vector_store %arg5[%swap3A_22, %swap3A_23], %rsqrt3A {strides = array<i32>} : memref<2000x1xf32, #tpu.memory_space<vmem>>, vector<2000x1xf32>,
    return
  }
  func.func @transform_0(%arg0: i32) -> (i32, i32) {
    %c0_i32 = arith.constant 0 : i32
    %c0_i32_0 = arith.constant 0 : i32
    return %arg0, %c0_i32 : i32, i32
  }
  func.func @transform_1(%arg0: i32) -> (i32, i32) {
    %c0_i32 = arith.constant 0 : i32
    %c0_i32_0 = arith.constant 0 : i32
    %c0_i32_1 = arith.constant 0 : i32
    return %c0_i32, %c0_i32_0 : i32, i32
  }
  func.func @transform_2(%arg0: i32) -> (i32, i32, i32) {
    %c0_i32 = arith.constant 0 : i32
    %c0_i32_0 = arith.constant 0 : i32
    %c0_i32_1 = arith.constant 0 : i32
    return %c0_i32, %arg0, %c0_i32_0 : i32, i32, i32
  }
  func.func @transform_3(%arg0: i32) -> (i32, i32) {
    %c0_i32 = arith.constant 0 : i32
    %c0_i32_0 = arith.constant 0 : i32
    return %arg0, %c0_i32 : i32, i32
  }
  func.func @transform_4(%arg0: i32) -> (i32, i32) {
    %c0_i32 = arith.constant 0 : i32
    %c0_i32_0 = arith.constant 0 : i32
    return %arg0, %c0_i32 : i32, i32
  }
}

module attributes {stable_mosaic.version = 14 : i64} {
  func.func @_tc_b_body(%arg0: i32, %arg1: memref<2x2000x64xf32, #tpu.memory_space<vmem>>, %arg2: memref<2000x64xf32, #tpu.memory_space<vmem>>, %arg3: memref<2000x1xf32, #tpu.memory_space<vmem>>, %arg4: memref<1x64xf32, #tpu.memory_space<vmem>>, %arg5: memref<64x8xf32, #tpu.memory_space<vmem>>, %arg6: memref<1x8xf32, #tpu.memory_space<vmem>>, %arg7: memref<8x64xf32, #tpu.memory_space<vmem>>, %arg8: memref<1x64xf32, #tpu.memory_space<vmem>>, %arg9: memref<64x64xf32, #tpu.memory_space<vmem>>, %arg10: memref<2000x64xf32, #tpu.memory_space<vmem>>, %arg11: memref<1x64xf32, #tpu.memory_space<vmem>>) attributes {dimension_semantics = [#tpu.dimension_semantics<arbitrary>], iteration_bounds = array<i64: 5>, scalar_prefetch = 0 : i64, scratch_operands = 0 : i64, tpu.core_type = #tpu.core_type<tc>, window_params = [{transform_indices = @transform_0, window_bounds = array<i64: 2, 2000, 64>}, {transform_indices = @transform_1, window_bounds = array<i64: 2000, 64>}, {transform_indices = @transform_2, window_bounds = array<i64: 2000, 1>}, {pipeline_mode = #tpu.pipeline_mode<synchronous>, transform_indices = @transform_3, window_bounds = array<i64: 1, 64>}, {pipeline_mode = #tpu.pipeline_mode<synchronous>, transform_indices = @transform_4, window_bounds = array<i64: 64, 8>}, {pipeline_mode = #tpu.pipeline_mode<synchronous>, transform_indices = @transform_5, window_bounds = array<i64: 1, 8>}, {pipeline_mode = #tpu.pipeline_mode<synchronous>, transform_indices = @transform_6, window_bounds = array<i64: 8, 64>}, {pipeline_mode = #tpu.pipeline_mode<synchronous>, transform_indices = @transform_7, window_bounds = array<i64: 1, 64>}, {pipeline_mode = #tpu.pipeline_mode<synchronous>, transform_indices = @transform_8, window_bounds = array<i64: 64, 64>}, {transform_indices = @transform_9, window_bounds = array<i64: 2000, 64>}, {pipeline_mode = #tpu.pipeline_mode<synchronous>, transform_indices = @transform_10, window_bounds = array<i64: 1, 64>}]} {
    %get3A = arith.constant 0 : index
    %get3A_0 = arith.constant 0 : index
    %get3A_1 = vector.load %arg3[%get3A, %get3A_0] : memref<2000x1xf32, #tpu.memory_space<vmem>>, vector<2000x1xf32>
    %get3A_2 = arith.constant 0 : index
    %get3A_3 = arith.constant 0 : index
    %get3A_4 = arith.constant 0 : index
    %get3A_5 = vector.load %arg1[%get3A_2, %get3A_3, %get3A_4] : memref<2x2000x64xf32, #tpu.memory_space<vmem>>, vector<1x2000x64xf32>
    %get3A_6 = vector.shape_cast %get3A_5 : vector<1x2000x64xf32> to vector<2000x64xf32>
    %get3A_7 = arith.constant 1 : index
    %get3A_8 = arith.constant 0 : index
    %get3A_9 = arith.constant 0 : index
    %get3A_10 = vector.load %arg1[%get3A_7, %get3A_8, %get3A_9] : memref<2x2000x64xf32, #tpu.memory_space<vmem>>, vector<1x2000x64xf32>
    %get3A_11 = vector.shape_cast %get3A_10 : vector<1x2000x64xf32> to vector<2000x64xf32>
    %add3A = arith.addf %get3A_6, %get3A_11 : vector<2000x64xf32>
    %get3A_12 = arith.constant 0 : index
    %get3A_13 = arith.constant 0 : index
    %get3A_14 = vector.load %arg2[%get3A_12, %get3A_13] : memref<2000x64xf32, #tpu.memory_space<vmem>>, vector<2000x64xf32>
    %add3A_15 = arith.addf %add3A, %get3A_14 : vector<2000x64xf32>
    %mul3A = vector.broadcast %get3A_1 : vector<2000x1xf32> to vector<2000x64xf32>
    %mul3A_16 = arith.mulf %mul3A, %add3A_15 : vector<2000x64xf32>
    %get3A_17 = arith.constant 0 : index
    %get3A_18 = arith.constant 0 : index
    %get3A_19 = vector.load %arg4[%get3A_17, %get3A_18] : memref<1x64xf32, #tpu.memory_space<vmem>>, vector<1x64xf32>
    %add3A_20 = vector.broadcast %get3A_19 : vector<1x64xf32> to vector<2000x64xf32>
    %add3A_21 = arith.addf %mul3A_16, %add3A_20 : vector<2000x64xf32>
    %get3A_22 = arith.constant 0 : index
    %get3A_23 = arith.constant 0 : index
    %get3A_24 = vector.load %arg5[%get3A_22, %get3A_23] : memref<64x8xf32, #tpu.memory_space<vmem>>, vector<64x8xf32>
    %dot_general3A = arith.constant dense<0.000000e+00> : vector<2000x8xf32>
    %dot_general3A_25 = tpu.matmul %add3A_21, %get3A_24, %dot_general3A {dimension_numbers = #tpu.dot_dimension_numbers<[1], [0], [0], [1], [0, 0, 1, 1], [], []>, transpose_lhs_hint = false} : vector<2000x64xf32>, vector<64x8xf32>, vector<2000x8xf32> -> vector<2000x8xf32>
    %get3A_26 = arith.constant 0 : index
    %get3A_27 = arith.constant 0 : index
    %get3A_28 = vector.load %arg6[%get3A_26, %get3A_27] : memref<1x8xf32, #tpu.memory_space<vmem>>, vector<1x8xf32>
    %add3A_29 = vector.broadcast %get3A_28 : vector<1x8xf32> to vector<2000x8xf32>
    %add3A_30 = arith.addf %dot_general3A_25, %add3A_29 : vector<2000x8xf32>
    %max3A = arith.constant 0.000000e+00 : f32
    %max3A_31 = vector.broadcast %max3A : f32 to vector<2000x8xf32>
    %max3A_32 = arith.maximumf %add3A_30, %max3A_31 : vector<2000x8xf32>
    %get3A_33 = arith.constant 0 : index
    %get3A_34 = arith.constant 0 : index
    %get3A_35 = vector.load %arg7[%get3A_33, %get3A_34] : memref<8x64xf32, #tpu.memory_space<vmem>>, vector<8x64xf32>
    %dot_general3A_36 = arith.constant dense<0.000000e+00> : vector<2000x64xf32>
    %dot_general3A_37 = tpu.matmul %max3A_32, %get3A_35, %dot_general3A_36 {dimension_numbers = #tpu.dot_dimension_numbers<[1], [0], [0], [1], [0, 0, 1, 1], [], []>, transpose_lhs_hint = false} : vector<2000x8xf32>, vector<8x64xf32>, vector<2000x64xf32> -> vector<2000x64xf32>
    %get3A_38 = arith.constant 0 : index
    %get3A_39 = arith.constant 0 : index
    %get3A_40 = vector.load %arg8[%get3A_38, %get3A_39] : memref<1x64xf32, #tpu.memory_space<vmem>>, vector<1x64xf32>
    %add3A_41 = vector.broadcast %get3A_40 : vector<1x64xf32> to vector<2000x64xf32>
    %add3A_42 = arith.addf %dot_general3A_37, %add3A_41 : vector<2000x64xf32>
    %get3A_43 = arith.constant 0 : index
    %get3A_44 = arith.constant 0 : index
    %get3A_45 = vector.load %arg9[%get3A_43, %get3A_44] : memref<64x64xf32, #tpu.memory_space<vmem>>, vector<64x64xf32>
    %dot_general3A_46 = arith.constant dense<0.000000e+00> : vector<2000x64xf32>
    %dot_general3A_47 = tpu.matmul %add3A_42, %get3A_45, %dot_general3A_46 {dimension_numbers = #tpu.dot_dimension_numbers<[1], [0], [0], [1], [0, 0, 1, 1], [], []>, transpose_lhs_hint = false} : vector<2000x64xf32>, vector<64x64xf32>, vector<2000x64xf32> -> vector<2000x64xf32>
    %mul3A_48 = vector.broadcast %get3A_1 : vector<2000x1xf32> to vector<2000x64xf32>
    %mul3A_49 = arith.mulf %dot_general3A_47, %mul3A_48 : vector<2000x64xf32>
    %swap3A = arith.constant 0 : index
    %swap3A_50 = arith.constant 0 : index
    %swap3A_51 = vector.load %arg10[%swap3A, %swap3A_50] : memref<2000x64xf32, #tpu.memory_space<vmem>>, vector<2000x64xf32>
    tpu.vector_store %arg10[%swap3A, %swap3A_50], %mul3A_49 {strides = array<i32>} : memref<2000x64xf32, #tpu.memory_space<vmem>>, vector<2000x64xf32>,
    %eq3A = arith.constant 0 : i32
    %eq3A_52 = arith.cmpi eq, %arg0, %eq3A : i32
    %convert_element_type3A = arith.extui %eq3A_52 : i1 to i32
    %cond3A = arith.constant 0 : i32
    %cond3A_53 = arith.cmpi ne, %convert_element_type3A, %cond3A : i32
    scf.if %cond3A_53 {
      %broadcast_in_dim3A_62 = arith.constant 0.000000e+00 : f32
      %broadcast_in_dim3A_63 = vector.broadcast %broadcast_in_dim3A_62 : f32 to vector<1x64xf32>
      %swap3A_64 = arith.constant 0 : index
      %swap3A_65 = arith.constant 0 : index
      %swap3A_66 = vector.load %arg11[%swap3A_64, %swap3A_65] : memref<1x64xf32, #tpu.memory_space<vmem>>, vector<1x64xf32>
      tpu.vector_store %arg11[%swap3A_64, %swap3A_65], %broadcast_in_dim3A_63 {strides = array<i32>} : memref<1x64xf32, #tpu.memory_space<vmem>>, vector<1x64xf32>,
    } else {
    }
    %get3A_54 = arith.constant 0 : index
    %get3A_55 = arith.constant 0 : index
    %get3A_56 = vector.load %arg11[%get3A_54, %get3A_55] : memref<1x64xf32, #tpu.memory_space<vmem>>, vector<1x64xf32>
    %reduce_sum3A = arith.constant dense<0.000000e+00> : vector<64xf32>
    %reduce_sum3A_57 = vector.multi_reduction <add>, %add3A_42, %reduce_sum3A [0] : vector<2000x64xf32> to vector<64xf32>
    %broadcast_in_dim3A = vector.shape_cast %reduce_sum3A_57 : vector<64xf32> to vector<1x64xf32>
    %add3A_58 = arith.addf %get3A_56, %broadcast_in_dim3A : vector<1x64xf32>
    %swap3A_59 = arith.constant 0 : index
    %swap3A_60 = arith.constant 0 : index
    %swap3A_61 = vector.load %arg11[%swap3A_59, %swap3A_60] : memref<1x64xf32, #tpu.memory_space<vmem>>, vector<1x64xf32>
    tpu.vector_store %arg11[%swap3A_59, %swap3A_60], %add3A_58 {strides = array<i32>} : memref<1x64xf32, #tpu.memory_space<vmem>>, vector<1x64xf32>,
    return
  }
  func.func @transform_0(%arg0: i32) -> (i32, i32, i32) {
    %c0_i32 = arith.constant 0 : i32
    %c0_i32_0 = arith.constant 0 : i32
    %c0_i32_1 = arith.constant 0 : i32
    return %c0_i32, %arg0, %c0_i32_0 : i32, i32, i32
  }
  func.func @transform_1(%arg0: i32) -> (i32, i32) {
    %c0_i32 = arith.constant 0 : i32
    %c0_i32_0 = arith.constant 0 : i32
    return %arg0, %c0_i32 : i32, i32
  }
  func.func @transform_2(%arg0: i32) -> (i32, i32) {
    %c0_i32 = arith.constant 0 : i32
    %c0_i32_0 = arith.constant 0 : i32
    return %arg0, %c0_i32 : i32, i32
  }
  func.func @transform_3(%arg0: i32) -> (i32, i32) {
    %c0_i32 = arith.constant 0 : i32
    %c0_i32_0 = arith.constant 0 : i32
    %c0_i32_1 = arith.constant 0 : i32
    return %c0_i32, %c0_i32_0 : i32, i32
  }
  func.func @transform_4(%arg0: i32) -> (i32, i32) {
    %c0_i32 = arith.constant 0 : i32
    %c0_i32_0 = arith.constant 0 : i32
    %c0_i32_1 = arith.constant 0 : i32
    return %c0_i32, %c0_i32_0 : i32, i32
  }
  func.func @transform_5(%arg0: i32) -> (i32, i32) {
    %c0_i32 = arith.constant 0 : i32
    %c0_i32_0 = arith.constant 0 : i32
    %c0_i32_1 = arith.constant 0 : i32
    return %c0_i32, %c0_i32_0 : i32, i32
  }
  func.func @transform_6(%arg0: i32) -> (i32, i32) {
    %c0_i32 = arith.constant 0 : i32
    %c0_i32_0 = arith.constant 0 : i32
    %c0_i32_1 = arith.constant 0 : i32
    return %c0_i32, %c0_i32_0 : i32, i32
  }
  func.func @transform_7(%arg0: i32) -> (i32, i32) {
    %c0_i32 = arith.constant 0 : i32
    %c0_i32_0 = arith.constant 0 : i32
    %c0_i32_1 = arith.constant 0 : i32
    return %c0_i32, %c0_i32_0 : i32, i32
  }
  func.func @transform_8(%arg0: i32) -> (i32, i32) {
    %c0_i32 = arith.constant 0 : i32
    %c0_i32_0 = arith.constant 0 : i32
    %c0_i32_1 = arith.constant 0 : i32
    return %c0_i32, %c0_i32_0 : i32, i32
  }
  func.func @transform_9(%arg0: i32) -> (i32, i32) {
    %c0_i32 = arith.constant 0 : i32
    %c0_i32_0 = arith.constant 0 : i32
    return %arg0, %c0_i32 : i32, i32
  }
  func.func @transform_10(%arg0: i32) -> (i32, i32) {
    %c0_i32 = arith.constant 0 : i32
    %c0_i32_0 = arith.constant 0 : i32
    %c0_i32_1 = arith.constant 0 : i32
    return %c0_i32, %c0_i32_0 : i32, i32
  }
}

module attributes {stable_mosaic.version = 14 : i64} {
  func.func @_tc_c_body(%arg0: i32, %arg1: memref<2x2000x64xf32, #tpu.memory_space<vmem>>, %arg2: memref<2000x64xf32, #tpu.memory_space<vmem>>, %arg3: memref<2000x1xf32, #tpu.memory_space<vmem>>, %arg4: memref<1x64xf32, #tpu.memory_space<vmem>>, %arg5: memref<64x8xf32, #tpu.memory_space<vmem>>, %arg6: memref<1x8xf32, #tpu.memory_space<vmem>>, %arg7: memref<8x64xf32, #tpu.memory_space<vmem>>, %arg8: memref<1x64xf32, #tpu.memory_space<vmem>>, %arg9: memref<1x64xf32, #tpu.memory_space<vmem>>, %arg10: memref<64x2xf32, #tpu.memory_space<vmem>>, %arg11: memref<64x2xf32, #tpu.memory_space<vmem>>, %arg12: memref<1x2xf32, #tpu.memory_space<vmem>>, %arg13: memref<1x2xf32, #tpu.memory_space<vmem>>, %arg14: memref<1x64xf32, #tpu.memory_space<vmem>>) attributes {dimension_semantics = [#tpu.dimension_semantics<arbitrary>], iteration_bounds = array<i64: 5>, scalar_prefetch = 0 : i64, scratch_operands = 0 : i64, tpu.core_type = #tpu.core_type<tc>, window_params = [{transform_indices = @transform_0, window_bounds = array<i64: 2, 2000, 64>}, {transform_indices = @transform_1, window_bounds = array<i64: 2000, 64>}, {transform_indices = @transform_2, window_bounds = array<i64: 2000, 1>}, {pipeline_mode = #tpu.pipeline_mode<synchronous>, transform_indices = @transform_3, window_bounds = array<i64: 1, 64>}, {pipeline_mode = #tpu.pipeline_mode<synchronous>, transform_indices = @transform_4, window_bounds = array<i64: 64, 8>}, {pipeline_mode = #tpu.pipeline_mode<synchronous>, transform_indices = @transform_5, window_bounds = array<i64: 1, 8>}, {pipeline_mode = #tpu.pipeline_mode<synchronous>, transform_indices = @transform_6, window_bounds = array<i64: 8, 64>}, {pipeline_mode = #tpu.pipeline_mode<synchronous>, transform_indices = @transform_7, window_bounds = array<i64: 1, 64>}, {pipeline_mode = #tpu.pipeline_mode<synchronous>, transform_indices = @transform_8, window_bounds = array<i64: 1, 64>}, {pipeline_mode = #tpu.pipeline_mode<synchronous>, transform_indices = @transform_9, window_bounds = array<i64: 64, 2>}, {pipeline_mode = #tpu.pipeline_mode<synchronous>, transform_indices = @transform_10, window_bounds = array<i64: 64, 2>}, {pipeline_mode = #tpu.pipeline_mode<synchronous>, transform_indices = @transform_11, window_bounds = array<i64: 1, 2>}, {pipeline_mode = #tpu.pipeline_mode<synchronous>, transform_indices = @transform_12, window_bounds = array<i64: 1, 2>}, {pipeline_mode = #tpu.pipeline_mode<synchronous>, transform_indices = @transform_13, window_bounds = array<i64: 1, 64>}]} {
    %get3A = arith.constant 0 : index
    %get3A_0 = arith.constant 0 : index
    %get3A_1 = vector.load %arg3[%get3A, %get3A_0] : memref<2000x1xf32, #tpu.memory_space<vmem>>, vector<2000x1xf32>
    %get3A_2 = arith.constant 0 : index
    %get3A_3 = arith.constant 0 : index
    %get3A_4 = arith.constant 0 : index
    %get3A_5 = vector.load %arg1[%get3A_2, %get3A_3, %get3A_4] : memref<2x2000x64xf32, #tpu.memory_space<vmem>>, vector<1x2000x64xf32>
    %get3A_6 = vector.shape_cast %get3A_5 : vector<1x2000x64xf32> to vector<2000x64xf32>
    %get3A_7 = arith.constant 1 : index
    %get3A_8 = arith.constant 0 : index
    %get3A_9 = arith.constant 0 : index
    %get3A_10 = vector.load %arg1[%get3A_7, %get3A_8, %get3A_9] : memref<2x2000x64xf32, #tpu.memory_space<vmem>>, vector<1x2000x64xf32>
    %get3A_11 = vector.shape_cast %get3A_10 : vector<1x2000x64xf32> to vector<2000x64xf32>
    %add3A = arith.addf %get3A_6, %get3A_11 : vector<2000x64xf32>
    %get3A_12 = arith.constant 0 : index
    %get3A_13 = arith.constant 0 : index
    %get3A_14 = vector.load %arg2[%get3A_12, %get3A_13] : memref<2000x64xf32, #tpu.memory_space<vmem>>, vector<2000x64xf32>
    %add3A_15 = arith.addf %add3A, %get3A_14 : vector<2000x64xf32>
    %mul3A = vector.broadcast %get3A_1 : vector<2000x1xf32> to vector<2000x64xf32>
    %mul3A_16 = arith.mulf %mul3A, %add3A_15 : vector<2000x64xf32>
    %get3A_17 = arith.constant 0 : index
    %get3A_18 = arith.constant 0 : index
    %get3A_19 = vector.load %arg4[%get3A_17, %get3A_18] : memref<1x64xf32, #tpu.memory_space<vmem>>, vector<1x64xf32>
    %add3A_20 = vector.broadcast %get3A_19 : vector<1x64xf32> to vector<2000x64xf32>
    %add3A_21 = arith.addf %mul3A_16, %add3A_20 : vector<2000x64xf32>
    %get3A_22 = arith.constant 0 : index
    %get3A_23 = arith.constant 0 : index
    %get3A_24 = vector.load %arg5[%get3A_22, %get3A_23] : memref<64x8xf32, #tpu.memory_space<vmem>>, vector<64x8xf32>
    %dot_general3A = arith.constant dense<0.000000e+00> : vector<2000x8xf32>
    %dot_general3A_25 = tpu.matmul %add3A_21, %get3A_24, %dot_general3A {dimension_numbers = #tpu.dot_dimension_numbers<[1], [0], [0], [1], [0, 0, 1, 1], [], []>, transpose_lhs_hint = false} : vector<2000x64xf32>, vector<64x8xf32>, vector<2000x8xf32> -> vector<2000x8xf32>
    %get3A_26 = arith.constant 0 : index
    %get3A_27 = arith.constant 0 : index
    %get3A_28 = vector.load %arg6[%get3A_26, %get3A_27] : memref<1x8xf32, #tpu.memory_space<vmem>>, vector<1x8xf32>
    %add3A_29 = vector.broadcast %get3A_28 : vector<1x8xf32> to vector<2000x8xf32>
    %add3A_30 = arith.addf %dot_general3A_25, %add3A_29 : vector<2000x8xf32>
    %max3A = arith.constant 0.000000e+00 : f32
    %max3A_31 = vector.broadcast %max3A : f32 to vector<2000x8xf32>
    %max3A_32 = arith.maximumf %add3A_30, %max3A_31 : vector<2000x8xf32>
    %get3A_33 = arith.constant 0 : index
    %get3A_34 = arith.constant 0 : index
    %get3A_35 = vector.load %arg7[%get3A_33, %get3A_34] : memref<8x64xf32, #tpu.memory_space<vmem>>, vector<8x64xf32>
    %dot_general3A_36 = arith.constant dense<0.000000e+00> : vector<2000x64xf32>
    %dot_general3A_37 = tpu.matmul %max3A_32, %get3A_35, %dot_general3A_36 {dimension_numbers = #tpu.dot_dimension_numbers<[1], [0], [0], [1], [0, 0, 1, 1], [], []>, transpose_lhs_hint = false} : vector<2000x8xf32>, vector<8x64xf32>, vector<2000x64xf32> -> vector<2000x64xf32>
    %get3A_38 = arith.constant 0 : index
    %get3A_39 = arith.constant 0 : index
    %get3A_40 = vector.load %arg8[%get3A_38, %get3A_39] : memref<1x64xf32, #tpu.memory_space<vmem>>, vector<1x64xf32>
    %add3A_41 = vector.broadcast %get3A_40 : vector<1x64xf32> to vector<2000x64xf32>
    %add3A_42 = arith.addf %dot_general3A_37, %add3A_41 : vector<2000x64xf32>
    %eq3A = arith.constant 0 : i32
    %eq3A_43 = arith.cmpi eq, %arg0, %eq3A : i32
    %convert_element_type3A = arith.extui %eq3A_43 : i1 to i32
    %cond3A = arith.constant 0 : i32
    %cond3A_44 = arith.cmpi ne, %convert_element_type3A, %cond3A : i32
    scf.if %cond3A_44 {
      %broadcast_in_dim3A_57 = arith.constant 0.000000e+00 : f32
      %broadcast_in_dim3A_58 = vector.broadcast %broadcast_in_dim3A_57 : f32 to vector<1x64xf32>
      %swap3A_59 = arith.constant 0 : index
      %swap3A_60 = arith.constant 0 : index
      %swap3A_61 = vector.load %arg14[%swap3A_59, %swap3A_60] : memref<1x64xf32, #tpu.memory_space<vmem>>, vector<1x64xf32>
      tpu.vector_store %arg14[%swap3A_59, %swap3A_60], %broadcast_in_dim3A_58 {strides = array<i32>} : memref<1x64xf32, #tpu.memory_space<vmem>>, vector<1x64xf32>,
    } else {
    }
    %get3A_45 = arith.constant 0 : index
    %get3A_46 = arith.constant 0 : index
    %get3A_47 = vector.load %arg14[%get3A_45, %get3A_46] : memref<1x64xf32, #tpu.memory_space<vmem>>, vector<1x64xf32>
    %reduce_sum3A = arith.constant dense<0.000000e+00> : vector<64xf32>
    %reduce_sum3A_48 = vector.multi_reduction <add>, %add3A_42, %reduce_sum3A [0] : vector<2000x64xf32> to vector<64xf32>
    %broadcast_in_dim3A = vector.shape_cast %reduce_sum3A_48 : vector<64xf32> to vector<1x64xf32>
    %add3A_49 = arith.addf %get3A_47, %broadcast_in_dim3A : vector<1x64xf32>
    %swap3A = arith.constant 0 : index
    %swap3A_50 = arith.constant 0 : index
    %swap3A_51 = vector.load %arg14[%swap3A, %swap3A_50] : memref<1x64xf32, #tpu.memory_space<vmem>>, vector<1x64xf32>
    tpu.vector_store %arg14[%swap3A, %swap3A_50], %add3A_49 {strides = array<i32>} : memref<1x64xf32, #tpu.memory_space<vmem>>, vector<1x64xf32>,
    %eq3A_52 = arith.constant 4 : i32
    %eq3A_53 = arith.cmpi eq, %arg0, %eq3A_52 : i32
    %convert_element_type3A_54 = arith.extui %eq3A_53 : i1 to i32
    %cond3A_55 = arith.constant 0 : i32
    %cond3A_56 = arith.cmpi ne, %convert_element_type3A_54, %cond3A_55 : i32
    scf.if %cond3A_56 {
      %get3A_57 = arith.constant 0 : index
      %get3A_58 = arith.constant 0 : index
      %get3A_59 = vector.load %arg9[%get3A_57, %get3A_58] : memref<1x64xf32, #tpu.memory_space<vmem>>, vector<1x64xf32>
      %get3A_60 = arith.constant 0 : index
      %get3A_61 = arith.constant 0 : index
      %get3A_62 = vector.load %arg10[%get3A_60, %get3A_61] : memref<64x2xf32, #tpu.memory_space<vmem>>, vector<64x2xf32>
      %dot_general3A_63 = arith.constant dense<0.000000e+00> : vector<1x2xf32>
      %dot_general3A_64 = tpu.matmul %get3A_59, %get3A_62, %dot_general3A_63 {dimension_numbers = #tpu.dot_dimension_numbers<[1], [0], [0], [1], [0, 0, 1, 1], [], []>, transpose_lhs_hint = false} : vector<1x64xf32>, vector<64x2xf32>, vector<1x2xf32> -> vector<1x2xf32>
      %get3A_65 = arith.constant 0 : index
      %get3A_66 = arith.constant 0 : index
      %get3A_67 = vector.load %arg14[%get3A_65, %get3A_66] : memref<1x64xf32, #tpu.memory_space<vmem>>, vector<1x64xf32>
      %get3A_68 = arith.constant 0 : index
      %get3A_69 = arith.constant 0 : index
      %get3A_70 = vector.load %arg11[%get3A_68, %get3A_69] : memref<64x2xf32, #tpu.memory_space<vmem>>, vector<64x2xf32>
      %dot_general3A_71 = arith.constant dense<0.000000e+00> : vector<1x2xf32>
      %dot_general3A_72 = tpu.matmul %get3A_67, %get3A_70, %dot_general3A_71 {dimension_numbers = #tpu.dot_dimension_numbers<[1], [0], [0], [1], [0, 0, 1, 1], [], []>, transpose_lhs_hint = false} : vector<1x64xf32>, vector<64x2xf32>, vector<1x2xf32> -> vector<1x2xf32>
      %add3A_73 = arith.addf %dot_general3A_64, %dot_general3A_72 : vector<1x2xf32>
      %get3A_74 = arith.constant 0 : index
      %get3A_75 = arith.constant 0 : index
      %get3A_76 = vector.load %arg12[%get3A_74, %get3A_75] : memref<1x2xf32, #tpu.memory_space<vmem>>, vector<1x2xf32>
      %add3A_77 = arith.addf %add3A_73, %get3A_76 : vector<1x2xf32>
      %logistic3A = arith.negf %add3A_77 : vector<1x2xf32>
      %logistic3A_78 = math.exp %logistic3A : vector<1x2xf32>
      %logistic3A_79 = arith.constant 1.000000e+00 : f32
      %logistic3A_80 = vector.broadcast %logistic3A_79 : f32 to vector<1x2xf32>
      %logistic3A_81 = arith.addf %logistic3A_80, %logistic3A_78 : vector<1x2xf32>
      %logistic3A_82 = arith.divf %logistic3A_80, %logistic3A_81 : vector<1x2xf32>
      %swap3A_83 = arith.constant 0 : index
      %swap3A_84 = arith.constant 0 : index
      %swap3A_85 = vector.load %arg13[%swap3A_83, %swap3A_84] : memref<1x2xf32, #tpu.memory_space<vmem>>, vector<1x2xf32>
      tpu.vector_store %arg13[%swap3A_83, %swap3A_84], %logistic3A_82 {strides = array<i32>} : memref<1x2xf32, #tpu.memory_space<vmem>>, vector<1x2xf32>,
    } else {
    }
    return
  }
  func.func @transform_0(%arg0: i32) -> (i32, i32, i32) {
    %c0_i32 = arith.constant 0 : i32
    %c0_i32_0 = arith.constant 0 : i32
    %c0_i32_1 = arith.constant 0 : i32
    return %c0_i32, %arg0, %c0_i32_0 : i32, i32, i32
  }
  func.func @transform_1(%arg0: i32) -> (i32, i32) {
    %c0_i32 = arith.constant 0 : i32
    %c0_i32_0 = arith.constant 0 : i32
    return %arg0, %c0_i32 : i32, i32
  }
  func.func @transform_2(%arg0: i32) -> (i32, i32) {
    %c0_i32 = arith.constant 0 : i32
    %c0_i32_0 = arith.constant 0 : i32
    return %arg0, %c0_i32 : i32, i32
  }
  func.func @transform_3(%arg0: i32) -> (i32, i32) {
    %c0_i32 = arith.constant 0 : i32
    %c0_i32_0 = arith.constant 0 : i32
    %c0_i32_1 = arith.constant 0 : i32
    return %c0_i32, %c0_i32_0 : i32, i32
  }
  func.func @transform_4(%arg0: i32) -> (i32, i32) {
    %c0_i32 = arith.constant 0 : i32
    %c0_i32_0 = arith.constant 0 : i32
    %c0_i32_1 = arith.constant 0 : i32
    return %c0_i32, %c0_i32_0 : i32, i32
  }
  func.func @transform_5(%arg0: i32) -> (i32, i32) {
    %c0_i32 = arith.constant 0 : i32
    %c0_i32_0 = arith.constant 0 : i32
    %c0_i32_1 = arith.constant 0 : i32
    return %c0_i32, %c0_i32_0 : i32, i32
  }
  func.func @transform_6(%arg0: i32) -> (i32, i32) {
    %c0_i32 = arith.constant 0 : i32
    %c0_i32_0 = arith.constant 0 : i32
    %c0_i32_1 = arith.constant 0 : i32
    return %c0_i32, %c0_i32_0 : i32, i32
  }
  func.func @transform_7(%arg0: i32) -> (i32, i32) {
    %c0_i32 = arith.constant 0 : i32
    %c0_i32_0 = arith.constant 0 : i32
    %c0_i32_1 = arith.constant 0 : i32
    return %c0_i32, %c0_i32_0 : i32, i32
  }
  func.func @transform_8(%arg0: i32) -> (i32, i32) {
    %c0_i32 = arith.constant 0 : i32
    %c0_i32_0 = arith.constant 0 : i32
    %c0_i32_1 = arith.constant 0 : i32
    return %c0_i32, %c0_i32_0 : i32, i32
  }
  func.func @transform_9(%arg0: i32) -> (i32, i32) {
    %c0_i32 = arith.constant 0 : i32
    %c0_i32_0 = arith.constant 0 : i32
    %c0_i32_1 = arith.constant 0 : i32
    return %c0_i32, %c0_i32_0 : i32, i32
  }
  func.func @transform_10(%arg0: i32) -> (i32, i32) {
    %c0_i32 = arith.constant 0 : i32
    %c0_i32_0 = arith.constant 0 : i32
    %c0_i32_1 = arith.constant 0 : i32
    return %c0_i32, %c0_i32_0 : i32, i32
  }
  func.func @transform_11(%arg0: i32) -> (i32, i32) {
    %c0_i32 = arith.constant 0 : i32
    %c0_i32_0 = arith.constant 0 : i32
    %c0_i32_1 = arith.constant 0 : i32
    return %c0_i32, %c0_i32_0 : i32, i32
  }
  func.func @transform_12(%arg0: i32) -> (i32, i32) {
    %c0_i32 = arith.constant 0 : i32
    %c0_i32_0 = arith.constant 0 : i32
    %c0_i32_1 = arith.constant 0 : i32
    return %c0_i32, %c0_i32_0 : i32, i32
  }
  func.func @transform_13(%arg0: i32) -> (i32, i32) {
    %c0_i32 = arith.constant 0 : i32
    %c0_i32_0 = arith.constant 0 : i32
    %c0_i32_1 = arith.constant 0 : i32
    return %c0_i32, %c0_i32_0 : i32, i32
  }
}

</mosaic_0001>

<sc_bundles>
// kernel: kernel.11.cloned.1.call-start
scs
__scs_entry_jumppad:
0x0: {  	(pc) =	sbr.rel $0x88, $3  }
0x1: {  	(tag) =	ssettag $0x0;
	lr =	simm.s32 $0x1  }
0x2: {  	[smem:$0x3F8A] =	sst lr;
	_ =	strace $0xD0000000  }
0x3: {  	_ = 	snop  }
0x4: {  	_ = 	snop  }
0x5: {  	_ = 	snop  }
0x6: {  	_ = 	snop  }
0x7: {  	_ = 	snop  }
__scs_overlays_trampoline_lowered:
0x8: {  	[smem:$0x3F99] =	sst s0  }
0x9: {  	[smem:$0x3F9A] =	sst s1  }
0xa: {  	[smem:$0x3F9B] =	sst s2  }
0xb: {  	[smem:$0x3F9C] =	sst s3  }
0xc: {  	[smem:$0x3F9D] =	sst s4  }
0xd: {  	[smem:$0x3F9E] =	sst s5  }
0xe: {  	[smem:$0x3F9F] =	sst s6  }
0xf: {  	[smem:$0x3FA0] =	sst s7  }
0x10: {  	[smem:$0x3FA1] =	sst s8  }
0x11: {  	[smem:$0x3FA2] =	sst s9;
	s0 =	simm.s32 @!p0 $0x0  }
0x12: {  	s1 =	sld [smem:$0x3F88];
	s0 =	simm.s32 @p0 $0x1  }
0x13: {  	[smem:$0x3FA3] =	sst s0;
	s0 =	simm.s32 @!p1 $0x0  }
0x14: {  	s2 =	sld [smem:$0x3F87];
	s0 =	simm.s32 @p1 $0x1  }
0x15: {  	[smem:$0x3FA4] =	sst s0;
	s0 =	simm.s32 @!p2 $0x0  }
0x16: {  	s3 =	sld [smem:$0x3FDB];
	s0 =	simm.s32 @p2 $0x1  }
0x17: {  	s4 =	simm.s32 $0x1BF5;
	[smem:$0x3FA6] =	sst s0  }
0x18: {  	s0 =	sld [smem:$0x3F89];
	_ =	swait.ge [sflag:s4], $0x0  }
0x19: {  	s7 =	sld [smem:$0x3F8A]  }
0x1a: {  	s8 =	sadd.s32 $0xFFFFE003, lr  }
0x1b: {  	s9 =	sadd.s32 $0xFFFFFEF7, lr;
	s5 =	simm.s32 $0xFFFFFFFF;
	p2 =	slt.u32 s8, $0xFFFFF086  }
0x1c: {  	p1 =	slt.u32 s9, $0xF7A;
	s5 =	simm.s32 @!p2 $0x0  }
0x1d: {  	s5 =	simm.s32 @p1 $0x1;
	p0 =	seq.s32 s7, s2  }
0x1e: {  	s7 =	smul.u32 @!p0 $0xF7A, s2;
	p2 =	seq.s32 @!p0 s5, $0x0  }
0x1f: {  	s9 =	smul.u32 $0xF7A, s1;
	s8 =	simm.s32 @!p0 $0x1BF5;
	p2 =	por !p2, p0  }
0x20: {  	[sflag:s8] =	ssyncset.s32 @!p0 $0xFFFFF086;
	s6 =	sadd.s32 @!p0 s3, s7;
	s7 =	simm.s32 @!p0 $0x108  }
0x21: {  	s3 =	sadd.s32 s3, s9;
	s6 =	sadd.s32 @!p0 $0x88, s6;
	s7 =	simm.s32 @p2 $0x1082  }
0x22: {  	[simem:s7], [sflag:s8] =	dma.local @!p0 [hbm:s6], $0xF7A  }
0x23: {  	s9 =	sor.u32 $0xD0000000, s2;
	s6 =	simm.s32 $0x108;
	_ =	swait.ge @!p0 [sflag:s8], $0x0  }
0x24: {  	s3 =	sadd.s32 $0x88, s3;
	s6 =	simm.s32 @!p1 $0x1082;
	[sflag:s4] =	ssyncset.s32 $0xFFFFF086  }
0x25: {  	[simem:s6], [sflag:s4] =	dma.local [hbm:s3], $0xF7A  }
0x26: {  	[smem:$0x3F8A] =	sst s1;
	(tag) =	ssettag s2;
	_ =	strace s9  }
0x27: {  	s1 =	sld [smem:$0x3F9A]  }
0x28: {  	s2 =	sld [smem:$0x3F9B]  }
0x29: {  	s4 =	sld [smem:$0x3F9D]  }
0x2a: {  	p0 =	seq.s32 s5, $0x0;
	s5 =	sld [smem:$0x3F9E]  }
0x2b: {  	s6 =	sld [smem:$0x3F9F]  }
0x2c: {  	s7 =	sld [smem:$0x3FA0]  }
0x2d: {  	s3 =	simm.s32 $0x108;
	s8 =	sld [smem:$0x3FA1]  }
0x2e: {  	s3 =	simm.s32 @!p0 $0x1082;
	s9 =	sld [smem:$0x3FA2]  }
0x2f: {  	lr =	sadd.s32 s0, s3;
	s0 =	sld [smem:$0x3F99]  }
0x30: {  	s3 =	sld [smem:$0x3F9C]  }
0x31: {  	[smem:$0x3FA5] =	sst s10  }
0x32: {  	s10 =	sld [smem:$0x3FA3];
	_ =	sdelay $0x3  }
0x33: {  	p0 =	seq.s32 s10, $0x1;
	s10 =	sld [smem:$0x3FA5];
	_ =	sdelay $0x3  }
0x34: {  	[smem:$0x3FA5] =	sst s10  }
0x35: {  	s10 =	sld [smem:$0x3FA4];
	_ =	sdelay $0x3  }
0x36: {  	p1 =	seq.s32 s10, $0x1;
	s10 =	sld [smem:$0x3FA5];
	_ =	sdelay $0x3  }
0x37: {  	[smem:$0x3FA5] =	sst s10  }
0x38: {  	s10 =	sld [smem:$0x3FA6]  }
0x39: {  	_ = 	snop;
	(pc) =	sbr.ind lr, $3  }
0x3a: {  	_ = 	snop  }
0x3b: {  	_ = 	snop  }
0x3c: {  	p2 =	seq.s32 s10, $0x1;
	s10 =	sld [smem:$0x3FA5]  }
0x3d: {  	_ =	shalt  }
0x3e: {  	_ =	shalt  }
0x3f: {  	_ =	shalt  }
0x40: {  	_ =	shalt  }
0x41: {  	_ =	shalt  }
0x42: {  	_ =	shalt  }
0x43: {  	_ =	shalt  }
0x44: {  	_ =	shalt  }
0x45: {  	_ =	shalt  }
0x46: {  	_ =	shalt  }
0x47: {  	_ =	shalt  }
0x48: {  	_ =	shalt  }
0x49: {  	_ =	shalt  }
0x4a: {  	_ =	shalt  }
0x4b: {  	_ =	shalt  }
0x4c: {  	_ =	shalt  }
0x4d: {  	_ =	shalt  }
0x4e: {  	_ =	shalt  }
0x4f: {  	_ =	shalt  }
0x50: {  	_ =	shalt  }
0x51: {  	_ =	shalt  }
0x52: {  	_ =	shalt  }
0x53: {  	_ =	shalt  }
0x54: {  	_ =	shalt  }
0x55: {  	_ =	shalt  }
0x56: {  	_ =	shalt  }
0x57: {  	_ =	shalt  }
0x58: {  	_ =	shalt  }
0x59: {  	_ =	shalt  }
0x5a: {  	_ =	shalt  }
0x5b: {  	_ =	shalt  }
0x5c: {  	_ =	shalt  }
0x5d: {  	_ =	shalt  }
0x5e: {  	_ =	shalt  }
0x5f: {  	_ =	shalt  }
0x60: {  	_ =	shalt  }
0x61: {  	_ =	shalt  }
0x62: {  	_ =	shalt  }
0x63: {  	_ =	shalt  }
0x64: {  	_ =	shalt  }
0x65: {  	_ =	shalt  }
0x66: {  	_ =	shalt  }
0x67: {  	_ =	shalt  }
0x68: {  	_ =	shalt  }
0x69: {  	_ =	shalt  }
0x6a: {  	_ =	shalt  }
0x6b: {  	_ =	shalt  }
0x6c: {  	_ =	shalt  }
0x6d: {  	_ =	shalt  }
0x6e: {  	_ =	shalt  }
0x6f: {  	_ =	shalt  }
0x70: {  	_ =	shalt  }
0x71: {  	_ =	shalt  }
0x72: {  	_ =	shalt  }
0x73: {  	_ =	shalt  }
0x74: {  	_ =	shalt  }
0x75: {  	_ =	shalt  }
0x76: {  	_ =	shalt  }
0x77: {  	_ =	shalt  }
0x78: {  	_ =	shalt  }
0x79: {  	_ =	shalt  }
0x7a: {  	_ =	shalt  }
0x7b: {  	_ =	shalt  }
0x7c: {  	_ =	shalt  }
0x7d: {  	_ =	shalt  }
0x7e: {  	_ =	shalt  }
0x7f: {  	_ =	shalt  }
0x80: {  	_ =	shalt  }
0x81: {  	_ =	shalt  }
0x82: {  	_ =	shalt  }
0x83: {  	_ =	shalt  }
0x84: {  	_ =	shalt  }
0x85: {  	_ =	shalt  }
0x86: {  	_ =	shalt  }
0x87: {  	_ =	shalt  }
.Lfunc_end0:
.L_simem_size_0:
called_computation.1_lowered:
.L_overlay_start_0:
0x88: {  	s2 =	sld [smem:$0x3FD9]  }
0x89: {  	s3 =	sld [smem:$0x3FFE];
	_ =	sdelay $0x1  }
0x8a: {  	s1 =	srdreg.scid  }
0x8b: {  	s0 =	sand.u32 $0x1, s1  }
0x8c: {  	s16 =	sshll.u32 s0, $0xA;
	s2 =	sadd.s32 s3, s2  }
0x8d: {  	s2 =	sadd.s32 s2, s16  }
0x8e: {  	[smem:$0x3FB1] =	sst s2  }
0x8f: {  	_ = 	snop  }
0x90: {  	(tm) =	ssettm $0x1  }
0x91: {  	s17 =	sld [smem:$0x3FFB];
	_ =	sdelay $0x3  }
0x92: {  	_ =	strace s17  }
0x93: {  	s2 =	sld [smem:$0x3FFC];
	_ =	sdelay $0x3  }
0x94: {  	_ =	strace s2  }
0x95: {  	s2 =	sld [smem:$0x3FFD];
	_ =	sdelay $0x3  }
0x96: {  	_ =	strace s2  }
0x97: {  	_ =	strace $0x8FFFFFFF  }
0x98: {  	s18 =	sld [smem:$0x3FDB];
	_ =	sdelay $0x1  }
0x99: {  	s19 =	simm.s32 $_scs_section_size  }
0x9a: {  	s4 =	simm.s32 $_size__tile_overlayer_lowered;
	s5 =	simm.s32 $_tile_overlayer_lowered  }
0x9b: {  	s22 =	simm.s32 $0x1BFF;
	s21 =	sshll.u32 s5, $0x1;
	s2 =	sadd.s32 s19, s18  }
0x9c: {  	s6 =	simm.s32 $0x0;
	s20 =	sshll.u32 s4, $0x1;
	s4 =	sadd.s32 s21, s2  }
0x9d: {  	[timem:s6], [sflag:s22] =	dma.local [hbm:s4], s20  }
0x9e: {  	_ =	swait.ge [sflag:s22], s20  }
0x9f: {  	s3 =	ssub.s32 $0x0, s20;
	[sflag:s22] =	ssyncset.done $0x0  }
0xa0: {  	[sflag:s22] =	ssyncadd.s32 s3;
	_ =	sdelay $0x1  }
0xa1: {  	s23 =	simm.s32 $0x1B8B  }
0xa2: {  	_ =	swait.ge [sflag:s23], $0x1  }
0xa3: {  	[sflag:s23] =	ssyncset.done $0x0  }
0xa4: {  	s25 =	simm.s32 $0x1B8E;
	s24 =	sld [smem:$0x3FFE];
	[sflag:s23] =	ssyncadd.s32 $0xFFFFFFFF  }
0xa5: {  	s26 =	simm.s32 $execute0_lowered;
	[smem:$0x3FD2] =	sst s25  }
0xa6: {  	s4 =	sshll.u32 s26, $0x1;
	_ =	strace $0x80000049;
	[dreg:$0x1] =	wrdreg $0xFFFFFFFF  }
0xa7: {  	s28 =	simm.s32 $_size_execute0_lowered;
	s2 =	sadd.s32 s2, s4;
	[dreg:$0x0] =	wrdreg $0x0  }
0xa8: {  	s4 =	sshll.u32 s28, $0x1;
	[dreg:$0x2] =	wrdreg s2  }
0xa9: {  	[dreg:$0x3] =	wrdreg s4  }
0xaa: {  	[dreg:$0x4] =	wrdreg $0xC0  }
0xab: {  	_ =	task [dreg:s6], $0x5FFFF  }
0xac: {  	[dreg:$0x1] =	wrdreg $0xFFFFFFFF  }
0xad: {  	[dreg:$0x0] =	wrdreg $0x60  }
0xae: {  	[dreg:$0x2] =	wrdreg s24  }
0xaf: {  	[dreg:$0x3] =	wrdreg $0x14B400  }
0xb0: {  	[dreg:$0x4] =	wrdreg $0xAF000  }
0xb1: {  	[dreg:$0x5] =	wrdreg $0x9  }
0xb2: {  	_ =	task.clear_ibuf [dreg:s6], $0x6FFFF;
	_ =	strace $0x90000049  }
0xb3: {  	s29 =	simm.s32 $0x9;
	_ =	strace $0x8000004B  }
0xb4: {  	_ =	swait.ge [sflag:s29], $0x1  }
0xb5: {  	[sflag:s29] =	ssyncadd.s32 $0xFFFFFFFF  }
0xb6: {  	_ =	strace $0x9000004B  }
0xb7: {  	_ =	sfence  }
0xb8: {  	s30 =	sld [smem:$0x0];
	_ =	sdelay $0x2  }
0xb9: {  	s31 =	sshll.u32 s1, $0xD;
	s1 =	sshrl.u32 s1, $0x2  }
0xba: {  	s3 =	sand.u32 $0x4000, s31;
	s1 =	sadd.s32 s1, s30  }
0xbb: {  	s0 =	sor.u32 s3, s0;
	s1 =	sshll.u32 s1, $0x11  }
0xbc: {  	s0 =	sor.u32 s1, s0  }
0xbd: {  	s0 =	sadd.s32 $0x8F2B, s0  }
0xbe: {  	[sflag:s0] =	ssyncadd.remote.s32 $0x1  }
0xbf: {  	_ =	sfence.sel $0xFFFF  }
0xc0: {  	[dreg:$0x0] =	wrdreg $0xFFFFFFFF;
	(pc) =	sbr.abs _section_cstart, $3  }
0xc1: {  	[dreg:$0x1] =	wrdreg $0xFFFFFFFF  }
0xc2: {  	_ =	task.clear_ibuf [dreg:s6], $0x2FFFF;
	_ =	strace $0x9FFFFFFF  }
0xc3: {  	(tm) =	ssettm $0x7FFFFFFF  }
tec
execute0_lowered:
.L_overlay_start_1:
0x0: {  	(tag) =	ssettag $0x1  }
0x1: {  	s13 =	stileid.u32  }
0x2: {  	s0 =	srdreg.scid;
	s1 =	rddreg [dreg:$0x0]  }
0x3: {  	s2 =	rddreg [dreg:$0x1];
	s4 =	simm.s32 $0x0;
	s14 =	simm.s32 $0x144  }
0x4: {  	s28 =	simm.s32 $0x6;
	s29 =	simm.s32 $0x0;
	s9 =	smul.u32 $0xFA00, s13  }
0x5: {  	s0 =	sand.u32 $0x1, s0;
	s3 =	sshll.u32 s13, $0x1;
	s7 =	smul.u32 $0x9E00, s13  }
0x6: {  	[smem:$0x7FF] =	sst s4;
	p0 =	slt.u32 s13, $0x2;
	s24 =	sshll.u32 s13, $0x6  }
0x7: {  	p1 =	sgt.u32 s13, $0x1;
	s5 =	sor.u32 s0, s3;
	s3 =	rddreg [dreg:$0x2]  }
0x8: {  	s8 =	smul.u32 $0x9E000, s0;
	_ =	strace $0x8000004A;
	s0 =	ssub.s32 $0x2, s0  }
0x9: {  	[dreg:$0x5] =	wrdreg s24;
	s14 =	simm.s32 @!p0 $0x140;
	s6 =	smul.u32 $0x4E, s5  }
0xa: {  	s5 =	smin.u32 s5, $0x4;
	s10 =	sshrl.u32 s9, $0x3;
	s21 =	sshrl.u32 s7, $0x3  }
0xb: {  	s23 =	sshrl.u32 s0, $0x1;
	s16 =	sadd.s32 s7, s2;
	s18 =	sadd.s32 s9, s3  }
0xc: {  	[dreg:$0x4] =	wrdreg s14;
	s10 =	sadd.s32 s10, s1;
	s20 =	sadd.s32 s7, s8  }
0xd: {  	s22 =	sadd.s32 s21, s1;
	s0 =	ssub.s32 s0, s23;
	s16 =	sshrl.u32 s16, $0x3  }
0xe: {  	s21 =	simm.s32 $0x7;
	s23 =	simm.s32 $0x1;
	s5 =	sadd.s32 s5, s6  }
0xf: {  	s6 =	sshrl.u32 s20, $0x3;
	s25 =	sadd.s32 $0x2BA00, s22;
	s26 =	sadd.s32 $0x18000, s10  }
0x10: {  	s15 =	smax.u32 s0, $0x1;
	s5 =	sshll.u32 s5, $0x4;
	[dreg:$0x6] =	wrdreg s25  }
0x11: {  	[dreg:$0x8] =	wrdreg s26;
	s25 =	simm.s32 $0x4;
	s26 =	simm.s32 $0x5  }
0x12: {  	s12 =	sadd.s32 s5, s1;
	s1 =	sadd.s32 s6, s1;
	s5 =	simm.s32 $0x4F  }
0x13: {  	s6 =	sor.u32 $0x1C01, s24;
	s24 =	simm.s32 $0x2;
	s5 =	simm.s32 @!p0 $0x4E  }
0x14: {  	[dreg:$0x7] =	wrdreg s6;
	s10 =	sadd.s32 $0x4600, s12;
	s11 =	sadd.s32 $0xE240, s12  }
0x15: {  	s30 =	sadd.s32 $0x4AE0, s12;
	s31 =	sadd.s32 $0xE720, s12;
	p0 =	sgt.u32 s13, $0x9  }
0x16: {  	s14 =	sadd.s32 $0x3F600, s1;
	[dreg:$0x9] =	wrdreg s30;
	s1 =	sshll.u32 @!p0 s13, $0x6  }
0x17: {  	[dreg:$0xa] =	wrdreg s31;
	s18 =	sshrl.u32 @!p0 s18, $0x3;
	s17 =	sor.u32 @!p0 $0x1C02, s1  }
.LBB2_1:
0x18: {  	s0 =	rddreg [dreg:$0x6]  }
0x19: {  	s1 =	rddreg [dreg:$0x7]  }
0x1a: {  	[spmem:s16], [sflag:s1] =	dma.local [hbm:s0], $0x13C0  }
.Ltmp0:
0x1b: {  	s0 =	rddreg [dreg:$0x8];
	(pc) =	sbr.rel @p1 .LBB2_3-.Ltmp0, $4  }
0x1c: {  	[spmem:s18], [sflag:s17] =	dma.local @!p0 [hbm:s0], $0x1F40  }
0x1d: {  	[tilespmem:s4], [sflag:$0x4] =	stream.linear.gather [hbm4b:s10+s4], $0x2700, $0x38;
	[tilespmem:$0x1E940] =	vst v63  }
0x1e: {  	s31 =	simm.s32 $0x2780  }
0x1f: {  	[tilespmem:s31], [sflag:$0x5] =	stream.linear.gather [hbm4b:s11+s4], $0x2700, $0x38;
	[tilespmem:$0x1E940] =	vst v63  }
0x20: {  	s0 =	rddreg [dreg:$0x9];
	s1 =	simm.s32 $0x2700  }
0x21: {  	[tilespmem:s1], [sflag:$0x7] =	stream.linear.gather [hbm4b:s0+s4], $0x80, $0x38;
	[tilespmem:$0x1E940] =	vst v63  }
0x22: {  	_ =	swait.ge [sflag:s21], $0x80  }
0x23: {  	[sflag:s21] =	ssyncset.done $0x0  }
0x24: {  	s31 =	simm.s32 $0x4E80;
	s30 =	rddreg [dreg:$0xa];
	[sflag:s21] =	ssyncadd.s32 $0xFFFFFF80  }
0x25: {  	[tilespmem:s31], [sflag:$0x7] =	stream.linear.gather [hbm4b:s30+s4], $0x80, $0x38;
	[tilespmem:$0x1E940] =	vst v63  }
0x26: {  	_ =	swait.ge [sflag:s21], $0x80  }
.Ltmp1:
0x27: {  	[sflag:s21] =	ssyncset.done $0x0;
	(pc) =	sbr.rel .LBB2_4-.Ltmp1, $4  }
0x28: {  	[sflag:s21] =	ssyncadd.s32 $0xFFFFFF80  }
0x29: {  	_ =	swait.ge [sflag:s23], $0x13C0  }
0x2a: {  	[sflag:s23] =	ssyncset.done $0x0  }
0x2b: {  	[sflag:s23] =	ssyncadd.s32 $0xFFFFEC40  }
.LBB2_3:
.Ltmp2:
0x2c: {  	(pc) =	sbr.rel @p0 .LBB2_5-.Ltmp2, $4  }
0x2d: {  	_ = 	snop  }
0x2e: {  	_ =	swait.ge [sflag:s23], $0x13C0  }
0x2f: {  	[sflag:s23] =	ssyncset.done $0x0  }
0x30: {  	[sflag:s23] =	ssyncadd.s32 $0xFFFFEC40  }
.LBB2_4:
0x31: {  	_ =	swait.ge [sflag:s24], $0x1F40  }
0x32: {  	[sflag:s24] =	ssyncset.done $0x0  }
0x33: {  	[sflag:s24] =	ssyncadd.s32 $0xFFFFE0C0  }
.LBB2_5:
0x34: {  	_ =	swait.ge [sflag:s25], $0x2700  }
0x35: {  	[sflag:s25] =	ssyncset.done $0x0  }
0x36: {  	[sflag:s25] =	ssyncadd.s32 $0xFFFFD900  }
0x37: {  	s30 =	simm.s32 $0xF00;
	_ =	swait.ge [sflag:s26], $0x2700  }
0x38: {  	s31 =	simm.s32 $0xFFFFFFFE;
	s1 =	simm.s32 $0x0;
	[sflag:s26] =	ssyncset.done $0x0  }
0x39: {  	s0 =	simm.s32 $0x2680;
	s20 =	simm.s32 $0x4F00;
	[sflag:s26] =	ssyncadd.s32 $0xFFFFD900  }
0x3a: {  	s22 =	simm.s32 $0x0;
	s12 =	simm.s32 $0x0;
	[bflag:$0x0] =	sbarrier.arrive $0xFFFF  }
.LBB2_6:
0x3b: {  	s13 =	smulhi.u32 $0xAAAAAAAB, s12;
	_ =	sdelay $0x1  }
0x3c: {  	s19 =	smulhi.u32 $0xAAAAAAAB, s31;
	p2 =	slt.u32 s12, $0x3;
	s13 =	sshrl.u32 s13, $0x1  }
0x3d: {  	p3 =	sge.u32 @!p2 s12, s5;
	s7 =	smul.u32 $0xFFFFFFF4, s13  }
0x3e: {  	s19 =	sshrl.u32 s19, $0x1;
	p2 =	por p3, p2;
	s13 =	smul.u32 $0xFFFE8000, s13  }
0x3f: {  	p3 =	sge.u32 s12, s5;
	s6 =	smul.u32 $0xFFFFFFF4, s19;
	s7 =	sshra.s32 s7, $0x2  }
0x40: {  	s9 =	sshra.s32 @!p2 s22, $0x2;
	s13 =	sshra.s32 s13, $0x2;
	s8 =	sadd.s32 $0x4, s7  }
0x41: {  	s6 =	sshra.s32 s6, $0x2;
	s7 =	sadd.s32 $0x1, s7;
	s8 =	sadd.s32 @!p2 s9, s8  }
0x42: {  	s9 =	sadd.s32 s13, s20;
	s13 =	sshra.s32 @!p3 s22, $0x2;
	_ =	swait.ge @!p2 [sflag:s8], $0x2000  }
0x43: {  	s7 =	sadd.s32 @!p3 s13, s7;
	s13 =	smul.u32 $0xFFFE8000, s19;
	[sflag:s8] =	ssyncset.done @!p2 $0x0  }
0x44: {  	[sflag:s8] =	ssyncadd.s32 @!p2 $0xFFFFE000;
	s8 =	simm.s32 @!p3 $0x80;
	p2 =	slt.u32 s12, $0x2  }
0x45: {  	[tilespmem:s9], [sflag:s7] =	stream.indirect.gather @!p3 [spmem:s3], $0x40, s1, s8, $0xb8;
	[tilespmem:$0x1E940] =	vst v63  }
0x46: {  	s7 =	sadd.s32 $0xFFFFFFFF, s6;
	s8 =	sshra.s32 @!p2 s22, $0x2  }
0x47: {  	s9 =	sshra.s32 s13, $0x2;
	s7 =	sadd.s32 @!p2 s8, s7  }
0x48: {  	s6 =	sadd.s32 $0x2, s6;
	s22 =	sadd.s32 $0x4, s22;
	_ =	swait.ge @!p2 [sflag:s7], $0x2000  }
0x49: {  	s9 =	sadd.s32 s9, s30;
	s6 =	sadd.s32 @!p2 s8, s6;
	[sflag:s7] =	ssyncset.done @!p2 $0x0  }
0x4a: {  	s19 =	rddreg [dreg:$0x4];
	[sflag:s7] =	ssyncadd.s32 @!p2 $0xFFFFE000;
	s7 =	simm.s32 @!p2 $0x80  }
0x4b: {  	[spmem:s2] =	stream.indirect.scatter.add.f32 @!p2 [tilespmem:s9], [sflag:s6], $0x40, s0, s7, $0xb8;
	[tilespmem:$0x1E940] =	vst v63  }
0x4c: {  	p2 =	sne.s32 s19, s22  }
.Ltmp3:
0x4d: {  	_ = 	snop;
	(pc) =	sbr.rel @p2 .LBB2_6-.Ltmp3, $3  }
0x4e: {  	_ =	sdelay $0x1  }
0x4f: {  	s31 =	sadd.s32 $0x1, s31;
	s20 =	sadd.s32 $0x2000, s20;
	s12 =	sadd.s32 $0x1, s12  }
0x50: {  	s1 =	sadd.s32 $0x80, s1;
	s30 =	sadd.s32 $0x2000, s30;
	s0 =	sadd.s32 $0x80, s0  }
0x51: {  	_ =	swait.ge [sflag:s25], $0x2000  }
0x52: {  	[sflag:s25] =	ssyncset.done $0x0  }
0x53: {  	[sflag:s25] =	ssyncadd.s32 $0xFFFFE000  }
0x54: {  	_ =	swait.ge [sflag:s26], $0x2000  }
0x55: {  	[sflag:s26] =	ssyncset.done $0x0  }
0x56: {  	[sflag:s26] =	ssyncadd.s32 $0xFFFFE000  }
0x57: {  	_ =	swait.ge [sflag:s28], $0x2000  }
0x58: {  	[sflag:s28] =	ssyncset.done $0x0  }
0x59: {  	[sflag:s28] =	ssyncadd.s32 $0xFFFFE000  }
0x5a: {  	s29 =	sadd.s32 $0x1, s29;
	[bflag:$0x0] =	sbarrier.arrive $0xFFFF  }
0x5b: {  	p2 =	sne.s32 s29, s15;
	s0 =	rddreg [dreg:$0x5]  }
.Ltmp4:
0x5c: {  	s0 =	sor.u32 $0x1C07, s0;
	(pc) =	sbr.rel @p2 .LBB2_1-.Ltmp4, $4  }
0x5d: {  	[hbm:s14], [sflag:s0] =	dma.local [spmem:s16], $0x13C0  }
0x5e: {  	_ =	swait.ge [sflag:s21], $0x13C0  }
0x5f: {  	[sflag:s21] =	ssyncset.done $0x0  }
0x60: {  	[sflag:s21] =	ssyncadd.s32 $0xFFFFEC40  }
0x61: {  	_ =	sfence.sel $0x180000  }
0x62: {  	[bflag:$0x0] =	sbarrier.arrive $0xFFFF  }
0x63: {  	_ =	strace $0x9000004A  }
0x64: {  	s0 =	stileid.u32;
	[bflag:$0x2] =	sbarrier.arrive $0xFFFF  }
0x65: {  	p0 =	sne.s32 s0, $0x0;
	s0 =	rddreg [dreg:$0x3]  }
0x66: {  	s0 =	sadd.s32 @!p0 $0x100000, s0  }
0x67: {  	[sflag:s0] =	ssyncadd.tile.s32 @!p0 $0x1;
	_ =	shalt  }
.Lfunc_end2:
_tile_overlayer_lowered:
.L_overlay_start_2:
0x68: {  	(tag) =	ssettag $0x2  }
0x69: {  	s0 =	rddreg [dreg:$0x0];
	s2 =	stileid.u32  }
0x6a: {  	s1 =	rddreg [dreg:$0x1];
	p0 =	sne.s32 s2, $0x0  }
0x6b: {  	s3 =	rddreg [dreg:$0x2];
	[bflag:$0x3] =	sbarrier.arrive $0xFFFF;
	s2 =	simm.s32 @!p0 $0x1C07  }
0x6c: {  	[timem:s3], [sflag:s2] =	dma.local @!p0 [hbm:s0], s1  }
0x6d: {  	s0 =	simm.s32 @!p0 $0x7  }
0x6e: {  	_ =	swait.ge @!p0 [sflag:s0], s1  }
0x6f: {  	s1 =	ssub.s32 @!p0 $0x0, s1;
	[sflag:s0] =	ssyncset.done @!p0 $0x0  }
0x70: {  	[sflag:s0] =	ssyncadd.s32 @!p0 s1  }
0x71: {  	[bflag:$0x3] =	sbarrier.arrive $0xFFFF  }
0x72: {  	_ =	shalt  }

// kernel: kernel.14.cloned.1.call-start
scs
__scs_entry_jumppad:
0x0: {  	(pc) =	sbr.rel $0x88, $3  }
0x1: {  	(tag) =	ssettag $0x0;
	lr =	simm.s32 $0x1  }
0x2: {  	[smem:$0x3F8A] =	sst lr;
	_ =	strace $0xD0000000  }
0x3: {  	_ = 	snop  }
0x4: {  	_ = 	snop  }
0x5: {  	_ = 	snop  }
0x6: {  	_ = 	snop  }
0x7: {  	_ = 	snop  }
__scs_overlays_trampoline_lowered:
0x8: {  	[smem:$0x3F99] =	sst s0  }
0x9: {  	[smem:$0x3F9A] =	sst s1  }
0xa: {  	[smem:$0x3F9B] =	sst s2  }
0xb: {  	[smem:$0x3F9C] =	sst s3  }
0xc: {  	[smem:$0x3F9D] =	sst s4  }
0xd: {  	[smem:$0x3F9E] =	sst s5  }
0xe: {  	[smem:$0x3F9F] =	sst s6  }
0xf: {  	[smem:$0x3FA0] =	sst s7  }
0x10: {  	[smem:$0x3FA1] =	sst s8  }
0x11: {  	[smem:$0x3FA2] =	sst s9;
	s0 =	simm.s32 @!p0 $0x0  }
0x12: {  	s1 =	sld [smem:$0x3F88];
	s0 =	simm.s32 @p0 $0x1  }
0x13: {  	[smem:$0x3FA3] =	sst s0;
	s0 =	simm.s32 @!p1 $0x0  }
0x14: {  	s2 =	sld [smem:$0x3F87];
	s0 =	simm.s32 @p1 $0x1  }
0x15: {  	[smem:$0x3FA4] =	sst s0;
	s0 =	simm.s32 @!p2 $0x0  }
0x16: {  	s3 =	sld [smem:$0x3FDB];
	s0 =	simm.s32 @p2 $0x1  }
0x17: {  	s4 =	simm.s32 $0x1BF5;
	[smem:$0x3FA6] =	sst s0  }
0x18: {  	s0 =	sld [smem:$0x3F89];
	_ =	swait.ge [sflag:s4], $0x0  }
0x19: {  	s7 =	sld [smem:$0x3F8A]  }
0x1a: {  	s8 =	sadd.s32 $0xFFFFE003, lr  }
0x1b: {  	s9 =	sadd.s32 $0xFFFFFEF7, lr;
	s5 =	simm.s32 $0xFFFFFFFF;
	p2 =	slt.u32 s8, $0xFFFFF086  }
0x1c: {  	p1 =	slt.u32 s9, $0xF7A;
	s5 =	simm.s32 @!p2 $0x0  }
0x1d: {  	s5 =	simm.s32 @p1 $0x1;
	p0 =	seq.s32 s7, s2  }
0x1e: {  	s7 =	smul.u32 @!p0 $0xF7A, s2;
	p2 =	seq.s32 @!p0 s5, $0x0  }
0x1f: {  	s9 =	smul.u32 $0xF7A, s1;
	s8 =	simm.s32 @!p0 $0x1BF5;
	p2 =	por !p2, p0  }
0x20: {  	[sflag:s8] =	ssyncset.s32 @!p0 $0xFFFFF086;
	s6 =	sadd.s32 @!p0 s3, s7;
	s7 =	simm.s32 @!p0 $0x108  }
0x21: {  	s3 =	sadd.s32 s3, s9;
	s6 =	sadd.s32 @!p0 $0x88, s6;
	s7 =	simm.s32 @p2 $0x1082  }
0x22: {  	[simem:s7], [sflag:s8] =	dma.local @!p0 [hbm:s6], $0xF7A  }
0x23: {  	s9 =	sor.u32 $0xD0000000, s2;
	s6 =	simm.s32 $0x108;
	_ =	swait.ge @!p0 [sflag:s8], $0x0  }
0x24: {  	s3 =	sadd.s32 $0x88, s3;
	s6 =	simm.s32 @!p1 $0x1082;
	[sflag:s4] =	ssyncset.s32 $0xFFFFF086  }
0x25: {  	[simem:s6], [sflag:s4] =	dma.local [hbm:s3], $0xF7A  }
0x26: {  	[smem:$0x3F8A] =	sst s1;
	(tag) =	ssettag s2;
	_ =	strace s9  }
0x27: {  	s1 =	sld [smem:$0x3F9A]  }
0x28: {  	s2 =	sld [smem:$0x3F9B]  }
0x29: {  	s4 =	sld [smem:$0x3F9D]  }
0x2a: {  	p0 =	seq.s32 s5, $0x0;
	s5 =	sld [smem:$0x3F9E]  }
0x2b: {  	s6 =	sld [smem:$0x3F9F]  }
0x2c: {  	s7 =	sld [smem:$0x3FA0]  }
0x2d: {  	s3 =	simm.s32 $0x108;
	s8 =	sld [smem:$0x3FA1]  }
0x2e: {  	s3 =	simm.s32 @!p0 $0x1082;
	s9 =	sld [smem:$0x3FA2]  }
0x2f: {  	lr =	sadd.s32 s0, s3;
	s0 =	sld [smem:$0x3F99]  }
0x30: {  	s3 =	sld [smem:$0x3F9C]  }
0x31: {  	[smem:$0x3FA5] =	sst s10  }
0x32: {  	s10 =	sld [smem:$0x3FA3];
	_ =	sdelay $0x3  }
0x33: {  	p0 =	seq.s32 s10, $0x1;
	s10 =	sld [smem:$0x3FA5];
	_ =	sdelay $0x3  }
0x34: {  	[smem:$0x3FA5] =	sst s10  }
0x35: {  	s10 =	sld [smem:$0x3FA4];
	_ =	sdelay $0x3  }
0x36: {  	p1 =	seq.s32 s10, $0x1;
	s10 =	sld [smem:$0x3FA5];
	_ =	sdelay $0x3  }
0x37: {  	[smem:$0x3FA5] =	sst s10  }
0x38: {  	s10 =	sld [smem:$0x3FA6]  }
0x39: {  	_ = 	snop;
	(pc) =	sbr.ind lr, $3  }
0x3a: {  	_ = 	snop  }
0x3b: {  	_ = 	snop  }
0x3c: {  	p2 =	seq.s32 s10, $0x1;
	s10 =	sld [smem:$0x3FA5]  }
0x3d: {  	_ =	shalt  }
0x3e: {  	_ =	shalt  }
0x3f: {  	_ =	shalt  }
0x40: {  	_ =	shalt  }
0x41: {  	_ =	shalt  }
0x42: {  	_ =	shalt  }
0x43: {  	_ =	shalt  }
0x44: {  	_ =	shalt  }
0x45: {  	_ =	shalt  }
0x46: {  	_ =	shalt  }
0x47: {  	_ =	shalt  }
0x48: {  	_ =	shalt  }
0x49: {  	_ =	shalt  }
0x4a: {  	_ =	shalt  }
0x4b: {  	_ =	shalt  }
0x4c: {  	_ =	shalt  }
0x4d: {  	_ =	shalt  }
0x4e: {  	_ =	shalt  }
0x4f: {  	_ =	shalt  }
0x50: {  	_ =	shalt  }
0x51: {  	_ =	shalt  }
0x52: {  	_ =	shalt  }
0x53: {  	_ =	shalt  }
0x54: {  	_ =	shalt  }
0x55: {  	_ =	shalt  }
0x56: {  	_ =	shalt  }
0x57: {  	_ =	shalt  }
0x58: {  	_ =	shalt  }
0x59: {  	_ =	shalt  }
0x5a: {  	_ =	shalt  }
0x5b: {  	_ =	shalt  }
0x5c: {  	_ =	shalt  }
0x5d: {  	_ =	shalt  }
0x5e: {  	_ =	shalt  }
0x5f: {  	_ =	shalt  }
0x60: {  	_ =	shalt  }
0x61: {  	_ =	shalt  }
0x62: {  	_ =	shalt  }
0x63: {  	_ =	shalt  }
0x64: {  	_ =	shalt  }
0x65: {  	_ =	shalt  }
0x66: {  	_ =	shalt  }
0x67: {  	_ =	shalt  }
0x68: {  	_ =	shalt  }
0x69: {  	_ =	shalt  }
0x6a: {  	_ =	shalt  }
0x6b: {  	_ =	shalt  }
0x6c: {  	_ =	shalt  }
0x6d: {  	_ =	shalt  }
0x6e: {  	_ =	shalt  }
0x6f: {  	_ =	shalt  }
0x70: {  	_ =	shalt  }
0x71: {  	_ =	shalt  }
0x72: {  	_ =	shalt  }
0x73: {  	_ =	shalt  }
0x74: {  	_ =	shalt  }
0x75: {  	_ =	shalt  }
0x76: {  	_ =	shalt  }
0x77: {  	_ =	shalt  }
0x78: {  	_ =	shalt  }
0x79: {  	_ =	shalt  }
0x7a: {  	_ =	shalt  }
0x7b: {  	_ =	shalt  }
0x7c: {  	_ =	shalt  }
0x7d: {  	_ =	shalt  }
0x7e: {  	_ =	shalt  }
0x7f: {  	_ =	shalt  }
0x80: {  	_ =	shalt  }
0x81: {  	_ =	shalt  }
0x82: {  	_ =	shalt  }
0x83: {  	_ =	shalt  }
0x84: {  	_ =	shalt  }
0x85: {  	_ =	shalt  }
0x86: {  	_ =	shalt  }
0x87: {  	_ =	shalt  }
.Lfunc_end0:
.L_simem_size_0:
called_computation.2_lowered:
.L_overlay_start_0:
0x88: {  	s2 =	sld [smem:$0x3FD9]  }
0x89: {  	s3 =	sld [smem:$0x3FFE];
	_ =	sdelay $0x1  }
0x8a: {  	s1 =	srdreg.scid  }
0x8b: {  	s0 =	sand.u32 $0x1, s1  }
0x8c: {  	s16 =	sshll.u32 s0, $0xA;
	s2 =	sadd.s32 s3, s2  }
0x8d: {  	s2 =	sadd.s32 s2, s16  }
0x8e: {  	[smem:$0x3FB1] =	sst s2  }
0x8f: {  	_ = 	snop  }
0x90: {  	(tm) =	ssettm $0x1  }
0x91: {  	s17 =	sld [smem:$0x3FFB];
	_ =	sdelay $0x3  }
0x92: {  	_ =	strace s17  }
0x93: {  	s2 =	sld [smem:$0x3FFC];
	_ =	sdelay $0x3  }
0x94: {  	_ =	strace s2  }
0x95: {  	s2 =	sld [smem:$0x3FFD];
	_ =	sdelay $0x3  }
0x96: {  	_ =	strace s2  }
0x97: {  	_ =	strace $0x8FFFFFFF  }
0x98: {  	s18 =	sld [smem:$0x3FDB];
	_ =	sdelay $0x1  }
0x99: {  	s19 =	simm.s32 $_scs_section_size  }
0x9a: {  	s4 =	simm.s32 $_size__tile_overlayer_lowered;
	s5 =	simm.s32 $_tile_overlayer_lowered  }
0x9b: {  	s22 =	simm.s32 $0x1BFF;
	s21 =	sshll.u32 s5, $0x1;
	s2 =	sadd.s32 s19, s18  }
0x9c: {  	s6 =	simm.s32 $0x0;
	s20 =	sshll.u32 s4, $0x1;
	s4 =	sadd.s32 s21, s2  }
0x9d: {  	[timem:s6], [sflag:s22] =	dma.local [hbm:s4], s20  }
0x9e: {  	_ =	swait.ge [sflag:s22], s20  }
0x9f: {  	s3 =	ssub.s32 $0x0, s20;
	[sflag:s22] =	ssyncset.done $0x0  }
0xa0: {  	[sflag:s22] =	ssyncadd.s32 s3;
	_ =	sdelay $0x1  }
0xa1: {  	s23 =	simm.s32 $0x1B8B  }
0xa2: {  	_ =	swait.ge [sflag:s23], $0x1  }
0xa3: {  	[sflag:s23] =	ssyncset.done $0x0  }
0xa4: {  	s25 =	simm.s32 $0x1B8E;
	s24 =	sld [smem:$0x3FFE];
	[sflag:s23] =	ssyncadd.s32 $0xFFFFFFFF  }
0xa5: {  	s26 =	simm.s32 $execute0_lowered;
	[smem:$0x3FD2] =	sst s25  }
0xa6: {  	s4 =	sshll.u32 s26, $0x1;
	_ =	strace $0x8000004C;
	[dreg:$0x1] =	wrdreg $0xFFFFFFFF  }
0xa7: {  	s28 =	simm.s32 $_size_execute0_lowered;
	s2 =	sadd.s32 s2, s4;
	[dreg:$0x0] =	wrdreg $0x0  }
0xa8: {  	s4 =	sshll.u32 s28, $0x1;
	[dreg:$0x2] =	wrdreg s2  }
0xa9: {  	[dreg:$0x3] =	wrdreg s4  }
0xaa: {  	[dreg:$0x4] =	wrdreg $0xC0  }
0xab: {  	_ =	task [dreg:s6], $0x5FFFF  }
0xac: {  	[dreg:$0x1] =	wrdreg $0xFFFFFFFF  }
0xad: {  	[dreg:$0x0] =	wrdreg $0x60  }
0xae: {  	[dreg:$0x2] =	wrdreg s24  }
0xaf: {  	[dreg:$0x3] =	wrdreg $0x14B400  }
0xb0: {  	[dreg:$0x4] =	wrdreg $0xAF000  }
0xb1: {  	[dreg:$0x5] =	wrdreg $0x9  }
0xb2: {  	_ =	task.clear_ibuf [dreg:s6], $0x6FFFF;
	_ =	strace $0x9000004C  }
0xb3: {  	s29 =	simm.s32 $0x9;
	_ =	strace $0x8000004E  }
0xb4: {  	_ =	swait.ge [sflag:s29], $0x1  }
0xb5: {  	[sflag:s29] =	ssyncadd.s32 $0xFFFFFFFF  }
0xb6: {  	_ =	strace $0x9000004E  }
0xb7: {  	_ =	sfence  }
0xb8: {  	s30 =	sld [smem:$0x0];
	_ =	sdelay $0x2  }
0xb9: {  	s31 =	sshll.u32 s1, $0xD;
	s1 =	sshrl.u32 s1, $0x2  }
0xba: {  	s3 =	sand.u32 $0x4000, s31;
	s1 =	sadd.s32 s1, s30  }
0xbb: {  	s0 =	sor.u32 s3, s0;
	s1 =	sshll.u32 s1, $0x11  }
0xbc: {  	s0 =	sor.u32 s1, s0  }
0xbd: {  	s0 =	sadd.s32 $0x8F2B, s0  }
0xbe: {  	[sflag:s0] =	ssyncadd.remote.s32 $0x1  }
0xbf: {  	_ =	sfence.sel $0xFFFF  }
0xc0: {  	[dreg:$0x0] =	wrdreg $0xFFFFFFFF;
	(pc) =	sbr.abs _section_cstart, $3  }
0xc1: {  	[dreg:$0x1] =	wrdreg $0xFFFFFFFF  }
0xc2: {  	_ =	task.clear_ibuf [dreg:s6], $0x2FFFF;
	_ =	strace $0x9FFFFFFF  }
0xc3: {  	(tm) =	ssettm $0x7FFFFFFF  }
tec
execute0_lowered:
.L_overlay_start_1:
0x0: {  	(tag) =	ssettag $0x1  }
0x1: {  	s13 =	stileid.u32  }
0x2: {  	s0 =	srdreg.scid;
	s1 =	rddreg [dreg:$0x0]  }
0x3: {  	s2 =	rddreg [dreg:$0x1];
	s4 =	simm.s32 $0x0;
	s14 =	simm.s32 $0x144  }
0x4: {  	s28 =	simm.s32 $0x6;
	s29 =	simm.s32 $0x0;
	s9 =	smul.u32 $0xFA00, s13  }
0x5: {  	s0 =	sand.u32 $0x1, s0;
	s3 =	sshll.u32 s13, $0x1;
	s7 =	smul.u32 $0x9E00, s13  }
0x6: {  	[smem:$0x7FF] =	sst s4;
	p0 =	slt.u32 s13, $0x2;
	s24 =	sshll.u32 s13, $0x6  }
0x7: {  	p1 =	sgt.u32 s13, $0x1;
	s5 =	sor.u32 s0, s3;
	s3 =	rddreg [dreg:$0x2]  }
0x8: {  	s8 =	smul.u32 $0x9E000, s0;
	_ =	strace $0x8000004D;
	s0 =	ssub.s32 $0x2, s0  }
0x9: {  	[dreg:$0x5] =	wrdreg s24;
	s14 =	simm.s32 @!p0 $0x140;
	s6 =	smul.u32 $0x4E, s5  }
0xa: {  	s5 =	smin.u32 s5, $0x4;
	s10 =	sshrl.u32 s9, $0x3;
	s21 =	sshrl.u32 s7, $0x3  }
0xb: {  	s23 =	sshrl.u32 s0, $0x1;
	s16 =	sadd.s32 s7, s2;
	s18 =	sadd.s32 s9, s3  }
0xc: {  	[dreg:$0x4] =	wrdreg s14;
	s10 =	sadd.s32 s10, s1;
	s20 =	sadd.s32 s7, s8  }
0xd: {  	s22 =	sadd.s32 s21, s1;
	s0 =	ssub.s32 s0, s23;
	s16 =	sshrl.u32 s16, $0x3  }
0xe: {  	s21 =	simm.s32 $0x7;
	s23 =	simm.s32 $0x1;
	s5 =	sadd.s32 s5, s6  }
0xf: {  	s6 =	sshrl.u32 s20, $0x3;
	s25 =	sadd.s32 $0x2BA00, s22;
	s26 =	sadd.s32 $0x18000, s10  }
0x10: {  	s15 =	smax.u32 s0, $0x1;
	s5 =	sshll.u32 s5, $0x4;
	[dreg:$0x6] =	wrdreg s25  }
0x11: {  	[dreg:$0x8] =	wrdreg s26;
	s25 =	simm.s32 $0x4;
	s26 =	simm.s32 $0x5  }
0x12: {  	s12 =	sadd.s32 s5, s1;
	s1 =	sadd.s32 s6, s1;
	s5 =	simm.s32 $0x4F  }
0x13: {  	s6 =	sor.u32 $0x1C01, s24;
	s24 =	simm.s32 $0x2;
	s5 =	simm.s32 @!p0 $0x4E  }
0x14: {  	[dreg:$0x7] =	wrdreg s6;
	s10 =	sadd.s32 $0x4600, s12;
	s11 =	sadd.s32 $0xE240, s12  }
0x15: {  	s30 =	sadd.s32 $0x4AE0, s12;
	s31 =	sadd.s32 $0xE720, s12;
	p0 =	sgt.u32 s13, $0x9  }
0x16: {  	s14 =	sadd.s32 $0x3F600, s1;
	[dreg:$0x9] =	wrdreg s30;
	s1 =	sshll.u32 @!p0 s13, $0x6  }
0x17: {  	[dreg:$0xa] =	wrdreg s31;
	s18 =	sshrl.u32 @!p0 s18, $0x3;
	s17 =	sor.u32 @!p0 $0x1C02, s1  }
.LBB2_1:
0x18: {  	s0 =	rddreg [dreg:$0x6]  }
0x19: {  	s1 =	rddreg [dreg:$0x7]  }
0x1a: {  	[spmem:s16], [sflag:s1] =	dma.local [hbm:s0], $0x13C0  }
.Ltmp0:
0x1b: {  	s0 =	rddreg [dreg:$0x8];
	(pc) =	sbr.rel @p1 .LBB2_3-.Ltmp0, $4  }
0x1c: {  	[spmem:s18], [sflag:s17] =	dma.local @!p0 [hbm:s0], $0x1F40  }
0x1d: {  	[tilespmem:s4], [sflag:$0x4] =	stream.linear.gather [hbm4b:s10+s4], $0x2700, $0x38;
	[tilespmem:$0x1E940] =	vst v63  }
0x1e: {  	s31 =	simm.s32 $0x2780  }
0x1f: {  	[tilespmem:s31], [sflag:$0x5] =	stream.linear.gather [hbm4b:s11+s4], $0x2700, $0x38;
	[tilespmem:$0x1E940] =	vst v63  }
0x20: {  	s0 =	rddreg [dreg:$0x9];
	s1 =	simm.s32 $0x2700  }
0x21: {  	[tilespmem:s1], [sflag:$0x7] =	stream.linear.gather [hbm4b:s0+s4], $0x80, $0x38;
	[tilespmem:$0x1E940] =	vst v63  }
0x22: {  	_ =	swait.ge [sflag:s21], $0x80  }
0x23: {  	[sflag:s21] =	ssyncset.done $0x0  }
0x24: {  	s31 =	simm.s32 $0x4E80;
	s30 =	rddreg [dreg:$0xa];
	[sflag:s21] =	ssyncadd.s32 $0xFFFFFF80  }
0x25: {  	[tilespmem:s31], [sflag:$0x7] =	stream.linear.gather [hbm4b:s30+s4], $0x80, $0x38;
	[tilespmem:$0x1E940] =	vst v63  }
0x26: {  	_ =	swait.ge [sflag:s21], $0x80  }
.Ltmp1:
0x27: {  	[sflag:s21] =	ssyncset.done $0x0;
	(pc) =	sbr.rel .LBB2_4-.Ltmp1, $4  }
0x28: {  	[sflag:s21] =	ssyncadd.s32 $0xFFFFFF80  }
0x29: {  	_ =	swait.ge [sflag:s23], $0x13C0  }
0x2a: {  	[sflag:s23] =	ssyncset.done $0x0  }
0x2b: {  	[sflag:s23] =	ssyncadd.s32 $0xFFFFEC40  }
.LBB2_3:
.Ltmp2:
0x2c: {  	(pc) =	sbr.rel @p0 .LBB2_5-.Ltmp2, $4  }
0x2d: {  	_ = 	snop  }
0x2e: {  	_ =	swait.ge [sflag:s23], $0x13C0  }
0x2f: {  	[sflag:s23] =	ssyncset.done $0x0  }
0x30: {  	[sflag:s23] =	ssyncadd.s32 $0xFFFFEC40  }
.LBB2_4:
0x31: {  	_ =	swait.ge [sflag:s24], $0x1F40  }
0x32: {  	[sflag:s24] =	ssyncset.done $0x0  }
0x33: {  	[sflag:s24] =	ssyncadd.s32 $0xFFFFE0C0  }
.LBB2_5:
0x34: {  	_ =	swait.ge [sflag:s25], $0x2700  }
0x35: {  	[sflag:s25] =	ssyncset.done $0x0  }
0x36: {  	[sflag:s25] =	ssyncadd.s32 $0xFFFFD900  }
0x37: {  	s30 =	simm.s32 $0xF00;
	_ =	swait.ge [sflag:s26], $0x2700  }
0x38: {  	s31 =	simm.s32 $0xFFFFFFFE;
	s1 =	simm.s32 $0x0;
	[sflag:s26] =	ssyncset.done $0x0  }
0x39: {  	s0 =	simm.s32 $0x2680;
	s20 =	simm.s32 $0x4F00;
	[sflag:s26] =	ssyncadd.s32 $0xFFFFD900  }
0x3a: {  	s22 =	simm.s32 $0x0;
	s12 =	simm.s32 $0x0;
	[bflag:$0x0] =	sbarrier.arrive $0xFFFF  }
.LBB2_6:
0x3b: {  	s13 =	smulhi.u32 $0xAAAAAAAB, s12;
	_ =	sdelay $0x1  }
0x3c: {  	s19 =	smulhi.u32 $0xAAAAAAAB, s31;
	p2 =	slt.u32 s12, $0x3;
	s13 =	sshrl.u32 s13, $0x1  }
0x3d: {  	p3 =	sge.u32 @!p2 s12, s5;
	s7 =	smul.u32 $0xFFFFFFF4, s13  }
0x3e: {  	s19 =	sshrl.u32 s19, $0x1;
	p2 =	por p3, p2;
	s13 =	smul.u32 $0xFFFE8000, s13  }
0x3f: {  	p3 =	sge.u32 s12, s5;
	s6 =	smul.u32 $0xFFFFFFF4, s19;
	s7 =	sshra.s32 s7, $0x2  }
0x40: {  	s9 =	sshra.s32 @!p2 s22, $0x2;
	s13 =	sshra.s32 s13, $0x2;
	s8 =	sadd.s32 $0x4, s7  }
0x41: {  	s6 =	sshra.s32 s6, $0x2;
	s7 =	sadd.s32 $0x1, s7;
	s8 =	sadd.s32 @!p2 s9, s8  }
0x42: {  	s9 =	sadd.s32 s13, s20;
	s13 =	sshra.s32 @!p3 s22, $0x2;
	_ =	swait.ge @!p2 [sflag:s8], $0x2000  }
0x43: {  	s7 =	sadd.s32 @!p3 s13, s7;
	s13 =	smul.u32 $0xFFFE8000, s19;
	[sflag:s8] =	ssyncset.done @!p2 $0x0  }
0x44: {  	[sflag:s8] =	ssyncadd.s32 @!p2 $0xFFFFE000;
	s8 =	simm.s32 @!p3 $0x80;
	p2 =	slt.u32 s12, $0x2  }
0x45: {  	[tilespmem:s9], [sflag:s7] =	stream.indirect.gather @!p3 [spmem:s3], $0x40, s1, s8, $0xb8;
	[tilespmem:$0x1E940] =	vst v63  }
0x46: {  	s7 =	sadd.s32 $0xFFFFFFFF, s6;
	s8 =	sshra.s32 @!p2 s22, $0x2  }
0x47: {  	s9 =	sshra.s32 s13, $0x2;
	s7 =	sadd.s32 @!p2 s8, s7  }
0x48: {  	s6 =	sadd.s32 $0x2, s6;
	s22 =	sadd.s32 $0x4, s22;
	_ =	swait.ge @!p2 [sflag:s7], $0x2000  }
0x49: {  	s9 =	sadd.s32 s9, s30;
	s6 =	sadd.s32 @!p2 s8, s6;
	[sflag:s7] =	ssyncset.done @!p2 $0x0  }
0x4a: {  	s19 =	rddreg [dreg:$0x4];
	[sflag:s7] =	ssyncadd.s32 @!p2 $0xFFFFE000;
	s7 =	simm.s32 @!p2 $0x80  }
0x4b: {  	[spmem:s2] =	stream.indirect.scatter.add.f32 @!p2 [tilespmem:s9], [sflag:s6], $0x40, s0, s7, $0xb8;
	[tilespmem:$0x1E940] =	vst v63  }
0x4c: {  	p2 =	sne.s32 s19, s22  }
.Ltmp3:
0x4d: {  	_ = 	snop;
	(pc) =	sbr.rel @p2 .LBB2_6-.Ltmp3, $3  }
0x4e: {  	_ =	sdelay $0x1  }
0x4f: {  	s31 =	sadd.s32 $0x1, s31;
	s20 =	sadd.s32 $0x2000, s20;
	s12 =	sadd.s32 $0x1, s12  }
0x50: {  	s1 =	sadd.s32 $0x80, s1;
	s30 =	sadd.s32 $0x2000, s30;
	s0 =	sadd.s32 $0x80, s0  }
0x51: {  	_ =	swait.ge [sflag:s25], $0x2000  }
0x52: {  	[sflag:s25] =	ssyncset.done $0x0  }
0x53: {  	[sflag:s25] =	ssyncadd.s32 $0xFFFFE000  }
0x54: {  	_ =	swait.ge [sflag:s26], $0x2000  }
0x55: {  	[sflag:s26] =	ssyncset.done $0x0  }
0x56: {  	[sflag:s26] =	ssyncadd.s32 $0xFFFFE000  }
0x57: {  	_ =	swait.ge [sflag:s28], $0x2000  }
0x58: {  	[sflag:s28] =	ssyncset.done $0x0  }
0x59: {  	[sflag:s28] =	ssyncadd.s32 $0xFFFFE000  }
0x5a: {  	s29 =	sadd.s32 $0x1, s29;
	[bflag:$0x0] =	sbarrier.arrive $0xFFFF  }
0x5b: {  	p2 =	sne.s32 s29, s15;
	s0 =	rddreg [dreg:$0x5]  }
.Ltmp4:
0x5c: {  	s0 =	sor.u32 $0x1C07, s0;
	(pc) =	sbr.rel @p2 .LBB2_1-.Ltmp4, $4  }
0x5d: {  	[hbm:s14], [sflag:s0] =	dma.local [spmem:s16], $0x13C0  }
0x5e: {  	_ =	swait.ge [sflag:s21], $0x13C0  }
0x5f: {  	[sflag:s21] =	ssyncset.done $0x0  }
0x60: {  	[sflag:s21] =	ssyncadd.s32 $0xFFFFEC40  }
0x61: {  	_ =	sfence.sel $0x180000  }
0x62: {  	[bflag:$0x0] =	sbarrier.arrive $0xFFFF  }
0x63: {  	_ =	strace $0x9000004D  }
0x64: {  	s0 =	stileid.u32;
	[bflag:$0x2] =	sbarrier.arrive $0xFFFF  }
0x65: {  	p0 =	sne.s32 s0, $0x0;
	s0 =	rddreg [dreg:$0x3]  }
0x66: {  	s0 =	sadd.s32 @!p0 $0x100000, s0  }
0x67: {  	[sflag:s0] =	ssyncadd.tile.s32 @!p0 $0x1;
	_ =	shalt  }
.Lfunc_end2:
_tile_overlayer_lowered:
.L_overlay_start_2:
0x68: {  	(tag) =	ssettag $0x2  }
0x69: {  	s0 =	rddreg [dreg:$0x0];
	s2 =	stileid.u32  }
0x6a: {  	s1 =	rddreg [dreg:$0x1];
	p0 =	sne.s32 s2, $0x0  }
0x6b: {  	s3 =	rddreg [dreg:$0x2];
	[bflag:$0x3] =	sbarrier.arrive $0xFFFF;
	s2 =	simm.s32 @!p0 $0x1C07  }
0x6c: {  	[timem:s3], [sflag:s2] =	dma.local @!p0 [hbm:s0], s1  }
0x6d: {  	s0 =	simm.s32 @!p0 $0x7  }
0x6e: {  	_ =	swait.ge @!p0 [sflag:s0], s1  }
0x6f: {  	s1 =	ssub.s32 @!p0 $0x0, s1;
	[sflag:s0] =	ssyncset.done @!p0 $0x0  }
0x70: {  	[sflag:s0] =	ssyncadd.s32 @!p0 s1  }
0x71: {  	[bflag:$0x3] =	sbarrier.arrive $0xFFFF  }
0x72: {  	_ =	shalt  }

// kernel: kernel.8.cloned.1.call-start
scs
__scs_entry_jumppad:
0x0: {  	(pc) =	sbr.rel $0x88, $3  }
0x1: {  	(tag) =	ssettag $0x0;
	lr =	simm.s32 $0x1  }
0x2: {  	[smem:$0x3F8A] =	sst lr;
	_ =	strace $0xD0000000  }
0x3: {  	_ = 	snop  }
0x4: {  	_ = 	snop  }
0x5: {  	_ = 	snop  }
0x6: {  	_ = 	snop  }
0x7: {  	_ = 	snop  }
__scs_overlays_trampoline_lowered:
0x8: {  	[smem:$0x3F99] =	sst s0  }
0x9: {  	[smem:$0x3F9A] =	sst s1  }
0xa: {  	[smem:$0x3F9B] =	sst s2  }
0xb: {  	[smem:$0x3F9C] =	sst s3  }
0xc: {  	[smem:$0x3F9D] =	sst s4  }
0xd: {  	[smem:$0x3F9E] =	sst s5  }
0xe: {  	[smem:$0x3F9F] =	sst s6  }
0xf: {  	[smem:$0x3FA0] =	sst s7  }
0x10: {  	[smem:$0x3FA1] =	sst s8  }
0x11: {  	[smem:$0x3FA2] =	sst s9;
	s0 =	simm.s32 @!p0 $0x0  }
0x12: {  	s1 =	sld [smem:$0x3F88];
	s0 =	simm.s32 @p0 $0x1  }
0x13: {  	[smem:$0x3FA3] =	sst s0;
	s0 =	simm.s32 @!p1 $0x0  }
0x14: {  	s2 =	sld [smem:$0x3F87];
	s0 =	simm.s32 @p1 $0x1  }
0x15: {  	[smem:$0x3FA4] =	sst s0;
	s0 =	simm.s32 @!p2 $0x0  }
0x16: {  	s3 =	sld [smem:$0x3FDB];
	s0 =	simm.s32 @p2 $0x1  }
0x17: {  	s4 =	simm.s32 $0x1BF5;
	[smem:$0x3FA6] =	sst s0  }
0x18: {  	s0 =	sld [smem:$0x3F89];
	_ =	swait.ge [sflag:s4], $0x0  }
0x19: {  	s7 =	sld [smem:$0x3F8A]  }
0x1a: {  	s8 =	sadd.s32 $0xFFFFE003, lr  }
0x1b: {  	s9 =	sadd.s32 $0xFFFFFEF7, lr;
	s5 =	simm.s32 $0xFFFFFFFF;
	p2 =	slt.u32 s8, $0xFFFFF086  }
0x1c: {  	p1 =	slt.u32 s9, $0xF7A;
	s5 =	simm.s32 @!p2 $0x0  }
0x1d: {  	s5 =	simm.s32 @p1 $0x1;
	p0 =	seq.s32 s7, s2  }
0x1e: {  	s7 =	smul.u32 @!p0 $0xF7A, s2;
	p2 =	seq.s32 @!p0 s5, $0x0  }
0x1f: {  	s9 =	smul.u32 $0xF7A, s1;
	s8 =	simm.s32 @!p0 $0x1BF5;
	p2 =	por !p2, p0  }
0x20: {  	[sflag:s8] =	ssyncset.s32 @!p0 $0xFFFFF086;
	s6 =	sadd.s32 @!p0 s3, s7;
	s7 =	simm.s32 @!p0 $0x108  }
0x21: {  	s3 =	sadd.s32 s3, s9;
	s6 =	sadd.s32 @!p0 $0x88, s6;
	s7 =	simm.s32 @p2 $0x1082  }
0x22: {  	[simem:s7], [sflag:s8] =	dma.local @!p0 [hbm:s6], $0xF7A  }
0x23: {  	s9 =	sor.u32 $0xD0000000, s2;
	s6 =	simm.s32 $0x108;
	_ =	swait.ge @!p0 [sflag:s8], $0x0  }
0x24: {  	s3 =	sadd.s32 $0x88, s3;
	s6 =	simm.s32 @!p1 $0x1082;
	[sflag:s4] =	ssyncset.s32 $0xFFFFF086  }
0x25: {  	[simem:s6], [sflag:s4] =	dma.local [hbm:s3], $0xF7A  }
0x26: {  	[smem:$0x3F8A] =	sst s1;
	(tag) =	ssettag s2;
	_ =	strace s9  }
0x27: {  	s1 =	sld [smem:$0x3F9A]  }
0x28: {  	s2 =	sld [smem:$0x3F9B]  }
0x29: {  	s4 =	sld [smem:$0x3F9D]  }
0x2a: {  	p0 =	seq.s32 s5, $0x0;
	s5 =	sld [smem:$0x3F9E]  }
0x2b: {  	s6 =	sld [smem:$0x3F9F]  }
0x2c: {  	s7 =	sld [smem:$0x3FA0]  }
0x2d: {  	s3 =	simm.s32 $0x108;
	s8 =	sld [smem:$0x3FA1]  }
0x2e: {  	s3 =	simm.s32 @!p0 $0x1082;
	s9 =	sld [smem:$0x3FA2]  }
0x2f: {  	lr =	sadd.s32 s0, s3;
	s0 =	sld [smem:$0x3F99]  }
0x30: {  	s3 =	sld [smem:$0x3F9C]  }
0x31: {  	[smem:$0x3FA5] =	sst s10  }
0x32: {  	s10 =	sld [smem:$0x3FA3];
	_ =	sdelay $0x3  }
0x33: {  	p0 =	seq.s32 s10, $0x1;
	s10 =	sld [smem:$0x3FA5];
	_ =	sdelay $0x3  }
0x34: {  	[smem:$0x3FA5] =	sst s10  }
0x35: {  	s10 =	sld [smem:$0x3FA4];
	_ =	sdelay $0x3  }
0x36: {  	p1 =	seq.s32 s10, $0x1;
	s10 =	sld [smem:$0x3FA5];
	_ =	sdelay $0x3  }
0x37: {  	[smem:$0x3FA5] =	sst s10  }
0x38: {  	s10 =	sld [smem:$0x3FA6]  }
0x39: {  	_ = 	snop;
	(pc) =	sbr.ind lr, $3  }
0x3a: {  	_ = 	snop  }
0x3b: {  	_ = 	snop  }
0x3c: {  	p2 =	seq.s32 s10, $0x1;
	s10 =	sld [smem:$0x3FA5]  }
0x3d: {  	_ =	shalt  }
0x3e: {  	_ =	shalt  }
0x3f: {  	_ =	shalt  }
0x40: {  	_ =	shalt  }
0x41: {  	_ =	shalt  }
0x42: {  	_ =	shalt  }
0x43: {  	_ =	shalt  }
0x44: {  	_ =	shalt  }
0x45: {  	_ =	shalt  }
0x46: {  	_ =	shalt  }
0x47: {  	_ =	shalt  }
0x48: {  	_ =	shalt  }
0x49: {  	_ =	shalt  }
0x4a: {  	_ =	shalt  }
0x4b: {  	_ =	shalt  }
0x4c: {  	_ =	shalt  }
0x4d: {  	_ =	shalt  }
0x4e: {  	_ =	shalt  }
0x4f: {  	_ =	shalt  }
0x50: {  	_ =	shalt  }
0x51: {  	_ =	shalt  }
0x52: {  	_ =	shalt  }
0x53: {  	_ =	shalt  }
0x54: {  	_ =	shalt  }
0x55: {  	_ =	shalt  }
0x56: {  	_ =	shalt  }
0x57: {  	_ =	shalt  }
0x58: {  	_ =	shalt  }
0x59: {  	_ =	shalt  }
0x5a: {  	_ =	shalt  }
0x5b: {  	_ =	shalt  }
0x5c: {  	_ =	shalt  }
0x5d: {  	_ =	shalt  }
0x5e: {  	_ =	shalt  }
0x5f: {  	_ =	shalt  }
0x60: {  	_ =	shalt  }
0x61: {  	_ =	shalt  }
0x62: {  	_ =	shalt  }
0x63: {  	_ =	shalt  }
0x64: {  	_ =	shalt  }
0x65: {  	_ =	shalt  }
0x66: {  	_ =	shalt  }
0x67: {  	_ =	shalt  }
0x68: {  	_ =	shalt  }
0x69: {  	_ =	shalt  }
0x6a: {  	_ =	shalt  }
0x6b: {  	_ =	shalt  }
0x6c: {  	_ =	shalt  }
0x6d: {  	_ =	shalt  }
0x6e: {  	_ =	shalt  }
0x6f: {  	_ =	shalt  }
0x70: {  	_ =	shalt  }
0x71: {  	_ =	shalt  }
0x72: {  	_ =	shalt  }
0x73: {  	_ =	shalt  }
0x74: {  	_ =	shalt  }
0x75: {  	_ =	shalt  }
0x76: {  	_ =	shalt  }
0x77: {  	_ =	shalt  }
0x78: {  	_ =	shalt  }
0x79: {  	_ =	shalt  }
0x7a: {  	_ =	shalt  }
0x7b: {  	_ =	shalt  }
0x7c: {  	_ =	shalt  }
0x7d: {  	_ =	shalt  }
0x7e: {  	_ =	shalt  }
0x7f: {  	_ =	shalt  }
0x80: {  	_ =	shalt  }
0x81: {  	_ =	shalt  }
0x82: {  	_ =	shalt  }
0x83: {  	_ =	shalt  }
0x84: {  	_ =	shalt  }
0x85: {  	_ =	shalt  }
0x86: {  	_ =	shalt  }
0x87: {  	_ =	shalt  }
.Lfunc_end0:
.L_simem_size_0:
called_computation_lowered:
.L_overlay_start_0:
0x88: {  	s2 =	sld [smem:$0x3FD9]  }
0x89: {  	s3 =	sld [smem:$0x3FFE];
	_ =	sdelay $0x1  }
0x8a: {  	s1 =	srdreg.scid  }
0x8b: {  	s0 =	sand.u32 $0x1, s1  }
0x8c: {  	s16 =	sshll.u32 s0, $0xA;
	s2 =	sadd.s32 s3, s2  }
0x8d: {  	s2 =	sadd.s32 s2, s16  }
0x8e: {  	[smem:$0x3FB1] =	sst s2  }
0x8f: {  	_ = 	snop  }
0x90: {  	(tm) =	ssettm $0x1  }
0x91: {  	s17 =	sld [smem:$0x3FFB];
	_ =	sdelay $0x3  }
0x92: {  	_ =	strace s17  }
0x93: {  	s2 =	sld [smem:$0x3FFC];
	_ =	sdelay $0x3  }
0x94: {  	_ =	strace s2  }
0x95: {  	s2 =	sld [smem:$0x3FFD];
	_ =	sdelay $0x3  }
0x96: {  	_ =	strace s2  }
0x97: {  	_ =	strace $0x8FFFFFFF  }
0x98: {  	s18 =	sld [smem:$0x3FDB];
	_ =	sdelay $0x1  }
0x99: {  	s19 =	simm.s32 $_scs_section_size  }
0x9a: {  	s4 =	simm.s32 $_size__tile_overlayer_lowered;
	s5 =	simm.s32 $_tile_overlayer_lowered  }
0x9b: {  	s22 =	simm.s32 $0x1BFF;
	s21 =	sshll.u32 s5, $0x1;
	s2 =	sadd.s32 s19, s18  }
0x9c: {  	s6 =	simm.s32 $0x0;
	s20 =	sshll.u32 s4, $0x1;
	s4 =	sadd.s32 s21, s2  }
0x9d: {  	[timem:s6], [sflag:s22] =	dma.local [hbm:s4], s20  }
0x9e: {  	_ =	swait.ge [sflag:s22], s20  }
0x9f: {  	s3 =	ssub.s32 $0x0, s20;
	[sflag:s22] =	ssyncset.done $0x0  }
0xa0: {  	[sflag:s22] =	ssyncadd.s32 s3;
	_ =	sdelay $0x1  }
0xa1: {  	s23 =	simm.s32 $0x1B8B  }
0xa2: {  	_ =	swait.ge [sflag:s23], $0x1  }
0xa3: {  	[sflag:s23] =	ssyncset.done $0x0  }
0xa4: {  	s25 =	simm.s32 $0x1B8E;
	s24 =	sld [smem:$0x3FFE];
	[sflag:s23] =	ssyncadd.s32 $0xFFFFFFFF  }
0xa5: {  	s26 =	simm.s32 $execute0_lowered;
	[smem:$0x3FD2] =	sst s25  }
0xa6: {  	s4 =	sshll.u32 s26, $0x1;
	_ =	strace $0x80000046;
	[dreg:$0x1] =	wrdreg $0xFFFFFFFF  }
0xa7: {  	s28 =	simm.s32 $_size_execute0_lowered;
	s2 =	sadd.s32 s2, s4;
	[dreg:$0x0] =	wrdreg $0x0  }
0xa8: {  	s4 =	sshll.u32 s28, $0x1;
	[dreg:$0x2] =	wrdreg s2  }
0xa9: {  	[dreg:$0x3] =	wrdreg s4  }
0xaa: {  	[dreg:$0x4] =	wrdreg $0xC0  }
0xab: {  	_ =	task [dreg:s6], $0x5FFFF  }
0xac: {  	[dreg:$0x1] =	wrdreg $0xFFFFFFFF  }
0xad: {  	[dreg:$0x0] =	wrdreg $0x60  }
0xae: {  	[dreg:$0x2] =	wrdreg s24  }
0xaf: {  	[dreg:$0x3] =	wrdreg $0x2F800  }
0xb0: {  	[dreg:$0x4] =	wrdreg $0x9  }
0xb1: {  	_ =	task.clear_ibuf [dreg:s6], $0x5FFFF;
	_ =	strace $0x90000046  }
0xb2: {  	s29 =	simm.s32 $0x9;
	_ =	strace $0x80000048  }
0xb3: {  	_ =	swait.ge [sflag:s29], $0x1  }
0xb4: {  	[sflag:s29] =	ssyncadd.s32 $0xFFFFFFFF  }
0xb5: {  	_ =	strace $0x90000048  }
0xb6: {  	_ =	sfence  }
0xb7: {  	s30 =	sld [smem:$0x0];
	_ =	sdelay $0x2  }
0xb8: {  	s31 =	sshll.u32 s1, $0xD;
	s1 =	sshrl.u32 s1, $0x2  }
0xb9: {  	s3 =	sand.u32 $0x4000, s31;
	s1 =	sadd.s32 s1, s30  }
0xba: {  	s0 =	sor.u32 s3, s0;
	s1 =	sshll.u32 s1, $0x11  }
0xbb: {  	s0 =	sor.u32 s1, s0  }
0xbc: {  	s0 =	sadd.s32 $0x8F2B, s0  }
0xbd: {  	[sflag:s0] =	ssyncadd.remote.s32 $0x1  }
0xbe: {  	_ =	sfence.sel $0xFFFF  }
0xbf: {  	[dreg:$0x0] =	wrdreg $0xFFFFFFFF;
	(pc) =	sbr.abs _section_cstart, $3  }
0xc0: {  	[dreg:$0x1] =	wrdreg $0xFFFFFFFF  }
0xc1: {  	_ =	task.clear_ibuf [dreg:s6], $0x2FFFF;
	_ =	strace $0x9FFFFFFF  }
0xc2: {  	(tm) =	ssettm $0x7FFFFFFF  }
0xc3: {  	_ =	shalt  }
tec
execute0_lowered:
.L_overlay_start_1:
0x0: {  	(tag) =	ssettag $0x1  }
0x1: {  	s1 =	srdreg.scid;
	s6 =	rddreg [dreg:$0x0]  }
0x2: {  	s0 =	stileid.u32;
	s2 =	rddreg [dreg:$0x1]  }
0x3: {  	s14 =	simm.s32 $0x1;
	s15 =	simm.s32 $0x80;
	s17 =	simm.s32 $0x2  }
0x4: {  	s18 =	simm.s32 $0x0;
	s5 =	sand.u32 $0x1, s1;
	s28 =	sshll.u32 s0, $0x1  }
0x5: {  	s1 =	rddreg [dreg:$0x2];
	s8 =	smul.u32 $0x2780, s0;
	p0 =	slt.u32 s0, $0x2  }
0x6: {  	s16 =	sshll.u32 s0, $0x6;
	s3 =	sor.u32 s5, s28;
	s29 =	smul.u32 $0x27800, s5  }
0x7: {  	s30 =	ssub.s32 $0x2, s5;
	s5 =	simm.s32 $0x4F;
	s4 =	smul.u32 $0x4E, s3  }
0x8: {  	s7 =	smin.u32 s3, $0x4;
	s3 =	simm.s32 $0x0;
	s10 =	sshrl.u32 s8, $0x3  }
0x9: {  	s31 =	sshrl.u32 s30, $0x1;
	s5 =	simm.s32 @!p0 $0x4E;
	s13 =	sadd.s32 s8, s2  }
0xa: {  	p0 =	sgt.u32 s0, $0x1;
	[smem:$0x7FF] =	sst s3;
	s10 =	sadd.s32 s10, s6  }
0xb: {  	s12 =	ssub.s32 s30, s31;
	s4 =	sadd.s32 s7, s4;
	s7 =	sadd.s32 s8, s29  }
0xc: {  	_ =	strace $0x80000047;
	s4 =	sshll.u32 s4, $0x4;
	s7 =	sshrl.u32 s7, $0x3  }
0xd: {  	s9 =	sadd.s32 s4, s6;
	s4 =	sadd.s32 $0x1D000, s6;
	s11 =	sadd.s32 s7, s6  }
0xe: {  	s6 =	sadd.s32 $0x18000, s10;
	s7 =	sor.u32 $0x1C01, s16;
	s16 =	sor.u32 $0x1C02, s16  }
0xf: {  	s8 =	sadd.s32 $0xE240, s9;
	s9 =	sadd.s32 $0xE720, s9;
	s10 =	sadd.s32 $0x1D200, s11  }
0x10: {  	s11 =	smax.u32 s12, $0x1;
	s12 =	sshrl.u32 s13, $0x3;
	s13 =	simm.s32 $0x2780  }
.LBB2_1:
0x11: {  	[spmem:s12], [sflag:s7] =	dma.local [hbm:s6], $0x4F0  }
0x12: {  	[tilespmem:s3], [sflag:$0x1] =	stream.linear.gather [hbm4b:s8+s3], $0x2700, $0x38;
	[tilespmem:$0x5700] =	vst v63  }
0x13: {  	s19 =	simm.s32 @!p0 $0x0;
	s20 =	simm.s32 @!p0 $0x2700  }
0x14: {  	[tilespmem:s20], [sflag:$0x2] =	stream.linear.gather @!p0 [hbm4b:s9+s19], $0x80, $0x38;
	[tilespmem:$0x5700] =	vst v63  }
0x15: {  	s19 =	simm.s32 @!p0 $0x2  }
0x16: {  	_ =	swait.ge @!p0 [sflag:s19], $0x80  }
0x17: {  	[sflag:s19] =	ssyncset.done @!p0 $0x0  }
0x18: {  	[sflag:s19] =	ssyncadd.s32 @!p0 $0xFFFFFF80  }
0x19: {  	[tilespmem:s13], [sflag:$0x1] =	stream.linear.gather [hbm4b:s4+s3], $0x800, $0x38;
	[tilespmem:$0x5700] =	vst v63  }
0x1a: {  	_ =	swait.ge [sflag:s14], $0x4F0  }
0x1b: {  	[sflag:s14] =	ssyncset.done $0x0  }
0x1c: {  	[sflag:s14] =	ssyncadd.s32 $0xFFFFFB10  }
0x1d: {  	_ =	swait.ge [sflag:s14], $0x2700  }
0x1e: {  	[sflag:s14] =	ssyncset.done $0x0  }
0x1f: {  	[sflag:s14] =	ssyncadd.s32 $0xFFFFD900  }
0x20: {  	_ =	swait.ge [sflag:s14], $0x800  }
0x21: {  	p2 =	sne.s32 s5, $0x1;
	[sflag:s14] =	ssyncset.done $0x0  }
.Ltmp0:
0x22: {  	p1 =	por $0x1, $0x1;
	[sflag:s14] =	ssyncadd.s32 $0xFFFFF800;
	(pc) =	sbr.rel @!p2 .LBB2_3-.Ltmp0, $4  }
0x23: {  	s20 =	simm.s32 @!p1 $0x1;
	[bflag:$0x0] =	sbarrier.arrive $0xFFFF  }
0x24: {  	_ =	swait.ge @!p1 [sflag:s20], $0x800  }
0x25: {  	s21 =	simm.s32 $0x0;
	[sflag:s20] =	ssyncset.done @!p1 $0x0  }
0x26: {  	s19 =	simm.s32 $0x1;
	[sflag:s20] =	ssyncadd.s32 @!p1 $0xFFFFF800;
	s20 =	simm.s32 $0x80  }
.LBB2_2:
0x27: {  	[spmem:s2] =	stream.indirect.scatter.add.f32 [tilespmem:s13], [sflag:$0x1], $0x10, s21, s15, $0xb8;
	[tilespmem:$0x5700] =	vst v63  }
0x28: {  	p1 =	slt.u32 s19, $0x10;
	s19 =	sadd.s32 $0x1, s19  }
0x29: {  	p2 =	sne.s32 s5, s19  }
.Ltmp1:
0x2a: {  	(pc) =	sbr.rel @p2 .LBB2_2-.Ltmp1, $4  }
0x2b: {  	s21 =	smov.u32 s20;
	s22 =	simm.s32 @!p1 $0x1  }
0x2c: {  	_ =	swait.ge @!p1 [sflag:s22], $0x800  }
0x2d: {  	[sflag:s22] =	ssyncset.done @!p1 $0x0  }
0x2e: {  	s20 =	sadd.s32 $0x80, s20;
	[sflag:s22] =	ssyncadd.s32 @!p1 $0xFFFFF800  }
.LBB2_3:
0x2f: {  	[spmem:s2] =	stream.indirect.scatter.add.f32 [tilespmem:s13], [sflag:$0x1], $0x10, s21, s15, $0xb8;
	[tilespmem:$0x5700] =	vst v63  }
0x30: {  	_ =	swait.ge [sflag:s14], $0x800  }
0x31: {  	[sflag:s14] =	ssyncset.done $0x0  }
0x32: {  	[sflag:s14] =	ssyncadd.s32 $0xFFFFF800  }
0x33: {  	_ =	swait.ge [sflag:s14], $0x800  }
0x34: {  	[sflag:s14] =	ssyncset.done $0x0  }
0x35: {  	[sflag:s14] =	ssyncadd.s32 $0xFFFFF800  }
0x36: {  	_ =	swait.ge [sflag:s14], $0x800  }
0x37: {  	[sflag:s14] =	ssyncset.done $0x0  }
0x38: {  	[sflag:s14] =	ssyncadd.s32 $0xFFFFF800  }
0x39: {  	_ =	swait.ge [sflag:s14], $0x800  }
0x3a: {  	[sflag:s14] =	ssyncset.done $0x0  }
0x3b: {  	[sflag:s14] =	ssyncadd.s32 $0xFFFFF800  }
0x3c: {  	_ =	swait.ge [sflag:s14], $0x800  }
0x3d: {  	[sflag:s14] =	ssyncset.done $0x0  }
0x3e: {  	[sflag:s14] =	ssyncadd.s32 $0xFFFFF800  }
0x3f: {  	_ =	swait.ge [sflag:s14], $0x800  }
0x40: {  	[sflag:s14] =	ssyncset.done $0x0  }
0x41: {  	[sflag:s14] =	ssyncadd.s32 $0xFFFFF800  }
0x42: {  	_ =	swait.ge [sflag:s14], $0x800  }
0x43: {  	[sflag:s14] =	ssyncset.done $0x0  }
0x44: {  	[sflag:s14] =	ssyncadd.s32 $0xFFFFF800  }
0x45: {  	_ =	swait.ge [sflag:s14], $0x800  }
0x46: {  	[sflag:s14] =	ssyncset.done $0x0  }
0x47: {  	[sflag:s14] =	ssyncadd.s32 $0xFFFFF800  }
0x48: {  	_ =	swait.ge [sflag:s14], $0x800  }
0x49: {  	[sflag:s14] =	ssyncset.done $0x0  }
0x4a: {  	[sflag:s14] =	ssyncadd.s32 $0xFFFFF800  }
0x4b: {  	_ =	swait.ge [sflag:s14], $0x800  }
0x4c: {  	[sflag:s14] =	ssyncset.done $0x0  }
0x4d: {  	[sflag:s14] =	ssyncadd.s32 $0xFFFFF800  }
0x4e: {  	_ =	swait.ge [sflag:s14], $0x800  }
0x4f: {  	[sflag:s14] =	ssyncset.done $0x0  }
0x50: {  	[sflag:s14] =	ssyncadd.s32 $0xFFFFF800  }
0x51: {  	_ =	swait.ge [sflag:s14], $0x800  }
0x52: {  	[sflag:s14] =	ssyncset.done $0x0  }
0x53: {  	[sflag:s14] =	ssyncadd.s32 $0xFFFFF800  }
0x54: {  	_ =	swait.ge [sflag:s14], $0x800  }
0x55: {  	[sflag:s14] =	ssyncset.done $0x0  }
0x56: {  	[sflag:s14] =	ssyncadd.s32 $0xFFFFF800  }
0x57: {  	_ =	swait.ge [sflag:s14], $0x800  }
0x58: {  	[sflag:s14] =	ssyncset.done $0x0  }
0x59: {  	[sflag:s14] =	ssyncadd.s32 $0xFFFFF800  }
0x5a: {  	_ =	swait.ge [sflag:s14], $0x800  }
0x5b: {  	[sflag:s14] =	ssyncset.done $0x0  }
0x5c: {  	[sflag:s14] =	ssyncadd.s32 $0xFFFFF800  }
0x5d: {  	_ =	swait.ge [sflag:s14], $0x800  }
0x5e: {  	s18 =	sadd.s32 $0x1, s18;
	[sflag:s14] =	ssyncset.done $0x0  }
0x5f: {  	p1 =	sne.s32 s18, s11;
	[sflag:s14] =	ssyncadd.s32 $0xFFFFF800  }
.Ltmp2:
0x60: {  	[bflag:$0x0] =	sbarrier.arrive $0xFFFF;
	(pc) =	sbr.rel @p1 .LBB2_1-.Ltmp2, $4  }
0x61: {  	[hbm:s10], [sflag:s16] =	dma.local [spmem:s12], $0x4F0  }
0x62: {  	_ =	swait.ge [sflag:s17], $0x4F0  }
0x63: {  	[sflag:s17] =	ssyncset.done $0x0  }
0x64: {  	[sflag:s17] =	ssyncadd.s32 $0xFFFFFB10  }
0x65: {  	_ =	sfence.sel $0x180000  }
0x66: {  	[bflag:$0x0] =	sbarrier.arrive $0xFFFF  }
0x67: {  	p0 =	sne.s32 s0, $0x0;
	_ =	strace $0x90000047  }
0x68: {  	s0 =	sadd.s32 @!p0 $0x100000, s1;
	[bflag:$0x2] =	sbarrier.arrive $0xFFFF  }
0x69: {  	[sflag:s0] =	ssyncadd.tile.s32 @!p0 $0x1;
	_ =	shalt  }
.Lfunc_end2:
_tile_overlayer_lowered:
.L_overlay_start_2:
0x6a: {  	(tag) =	ssettag $0x2  }
0x6b: {  	s0 =	rddreg [dreg:$0x0];
	s2 =	stileid.u32  }
0x6c: {  	s1 =	rddreg [dreg:$0x1];
	p0 =	sne.s32 s2, $0x0  }
0x6d: {  	s3 =	rddreg [dreg:$0x2];
	[bflag:$0x3] =	sbarrier.arrive $0xFFFF;
	s2 =	simm.s32 @!p0 $0x1C02  }
0x6e: {  	[timem:s3], [sflag:s2] =	dma.local @!p0 [hbm:s0], s1  }
0x6f: {  	s0 =	simm.s32 @!p0 $0x2  }
0x70: {  	_ =	swait.ge @!p0 [sflag:s0], s1  }
0x71: {  	s1 =	ssub.s32 @!p0 $0x0, s1;
	[sflag:s0] =	ssyncset.done @!p0 $0x0  }
0x72: {  	[sflag:s0] =	ssyncadd.s32 @!p0 s1  }
0x73: {  	[bflag:$0x3] =	sbarrier.arrive $0xFFFF  }
0x74: {  	_ =	shalt  }

</sc_bundles>
